<compile_context>
chip_gen: v7x
topology: tpu7x:2x2x1
jax: 0.10.2.dev20260603
libtpu: 0.0.44.dev20260713+nightly
codegen_flags: <defaults>
</compile_context>

<pallas_src>
import functools

import jax
import jax.numpy as jnp
from jax import lax
from jax.experimental import pallas as pl
from jax.experimental.pallas import tpu as pltpu
from jax.experimental.pallas import tpu_sc as plsc

B, L = 4096, 200
VOCAB, D, HIDDEN = 100000, 128, 64

_NC, _NS = 2, 16
_NW = _NC * _NS
_RPW = B // _NW
_NCHUNK = 2
_CH = L // _NCHUNK
_DV = D // 16


def _sc_gather_sum(x3, tok_emb):
    mesh = plsc.VectorSubcoreMesh(core_axis_name="c", subcore_axis_name="s")

    @functools.partial(
        pl.kernel,
        mesh=mesh,
        out_type=jax.ShapeDtypeStruct((B, D), jnp.float32),
        scratch_types=[
            pltpu.VMEM((_RPW, _NCHUNK, _CH), jnp.int32),
            pltpu.VMEM((_CH, D), jnp.float32),
            pltpu.VMEM((_CH, D), jnp.float32),
            pltpu.VMEM((_CH, D), jnp.float32),
            pltpu.VMEM((_CH, D), jnp.float32),
            pltpu.VMEM((_CH, D), jnp.float32),
            pltpu.VMEM((_CH, D), jnp.float32),
            pltpu.VMEM((_RPW, D), jnp.float32),
            pltpu.SemaphoreType.DMA,
            pltpu.SemaphoreType.DMA,
            pltpu.SemaphoreType.DMA,
            pltpu.SemaphoreType.DMA,
            pltpu.SemaphoreType.DMA,
            pltpu.SemaphoreType.DMA,
        ],
    )
    def k(x_hbm, tab_hbm, out_hbm, idx_v,
          buf0, buf1, buf2, buf3, buf4, buf5, out_v,
          sem0, sem1, sem2, sem3, sem4, sem5):
        wid = lax.axis_index("s") * _NC + lax.axis_index("c")
        base = wid * _RPW
        pltpu.sync_copy(x_hbm.at[pl.ds(base, _RPW)], idx_v)

        bufs = (buf0, buf1, buf2, buf3, buf4, buf5)
        sems = (sem0, sem1, sem2, sem3, sem4, sem5)

        def issue(r, c, buf, sem):
            pltpu.async_copy(tab_hbm.at[idx_v.at[r, c]], buf, sem)

        def drain(r, c, buf, sem):
            pltpu.make_async_copy(tab_hbm.at[idx_v.at[r, c]], buf, sem).wait()

        def accum_chunk(buf, accs):
            @plsc.parallel_loop(0, _CH // 2, unroll=4, carry=accs)
            def out(l, accs):
                res = []
                for j in range(_DV):
                    a = accs[j] + buf[2 * l, pl.ds(j * 16, 16)]
                    res.append(a + buf[2 * l + 1, pl.ds(j * 16, 16)])
                return tuple(res)
            return out

        for m in range(6):
            issue(m // 2, m % 2, bufs[m], sems[m])

        zero = tuple(jnp.zeros((16,), jnp.float32) for _ in range(_DV))

        def process_row(r, half, do_issue):
            accs = zero
            for c in range(_NCHUNK):
                m = 2 * half + c
                drain(r, c, bufs[m], sems[m])
                accs = accum_chunk(bufs[m], accs)
                if do_issue:
                    @pl.when(r + 3 < _RPW)
                    def _():
                        issue(r + 3, c, bufs[m], sems[m])
            for j in range(_DV):
                out_v[r, pl.ds(j * 16, 16)] = accs[j]

        _K = _RPW // 3

        def body(k3, carry):
            r0 = 3 * k3
            for half in range(3):
                process_row(r0 + half, half, True)
            return carry

        lax.fori_loop(0, _K, body, 0)
        process_row(3 * _K, 0, False)
        process_row(3 * _K + 1, 1, False)
        pltpu.sync_copy(out_v, out_hbm.at[pl.ds(base, _RPW)])

    return k(x3, tok_emb)


def _tc_head(x, sc_sum, tok0, pos_emb, ln_g, ln_b, W1, b1, W2, b2):
    def body(x_ref, s_ref, t0_ref, pos_ref, g_ref, bb_ref,
             w1_ref, b1_ref, w2_ref, b2_ref, o_ref):
        valid = (x_ref[...] != 0).astype(jnp.float32)
        cnt = jnp.sum(valid, axis=1, keepdims=True)
        pooled = (
            s_ref[...]
            - (jnp.float32(L) - cnt) * t0_ref[...]
            + jnp.dot(valid, pos_ref[...], preferred_element_type=jnp.float32)
        ) / jnp.maximum(cnt, 1.0)
        mu = jnp.mean(pooled, axis=1, keepdims=True)
        var = jnp.mean((pooled - mu) ** 2, axis=1, keepdims=True)
        hn = (pooled - mu) / jnp.sqrt(var + 1e-5) * g_ref[...] + bb_ref[...]
        z = jnp.dot(hn, w1_ref[...], preferred_element_type=jnp.float32) + b1_ref[...]
        z = 0.5 * z * (1.0 + lax.erf(z * jnp.float32(0.7071067811865476)))
        score = jnp.dot(z, w2_ref[...], preferred_element_type=jnp.float32) + b2_ref[...]
        o_ref[...] = score - jnp.mean(score)

    return pl.pallas_call(
        body,
        out_shape=jax.ShapeDtypeStruct((B, 1), jnp.float32),
    )(x, sc_sum, tok0, pos_emb, ln_g, ln_b, W1, b1, W2, b2)


def kernel(x, tok_emb, pos_emb, ln_g, ln_b, W1, b1, W2, b2):
    x3 = x.reshape(B, _NCHUNK, _CH)
    sc_sum = _sc_gather_sum(x3, tok_emb)
    score = _tc_head(
        x, sc_sum, tok_emb[0:1], pos_emb,
        ln_g.reshape(1, D), ln_b.reshape(1, D),
        W1, b1.reshape(1, HIDDEN), W2, b2.reshape(1, 1),
    )
    return score[:, 0]

# --- scband reference (transcript-rebuilt; emitter-appended) ---
"""Pipeline reference for scband-data-rater-24824910971264 (READ-ONLY COPY).

The authoritative reference and input builder live on the scoring server;
editing this copy changes nothing except your own understanding.
"""

import jax, jax.numpy as jnp
import numpy as np

B, L = 4096, 200
VOCAB, D, HIDDEN, MAXLEN = 100000, 128, 64, 200


def setup_inputs(seed: int = 0) -> dict:
    key = jax.random.key(seed)
    ks = jax.random.split(key, 9)
    x = jax.random.randint(ks[0], (B, L), 0, VOCAB, dtype=jnp.int32)
    tok_emb = 0.02 * jax.random.normal(ks[1], (VOCAB, D), dtype=jnp.float32)
    pos_emb = 0.02 * jax.random.normal(ks[2], (MAXLEN, D), dtype=jnp.float32)
    ln_g = jnp.ones((D,), dtype=jnp.float32)
    ln_b = jnp.zeros((D,), dtype=jnp.float32)
    W1 = 0.02 * jax.random.normal(ks[3], (D, HIDDEN), dtype=jnp.float32)
    b1 = jnp.zeros((HIDDEN,), dtype=jnp.float32)
    W2 = 0.02 * jax.random.normal(ks[4], (HIDDEN, 1), dtype=jnp.float32)
    b2 = jnp.zeros((1,), dtype=jnp.float32)
    return {"x": x, "tok_emb": tok_emb, "pos_emb": pos_emb, "ln_g": ln_g, "ln_b": ln_b, "W1": W1, "b1": b1, "W2": W2, "b2": b2}


def reference(x, tok_emb, pos_emb, ln_g, ln_b, W1, b1, W2, b2):
    Lcur = x.shape[1]
    # embedding lookups (gather): token table + positional table
    h = jnp.take(tok_emb, x, axis=0) + pos_emb[:Lcur][None, :, :]
    # dropout p=0.0 -> identity (eval semantics)
    pad_mask = (x == 0)
    valid = (~pad_mask).astype(jnp.float32)
    denom = jnp.clip(jnp.sum(valid, axis=1, keepdims=True), 1.0, None)
    pooled = jnp.sum(h * valid[..., None], axis=1) / denom
    # LayerNorm (eps=1e-5)
    mu = jnp.mean(pooled, axis=-1, keepdims=True)
    var = jnp.mean((pooled - mu) ** 2, axis=-1, keepdims=True)
    hn = (pooled - mu) / jnp.sqrt(var + 1e-5) * ln_g + ln_b
    z = jax.nn.gelu(hn @ W1 + b1, approximate=False)
    score = (z @ W2 + b2)[:, 0]
    score = score - jnp.mean(score)
    temp = jnp.clip(jnp.exp(jnp.log(jnp.float32(1.0))), 0.01, 100.0)
    return score / temp

if __name__ == "__main__":
    import jax
    _d = setup_inputs()
    print(jax.jit(kernel)(*tuple(_d.values())))

</pallas_src>

<mosaic_0001>
#map = affine_map<(d0, d1) -> (0, 0, 0)>
#map1 = affine_map<(d0, d1) -> (0, 0)>
module attributes {stable_mosaic.version = 14 : i64} {
  func.func @k(%arg0: i32, %arg1: i32, %arg2: memref<4096x2x100xi32, #tpu.memory_space<hbm>>, %arg3: memref<100000x128xf32, #tpu.memory_space<hbm>>, %arg4: memref<4096x128xf32, #tpu.memory_space<hbm>>, %arg5: memref<128x2x100xi32, #tpu.memory_space<vmem>>, %arg6: memref<100x128xf32, #tpu.memory_space<vmem>>, %arg7: memref<100x128xf32, #tpu.memory_space<vmem>>, %arg8: memref<100x128xf32, #tpu.memory_space<vmem>>, %arg9: memref<100x128xf32, #tpu.memory_space<vmem>>, %arg10: memref<100x128xf32, #tpu.memory_space<vmem>>, %arg11: memref<100x128xf32, #tpu.memory_space<vmem>>, %arg12: memref<128x128xf32, #tpu.memory_space<vmem>>, %arg13: memref<!tpu.dma_semaphore, #tpu.memory_space<semaphore_mem>>, %arg14: memref<!tpu.dma_semaphore, #tpu.memory_space<semaphore_mem>>, %arg15: memref<!tpu.dma_semaphore, #tpu.memory_space<semaphore_mem>>, %arg16: memref<!tpu.dma_semaphore, #tpu.memory_space<semaphore_mem>>, %arg17: memref<!tpu.dma_semaphore, #tpu.memory_space<semaphore_mem>>, %arg18: memref<!tpu.dma_semaphore, #tpu.memory_space<semaphore_mem>>) attributes {dimension_semantics = [#tpu.dimension_semantics<core_parallel>, #tpu.dimension_semantics<subcore_parallel>], iteration_bounds = array<i64: 2, 16>, scalar_prefetch = 0 : i64, scratch_operands = 14 : i64, tpu.core_type = #tpu.core_type<sc_vector_subcore>, window_params = [{transform_indices = #map}, {transform_indices = #map1}, {transform_indices = #map1}]} {
    %mul3A = arith.constant 2 : i32
    %mul3A_0 = arith.muli %arg1, %mul3A : i32
    %add3A = arith.addi %mul3A_0, %arg0 : i32
    %mul3A_1 = arith.constant 128 : i32
    %mul3A_2 = arith.muli %add3A, %mul3A_1 : i32
    "tpu.region"() ({
      %run_scoped3A = tpu.sem_alloc : memref<!tpu.dma_semaphore, #tpu.memory_space<semaphore_mem>>
      %dma_start3A_211 = arith.constant 0 : i32
      %dma_start3A_212 = arith.constant 0 : i32
      %dma_start3A_213 = tpu.memref_slice %arg2[%mul3A_2, %dma_start3A_211, %dma_start3A_212] : memref<4096x2x100xi32, #tpu.memory_space<hbm>> -> memref<128x2x100xi32, #tpu.memory_space<hbm>>
      %dma_start3A_214 = arith.constant 0 : i32
      %dma_start3A_215 = arith.constant 0 : i32
      %dma_start3A_216 = tpu.memref_slice %arg2[%mul3A_2, %dma_start3A_214, %dma_start3A_215] : memref<4096x2x100xi32, #tpu.memory_space<hbm>> -> memref<128x2x100xi32, #tpu.memory_space<hbm>>
      tpu.enqueue_dma source(%dma_start3A_216 : memref<128x2x100xi32, #tpu.memory_space<hbm>>) target(%arg5 : memref<128x2x100xi32, #tpu.memory_space<vmem>>) target_semaphore(%run_scoped3A : memref<!tpu.dma_semaphore, #tpu.memory_space<semaphore_mem>>)
      %dma_wait3A_217 = arith.constant 0 : i32
      %dma_wait3A_218 = arith.constant 0 : i32
      %dma_wait3A_219 = tpu.memref_slice %arg2[%mul3A_2, %dma_wait3A_217, %dma_wait3A_218] : memref<4096x2x100xi32, #tpu.memory_space<hbm>> -> memref<128x2x100xi32, #tpu.memory_space<hbm>>
      %dma_wait3A_220 = arith.constant 0 : i32
      %dma_wait3A_221 = arith.constant 0 : i32
      %dma_wait3A_222 = tpu.memref_slice %arg2[%mul3A_2, %dma_wait3A_220, %dma_wait3A_221] : memref<4096x2x100xi32, #tpu.memory_space<hbm>> -> memref<128x2x100xi32, #tpu.memory_space<hbm>>
      tpu.wait_dma2 semaphore(%run_scoped3A : memref<!tpu.dma_semaphore, #tpu.memory_space<semaphore_mem>>) src(%dma_wait3A_222 : memref<128x2x100xi32, #tpu.memory_space<hbm>>) dst(%arg5 : memref<128x2x100xi32, #tpu.memory_space<vmem>>)
      tpu.yield
    }) : () -> ()
    %dma_start3A = arith.constant 0 : i32
    %dma_start3A_3 = arith.constant 0 : i32
    %dma_start3A_4 = arith.constant 0 : i32
    %dma_start3A_5 = tpu.memref_slice %arg5[%dma_start3A, %dma_start3A_3, %dma_start3A_4] : memref<128x2x100xi32, #tpu.memory_space<vmem>> -> memref<1x1x100xi32, #tpu.memory_space<vmem>>
    %dma_start3A_6 = tpu.memref_squeeze %dma_start3A_5 : memref<1x1x100xi32, #tpu.memory_space<vmem>> -> memref<100xi32, #tpu.memory_space<vmem>>
    %dma_start3A_7 = arith.constant 0 : i32
    %dma_start3A_8 = arith.constant 0 : i32
    %dma_start3A_9 = tpu.memref_slice %arg3[%dma_start3A_7, %dma_start3A_8] : memref<100000x128xf32, #tpu.memory_space<hbm>> -> memref<100000x128xf32, #tpu.memory_space<hbm>>
    tpu.enqueue_indirect_dma source(%dma_start3A_9 : memref<100000x128xf32, #tpu.memory_space<hbm>>) target(%arg6 : memref<100x128xf32, #tpu.memory_space<vmem>>) offsets(%dma_start3A_6 : memref<100xi32, #tpu.memory_space<vmem>>) semaphore(%arg13 : memref<!tpu.dma_semaphore, #tpu.memory_space<semaphore_mem>>)
    %dma_start3A_10 = arith.constant 0 : i32
    %dma_start3A_11 = arith.constant 1 : i32
    %dma_start3A_12 = arith.constant 0 : i32
    %dma_start3A_13 = tpu.memref_slice %arg5[%dma_start3A_10, %dma_start3A_11, %dma_start3A_12] : memref<128x2x100xi32, #tpu.memory_space<vmem>> -> memref<1x1x100xi32, #tpu.memory_space<vmem>>
    %dma_start3A_14 = tpu.memref_squeeze %dma_start3A_13 : memref<1x1x100xi32, #tpu.memory_space<vmem>> -> memref<100xi32, #tpu.memory_space<vmem>>
    %dma_start3A_15 = arith.constant 0 : i32
    %dma_start3A_16 = arith.constant 0 : i32
    %dma_start3A_17 = tpu.memref_slice %arg3[%dma_start3A_15, %dma_start3A_16] : memref<100000x128xf32, #tpu.memory_space<hbm>> -> memref<100000x128xf32, #tpu.memory_space<hbm>>
    tpu.enqueue_indirect_dma source(%dma_start3A_17 : memref<100000x128xf32, #tpu.memory_space<hbm>>) target(%arg7 : memref<100x128xf32, #tpu.memory_space<vmem>>) offsets(%dma_start3A_14 : memref<100xi32, #tpu.memory_space<vmem>>) semaphore(%arg14 : memref<!tpu.dma_semaphore, #tpu.memory_space<semaphore_mem>>)
    %dma_start3A_18 = arith.constant 1 : i32
    %dma_start3A_19 = arith.constant 0 : i32
    %dma_start3A_20 = arith.constant 0 : i32
    %dma_start3A_21 = tpu.memref_slice %arg5[%dma_start3A_18, %dma_start3A_19, %dma_start3A_20] : memref<128x2x100xi32, #tpu.memory_space<vmem>> -> memref<1x1x100xi32, #tpu.memory_space<vmem>>
    %dma_start3A_22 = tpu.memref_squeeze %dma_start3A_21 : memref<1x1x100xi32, #tpu.memory_space<vmem>> -> memref<100xi32, #tpu.memory_space<vmem>>
    %dma_start3A_23 = arith.constant 0 : i32
    %dma_start3A_24 = arith.constant 0 : i32
    %dma_start3A_25 = tpu.memref_slice %arg3[%dma_start3A_23, %dma_start3A_24] : memref<100000x128xf32, #tpu.memory_space<hbm>> -> memref<100000x128xf32, #tpu.memory_space<hbm>>
    tpu.enqueue_indirect_dma source(%dma_start3A_25 : memref<100000x128xf32, #tpu.memory_space<hbm>>) target(%arg8 : memref<100x128xf32, #tpu.memory_space<vmem>>) offsets(%dma_start3A_22 : memref<100xi32, #tpu.memory_space<vmem>>) semaphore(%arg15 : memref<!tpu.dma_semaphore, #tpu.memory_space<semaphore_mem>>)
    %dma_start3A_26 = arith.constant 1 : i32
    %dma_start3A_27 = arith.constant 1 : i32
    %dma_start3A_28 = arith.constant 0 : i32
    %dma_start3A_29 = tpu.memref_slice %arg5[%dma_start3A_26, %dma_start3A_27, %dma_start3A_28] : memref<128x2x100xi32, #tpu.memory_space<vmem>> -> memref<1x1x100xi32, #tpu.memory_space<vmem>>
    %dma_start3A_30 = tpu.memref_squeeze %dma_start3A_29 : memref<1x1x100xi32, #tpu.memory_space<vmem>> -> memref<100xi32, #tpu.memory_space<vmem>>
    %dma_start3A_31 = arith.constant 0 : i32
    %dma_start3A_32 = arith.constant 0 : i32
    %dma_start3A_33 = tpu.memref_slice %arg3[%dma_start3A_31, %dma_start3A_32] : memref<100000x128xf32, #tpu.memory_space<hbm>> -> memref<100000x128xf32, #tpu.memory_space<hbm>>
    tpu.enqueue_indirect_dma source(%dma_start3A_33 : memref<100000x128xf32, #tpu.memory_space<hbm>>) target(%arg9 : memref<100x128xf32, #tpu.memory_space<vmem>>) offsets(%dma_start3A_30 : memref<100xi32, #tpu.memory_space<vmem>>) semaphore(%arg16 : memref<!tpu.dma_semaphore, #tpu.memory_space<semaphore_mem>>)
    %dma_start3A_34 = arith.constant 2 : i32
    %dma_start3A_35 = arith.constant 0 : i32
    %dma_start3A_36 = arith.constant 0 : i32
    %dma_start3A_37 = tpu.memref_slice %arg5[%dma_start3A_34, %dma_start3A_35, %dma_start3A_36] : memref<128x2x100xi32, #tpu.memory_space<vmem>> -> memref<1x1x100xi32, #tpu.memory_space<vmem>>
    %dma_start3A_38 = tpu.memref_squeeze %dma_start3A_37 : memref<1x1x100xi32, #tpu.memory_space<vmem>> -> memref<100xi32, #tpu.memory_space<vmem>>
    %dma_start3A_39 = arith.constant 0 : i32
    %dma_start3A_40 = arith.constant 0 : i32
    %dma_start3A_41 = tpu.memref_slice %arg3[%dma_start3A_39, %dma_start3A_40] : memref<100000x128xf32, #tpu.memory_space<hbm>> -> memref<100000x128xf32, #tpu.memory_space<hbm>>
    tpu.enqueue_indirect_dma source(%dma_start3A_41 : memref<100000x128xf32, #tpu.memory_space<hbm>>) target(%arg10 : memref<100x128xf32, #tpu.memory_space<vmem>>) offsets(%dma_start3A_38 : memref<100xi32, #tpu.memory_space<vmem>>) semaphore(%arg17 : memref<!tpu.dma_semaphore, #tpu.memory_space<semaphore_mem>>)
    %dma_start3A_42 = arith.constant 2 : i32
    %dma_start3A_43 = arith.constant 1 : i32
    %dma_start3A_44 = arith.constant 0 : i32
    %dma_start3A_45 = tpu.memref_slice %arg5[%dma_start3A_42, %dma_start3A_43, %dma_start3A_44] : memref<128x2x100xi32, #tpu.memory_space<vmem>> -> memref<1x1x100xi32, #tpu.memory_space<vmem>>
    %dma_start3A_46 = tpu.memref_squeeze %dma_start3A_45 : memref<1x1x100xi32, #tpu.memory_space<vmem>> -> memref<100xi32, #tpu.memory_space<vmem>>
    %dma_start3A_47 = arith.constant 0 : i32
    %dma_start3A_48 = arith.constant 0 : i32
    %dma_start3A_49 = tpu.memref_slice %arg3[%dma_start3A_47, %dma_start3A_48] : memref<100000x128xf32, #tpu.memory_space<hbm>> -> memref<100000x128xf32, #tpu.memory_space<hbm>>
    tpu.enqueue_indirect_dma source(%dma_start3A_49 : memref<100000x128xf32, #tpu.memory_space<hbm>>) target(%arg11 : memref<100x128xf32, #tpu.memory_space<vmem>>) offsets(%dma_start3A_46 : memref<100xi32, #tpu.memory_space<vmem>>) semaphore(%arg18 : memref<!tpu.dma_semaphore, #tpu.memory_space<semaphore_mem>>)
    %broadcast_in_dim3A = arith.constant 0.000000e+00 : f32
    %broadcast_in_dim3A_50 = vector.broadcast %broadcast_in_dim3A : f32 to vector<16xf32>
    %broadcast_in_dim3A_51 = arith.constant 0.000000e+00 : f32
    %broadcast_in_dim3A_52 = vector.broadcast %broadcast_in_dim3A_51 : f32 to vector<16xf32>
    %broadcast_in_dim3A_53 = arith.constant 0.000000e+00 : f32
    %broadcast_in_dim3A_54 = vector.broadcast %broadcast_in_dim3A_53 : f32 to vector<16xf32>
    %broadcast_in_dim3A_55 = arith.constant 0.000000e+00 : f32
    %broadcast_in_dim3A_56 = vector.broadcast %broadcast_in_dim3A_55 : f32 to vector<16xf32>
    %broadcast_in_dim3A_57 = arith.constant 0.000000e+00 : f32
    %broadcast_in_dim3A_58 = vector.broadcast %broadcast_in_dim3A_57 : f32 to vector<16xf32>
    %broadcast_in_dim3A_59 = arith.constant 0.000000e+00 : f32
    %broadcast_in_dim3A_60 = vector.broadcast %broadcast_in_dim3A_59 : f32 to vector<16xf32>
    %broadcast_in_dim3A_61 = arith.constant 0.000000e+00 : f32
    %broadcast_in_dim3A_62 = vector.broadcast %broadcast_in_dim3A_61 : f32 to vector<16xf32>
    %broadcast_in_dim3A_63 = arith.constant 0.000000e+00 : f32
    %broadcast_in_dim3A_64 = vector.broadcast %broadcast_in_dim3A_63 : f32 to vector<16xf32>
    %scan3A = arith.constant 0 : i32
    %scan3A_65 = arith.constant 0 : i32
    %scan3A_66 = arith.constant 42 : i32
    %scan3A_67 = arith.addi %scan3A_65, %scan3A_66 : i32
    %scan3A_68 = arith.constant 1 : i32
    scf.for %scan3A_211 = %scan3A_65 to %scan3A_67 step %scan3A_68  : i32 {
      %mul3A_212 = arith.constant 3 : i32
      %mul3A_213 = arith.muli %mul3A_212, %scan3A_211 : i32
      %add3A_214 = arith.constant 0 : i32
      %add3A_215 = arith.addi %mul3A_213, %add3A_214 : i32
      %dma_wait3A_216 = arith.constant 0 : i32
      %dma_wait3A_217 = arith.constant 0 : i32
      %dma_wait3A_218 = tpu.memref_slice %arg5[%add3A_215, %dma_wait3A_216, %dma_wait3A_217] : memref<128x2x100xi32, #tpu.memory_space<vmem>> -> memref<1x1x100xi32, #tpu.memory_space<vmem>>
      %dma_wait3A_219 = tpu.memref_squeeze %dma_wait3A_218 : memref<1x1x100xi32, #tpu.memory_space<vmem>> -> memref<100xi32, #tpu.memory_space<vmem>>
      %dma_wait3A_220 = arith.constant 0 : i32
      %dma_wait3A_221 = arith.constant 0 : i32
      %dma_wait3A_222 = tpu.memref_slice %arg3[%dma_wait3A_220, %dma_wait3A_221] : memref<100000x128xf32, #tpu.memory_space<hbm>> -> memref<100000x128xf32, #tpu.memory_space<hbm>>
      tpu.wait_indirect_dma semaphore(%arg13 : memref<!tpu.dma_semaphore, #tpu.memory_space<semaphore_mem>>) src(%dma_wait3A_222 : memref<100000x128xf32, #tpu.memory_space<hbm>>) dst(%arg6 : memref<100x128xf32, #tpu.memory_space<vmem>>)
      %parallel_loop3A_223 = arith.constant 0 : i32
      %parallel_loop3A_224 = arith.constant 50 : i32
      %parallel_loop3A_225 = arith.constant 1 : i32
      %parallel_loop3A_226:8 = scf.for %parallel_loop3A_445 = %parallel_loop3A_223 to %parallel_loop3A_224 step %parallel_loop3A_225 iter_args(%parallel_loop3A_446 = %broadcast_in_dim3A_50, %parallel_loop3A_447 = %broadcast_in_dim3A_52, %parallel_loop3A_448 = %broadcast_in_dim3A_54, %parallel_loop3A_449 = %broadcast_in_dim3A_56, %parallel_loop3A_450 = %broadcast_in_dim3A_58, %parallel_loop3A_451 = %broadcast_in_dim3A_60, %parallel_loop3A_452 = %broadcast_in_dim3A_62, %parallel_loop3A_453 = %broadcast_in_dim3A_64) -> (vector<16xf32>, vector<16xf32>, vector<16xf32>, vector<16xf32>, vector<16xf32>, vector<16xf32>, vector<16xf32>, vector<16xf32>)  : i32 {
        %parallel_loop3A_454 = arith.constant 2 : i32
        %parallel_loop3A_455 = arith.muli %parallel_loop3A_454, %parallel_loop3A_445 : i32
        %parallel_loop3A_456 = arith.index_cast %parallel_loop3A_455 : i32 to index
        %parallel_loop3A_457 = arith.constant 0 : index
        %parallel_loop3A_458 = tpu.vector_load %arg6[%parallel_loop3A_456, %parallel_loop3A_457] {strides = array<i32>} : memref<100x128xf32, #tpu.memory_space<vmem>>, vector<1x16xf32>,
        %parallel_loop3A_459 = vector.shape_cast %parallel_loop3A_458 : vector<1x16xf32> to vector<16xf32>
        %parallel_loop3A_460 = arith.addf %parallel_loop3A_446, %parallel_loop3A_459 : vector<16xf32>
        %parallel_loop3A_461 = arith.constant 2 : i32
        %parallel_loop3A_462 = arith.muli %parallel_loop3A_461, %parallel_loop3A_445 : i32
        %parallel_loop3A_463 = arith.constant 1 : i32
        %parallel_loop3A_464 = arith.addi %parallel_loop3A_462, %parallel_loop3A_463 : i32
        %parallel_loop3A_465 = arith.index_cast %parallel_loop3A_464 : i32 to index
        %parallel_loop3A_466 = arith.constant 0 : index
        %parallel_loop3A_467 = tpu.vector_load %arg6[%parallel_loop3A_465, %parallel_loop3A_466] {strides = array<i32>} : memref<100x128xf32, #tpu.memory_space<vmem>>, vector<1x16xf32>,
        %parallel_loop3A_468 = vector.shape_cast %parallel_loop3A_467 : vector<1x16xf32> to vector<16xf32>
        %parallel_loop3A_469 = arith.addf %parallel_loop3A_460, %parallel_loop3A_468 : vector<16xf32>
        %parallel_loop3A_470 = arith.constant 2 : i32
        %parallel_loop3A_471 = arith.muli %parallel_loop3A_470, %parallel_loop3A_445 : i32
        %parallel_loop3A_472 = arith.index_cast %parallel_loop3A_471 : i32 to index
        %parallel_loop3A_473 = arith.constant 16 : index
        %parallel_loop3A_474 = tpu.vector_load %arg6[%parallel_loop3A_472, %parallel_loop3A_473] {strides = array<i32>} : memref<100x128xf32, #tpu.memory_space<vmem>>, vector<1x16xf32>,
        %parallel_loop3A_475 = vector.shape_cast %parallel_loop3A_474 : vector<1x16xf32> to vector<16xf32>
        %parallel_loop3A_476 = arith.addf %parallel_loop3A_447, %parallel_loop3A_475 : vector<16xf32>
        %parallel_loop3A_477 = arith.constant 2 : i32
        %parallel_loop3A_478 = arith.muli %parallel_loop3A_477, %parallel_loop3A_445 : i32
        %parallel_loop3A_479 = arith.constant 1 : i32
        %parallel_loop3A_480 = arith.addi %parallel_loop3A_478, %parallel_loop3A_479 : i32
        %parallel_loop3A_481 = arith.index_cast %parallel_loop3A_480 : i32 to index
        %parallel_loop3A_482 = arith.constant 16 : index
        %parallel_loop3A_483 = tpu.vector_load %arg6[%parallel_loop3A_481, %parallel_loop3A_482] {strides = array<i32>} : memref<100x128xf32, #tpu.memory_space<vmem>>, vector<1x16xf32>,
        %parallel_loop3A_484 = vector.shape_cast %parallel_loop3A_483 : vector<1x16xf32> to vector<16xf32>
        %parallel_loop3A_485 = arith.addf %parallel_loop3A_476, %parallel_loop3A_484 : vector<16xf32>
        %parallel_loop3A_486 = arith.constant 2 : i32
        %parallel_loop3A_487 = arith.muli %parallel_loop3A_486, %parallel_loop3A_445 : i32
        %parallel_loop3A_488 = arith.index_cast %parallel_loop3A_487 : i32 to index
        %parallel_loop3A_489 = arith.constant 32 : index
        %parallel_loop3A_490 = tpu.vector_load %arg6[%parallel_loop3A_488, %parallel_loop3A_489] {strides = array<i32>} : memref<100x128xf32, #tpu.memory_space<vmem>>, vector<1x16xf32>,
        %parallel_loop3A_491 = vector.shape_cast %parallel_loop3A_490 : vector<1x16xf32> to vector<16xf32>
        %parallel_loop3A_492 = arith.addf %parallel_loop3A_448, %parallel_loop3A_491 : vector<16xf32>
        %parallel_loop3A_493 = arith.constant 2 : i32
        %parallel_loop3A_494 = arith.muli %parallel_loop3A_493, %parallel_loop3A_445 : i32
        %parallel_loop3A_495 = arith.constant 1 : i32
        %parallel_loop3A_496 = arith.addi %parallel_loop3A_494, %parallel_loop3A_495 : i32
        %parallel_loop3A_497 = arith.index_cast %parallel_loop3A_496 : i32 to index
        %parallel_loop3A_498 = arith.constant 32 : index
        %parallel_loop3A_499 = tpu.vector_load %arg6[%parallel_loop3A_497, %parallel_loop3A_498] {strides = array<i32>} : memref<100x128xf32, #tpu.memory_space<vmem>>, vector<1x16xf32>,
        %parallel_loop3A_500 = vector.shape_cast %parallel_loop3A_499 : vector<1x16xf32> to vector<16xf32>
        %parallel_loop3A_501 = arith.addf %parallel_loop3A_492, %parallel_loop3A_500 : vector<16xf32>
        %parallel_loop3A_502 = arith.constant 2 : i32
        %parallel_loop3A_503 = arith.muli %parallel_loop3A_502, %parallel_loop3A_445 : i32
        %parallel_loop3A_504 = arith.index_cast %parallel_loop3A_503 : i32 to index
        %parallel_loop3A_505 = arith.constant 48 : index
        %parallel_loop3A_506 = tpu.vector_load %arg6[%parallel_loop3A_504, %parallel_loop3A_505] {strides = array<i32>} : memref<100x128xf32, #tpu.memory_space<vmem>>, vector<1x16xf32>,
        %parallel_loop3A_507 = vector.shape_cast %parallel_loop3A_506 : vector<1x16xf32> to vector<16xf32>
        %parallel_loop3A_508 = arith.addf %parallel_loop3A_449, %parallel_loop3A_507 : vector<16xf32>
        %parallel_loop3A_509 = arith.constant 2 : i32
        %parallel_loop3A_510 = arith.muli %parallel_loop3A_509, %parallel_loop3A_445 : i32
        %parallel_loop3A_511 = arith.constant 1 : i32
        %parallel_loop3A_512 = arith.addi %parallel_loop3A_510, %parallel_loop3A_511 : i32
        %parallel_loop3A_513 = arith.index_cast %parallel_loop3A_512 : i32 to index
        %parallel_loop3A_514 = arith.constant 48 : index
        %parallel_loop3A_515 = tpu.vector_load %arg6[%parallel_loop3A_513, %parallel_loop3A_514] {strides = array<i32>} : memref<100x128xf32, #tpu.memory_space<vmem>>, vector<1x16xf32>,
        %parallel_loop3A_516 = vector.shape_cast %parallel_loop3A_515 : vector<1x16xf32> to vector<16xf32>
        %parallel_loop3A_517 = arith.addf %parallel_loop3A_508, %parallel_loop3A_516 : vector<16xf32>
        %parallel_loop3A_518 = arith.constant 2 : i32
        %parallel_loop3A_519 = arith.muli %parallel_loop3A_518, %parallel_loop3A_445 : i32
        %parallel_loop3A_520 = arith.index_cast %parallel_loop3A_519 : i32 to index
        %parallel_loop3A_521 = arith.constant 64 : index
        %parallel_loop3A_522 = tpu.vector_load %arg6[%parallel_loop3A_520, %parallel_loop3A_521] {strides = array<i32>} : memref<100x128xf32, #tpu.memory_space<vmem>>, vector<1x16xf32>,
        %parallel_loop3A_523 = vector.shape_cast %parallel_loop3A_522 : vector<1x16xf32> to vector<16xf32>
        %parallel_loop3A_524 = arith.addf %parallel_loop3A_450, %parallel_loop3A_523 : vector<16xf32>
        %parallel_loop3A_525 = arith.constant 2 : i32
        %parallel_loop3A_526 = arith.muli %parallel_loop3A_525, %parallel_loop3A_445 : i32
        %parallel_loop3A_527 = arith.constant 1 : i32
        %parallel_loop3A_528 = arith.addi %parallel_loop3A_526, %parallel_loop3A_527 : i32
        %parallel_loop3A_529 = arith.index_cast %parallel_loop3A_528 : i32 to index
        %parallel_loop3A_530 = arith.constant 64 : index
        %parallel_loop3A_531 = tpu.vector_load %arg6[%parallel_loop3A_529, %parallel_loop3A_530] {strides = array<i32>} : memref<100x128xf32, #tpu.memory_space<vmem>>, vector<1x16xf32>,
        %parallel_loop3A_532 = vector.shape_cast %parallel_loop3A_531 : vector<1x16xf32> to vector<16xf32>
        %parallel_loop3A_533 = arith.addf %parallel_loop3A_524, %parallel_loop3A_532 : vector<16xf32>
        %parallel_loop3A_534 = arith.constant 2 : i32
        %parallel_loop3A_535 = arith.muli %parallel_loop3A_534, %parallel_loop3A_445 : i32
        %parallel_loop3A_536 = arith.index_cast %parallel_loop3A_535 : i32 to index
        %parallel_loop3A_537 = arith.constant 80 : index
        %parallel_loop3A_538 = tpu.vector_load %arg6[%parallel_loop3A_536, %parallel_loop3A_537] {strides = array<i32>} : memref<100x128xf32, #tpu.memory_space<vmem>>, vector<1x16xf32>,
        %parallel_loop3A_539 = vector.shape_cast %parallel_loop3A_538 : vector<1x16xf32> to vector<16xf32>
        %parallel_loop3A_540 = arith.addf %parallel_loop3A_451, %parallel_loop3A_539 : vector<16xf32>
        %parallel_loop3A_541 = arith.constant 2 : i32
        %parallel_loop3A_542 = arith.muli %parallel_loop3A_541, %parallel_loop3A_445 : i32
        %parallel_loop3A_543 = arith.constant 1 : i32
        %parallel_loop3A_544 = arith.addi %parallel_loop3A_542, %parallel_loop3A_543 : i32
        %parallel_loop3A_545 = arith.index_cast %parallel_loop3A_544 : i32 to index
        %parallel_loop3A_546 = arith.constant 80 : index
        %parallel_loop3A_547 = tpu.vector_load %arg6[%parallel_loop3A_545, %parallel_loop3A_546] {strides = array<i32>} : memref<100x128xf32, #tpu.memory_space<vmem>>, vector<1x16xf32>,
        %parallel_loop3A_548 = vector.shape_cast %parallel_loop3A_547 : vector<1x16xf32> to vector<16xf32>
        %parallel_loop3A_549 = arith.addf %parallel_loop3A_540, %parallel_loop3A_548 : vector<16xf32>
        %parallel_loop3A_550 = arith.constant 2 : i32
        %parallel_loop3A_551 = arith.muli %parallel_loop3A_550, %parallel_loop3A_445 : i32
        %parallel_loop3A_552 = arith.index_cast %parallel_loop3A_551 : i32 to index
        %parallel_loop3A_553 = arith.constant 96 : index
        %parallel_loop3A_554 = tpu.vector_load %arg6[%parallel_loop3A_552, %parallel_loop3A_553] {strides = array<i32>} : memref<100x128xf32, #tpu.memory_space<vmem>>, vector<1x16xf32>,
        %parallel_loop3A_555 = vector.shape_cast %parallel_loop3A_554 : vector<1x16xf32> to vector<16xf32>
        %parallel_loop3A_556 = arith.addf %parallel_loop3A_452, %parallel_loop3A_555 : vector<16xf32>
        %parallel_loop3A_557 = arith.constant 2 : i32
        %parallel_loop3A_558 = arith.muli %parallel_loop3A_557, %parallel_loop3A_445 : i32
        %parallel_loop3A_559 = arith.constant 1 : i32
        %parallel_loop3A_560 = arith.addi %parallel_loop3A_558, %parallel_loop3A_559 : i32
        %parallel_loop3A_561 = arith.index_cast %parallel_loop3A_560 : i32 to index
        %parallel_loop3A_562 = arith.constant 96 : index
        %parallel_loop3A_563 = tpu.vector_load %arg6[%parallel_loop3A_561, %parallel_loop3A_562] {strides = array<i32>} : memref<100x128xf32, #tpu.memory_space<vmem>>, vector<1x16xf32>,
        %parallel_loop3A_564 = vector.shape_cast %parallel_loop3A_563 : vector<1x16xf32> to vector<16xf32>
        %parallel_loop3A_565 = arith.addf %parallel_loop3A_556, %parallel_loop3A_564 : vector<16xf32>
        %parallel_loop3A_566 = arith.constant 2 : i32
        %parallel_loop3A_567 = arith.muli %parallel_loop3A_566, %parallel_loop3A_445 : i32
        %parallel_loop3A_568 = arith.index_cast %parallel_loop3A_567 : i32 to index
        %parallel_loop3A_569 = arith.constant 112 : index
        %parallel_loop3A_570 = tpu.vector_load %arg6[%parallel_loop3A_568, %parallel_loop3A_569] {strides = array<i32>} : memref<100x128xf32, #tpu.memory_space<vmem>>, vector<1x16xf32>,
        %parallel_loop3A_571 = vector.shape_cast %parallel_loop3A_570 : vector<1x16xf32> to vector<16xf32>
        %parallel_loop3A_572 = arith.addf %parallel_loop3A_453, %parallel_loop3A_571 : vector<16xf32>
        %parallel_loop3A_573 = arith.constant 2 : i32
        %parallel_loop3A_574 = arith.muli %parallel_loop3A_573, %parallel_loop3A_445 : i32
        %parallel_loop3A_575 = arith.constant 1 : i32
        %parallel_loop3A_576 = arith.addi %parallel_loop3A_574, %parallel_loop3A_575 : i32
        %parallel_loop3A_577 = arith.index_cast %parallel_loop3A_576 : i32 to index
        %parallel_loop3A_578 = arith.constant 112 : index
        %parallel_loop3A_579 = tpu.vector_load %arg6[%parallel_loop3A_577, %parallel_loop3A_578] {strides = array<i32>} : memref<100x128xf32, #tpu.memory_space<vmem>>, vector<1x16xf32>,
        %parallel_loop3A_580 = vector.shape_cast %parallel_loop3A_579 : vector<1x16xf32> to vector<16xf32>
        %parallel_loop3A_581 = arith.addf %parallel_loop3A_572, %parallel_loop3A_580 : vector<16xf32>
        scf.yield %parallel_loop3A_469, %parallel_loop3A_485, %parallel_loop3A_501, %parallel_loop3A_517, %parallel_loop3A_533, %parallel_loop3A_549, %parallel_loop3A_565, %parallel_loop3A_581 : vector<16xf32>, vector<16xf32>, vector<16xf32>, vector<16xf32>, vector<16xf32>, vector<16xf32>, vector<16xf32>, vector<16xf32>
      } {sc.loop_unroll_factor = 4 : i64, sc.parallel_access}
      %add3A_227 = arith.constant 3 : i32
      %add3A_228 = arith.addi %add3A_215, %add3A_227 : i32
      %lt3A = arith.constant 128 : i32
      %lt3A_229 = arith.cmpi slt, %add3A_228, %lt3A : i32
      %convert_element_type3A = arith.extui %lt3A_229 : i1 to i32
      %cond3A = arith.constant 0 : i32
      %cond3A_230 = arith.cmpi ne, %convert_element_type3A, %cond3A : i32
      scf.if %cond3A_230 {
        %add3A_445 = arith.constant 3 : i32
        %add3A_446 = arith.addi %add3A_215, %add3A_445 : i32
        %dma_start3A_447 = arith.constant 0 : i32
        %dma_start3A_448 = arith.constant 0 : i32
        %dma_start3A_449 = tpu.memref_slice %arg5[%add3A_446, %dma_start3A_447, %dma_start3A_448] : memref<128x2x100xi32, #tpu.memory_space<vmem>> -> memref<1x1x100xi32, #tpu.memory_space<vmem>>
        %dma_start3A_450 = tpu.memref_squeeze %dma_start3A_449 : memref<1x1x100xi32, #tpu.memory_space<vmem>> -> memref<100xi32, #tpu.memory_space<vmem>>
        %dma_start3A_451 = arith.constant 0 : i32
        %dma_start3A_452 = arith.constant 0 : i32
        %dma_start3A_453 = tpu.memref_slice %arg3[%dma_start3A_451, %dma_start3A_452] : memref<100000x128xf32, #tpu.memory_space<hbm>> -> memref<100000x128xf32, #tpu.memory_space<hbm>>
        tpu.enqueue_indirect_dma source(%dma_start3A_453 : memref<100000x128xf32, #tpu.memory_space<hbm>>) target(%arg6 : memref<100x128xf32, #tpu.memory_space<vmem>>) offsets(%dma_start3A_450 : memref<100xi32, #tpu.memory_space<vmem>>) semaphore(%arg13 : memref<!tpu.dma_semaphore, #tpu.memory_space<semaphore_mem>>)
      } else {
      }
      %dma_wait3A_231 = arith.constant 1 : i32
      %dma_wait3A_232 = arith.constant 0 : i32
      %dma_wait3A_233 = tpu.memref_slice %arg5[%add3A_215, %dma_wait3A_231, %dma_wait3A_232] : memref<128x2x100xi32, #tpu.memory_space<vmem>> -> memref<1x1x100xi32, #tpu.memory_space<vmem>>
      %dma_wait3A_234 = tpu.memref_squeeze %dma_wait3A_233 : memref<1x1x100xi32, #tpu.memory_space<vmem>> -> memref<100xi32, #tpu.memory_space<vmem>>
      %dma_wait3A_235 = arith.constant 0 : i32
      %dma_wait3A_236 = arith.constant 0 : i32
      %dma_wait3A_237 = tpu.memref_slice %arg3[%dma_wait3A_235, %dma_wait3A_236] : memref<100000x128xf32, #tpu.memory_space<hbm>> -> memref<100000x128xf32, #tpu.memory_space<hbm>>
      tpu.wait_indirect_dma semaphore(%arg14 : memref<!tpu.dma_semaphore, #tpu.memory_space<semaphore_mem>>) src(%dma_wait3A_237 : memref<100000x128xf32, #tpu.memory_space<hbm>>) dst(%arg7 : memref<100x128xf32, #tpu.memory_space<vmem>>)
      %parallel_loop3A_238 = arith.constant 0 : i32
      %parallel_loop3A_239 = arith.constant 50 : i32
      %parallel_loop3A_240 = arith.constant 1 : i32
      %parallel_loop3A_241:8 = scf.for %parallel_loop3A_445 = %parallel_loop3A_238 to %parallel_loop3A_239 step %parallel_loop3A_240 iter_args(%parallel_loop3A_446 = %parallel_loop3A_226#0, %parallel_loop3A_447 = %parallel_loop3A_226#1, %parallel_loop3A_448 = %parallel_loop3A_226#2, %parallel_loop3A_449 = %parallel_loop3A_226#3, %parallel_loop3A_450 = %parallel_loop3A_226#4, %parallel_loop3A_451 = %parallel_loop3A_226#5, %parallel_loop3A_452 = %parallel_loop3A_226#6, %parallel_loop3A_453 = %parallel_loop3A_226#7) -> (vector<16xf32>, vector<16xf32>, vector<16xf32>, vector<16xf32>, vector<16xf32>, vector<16xf32>, vector<16xf32>, vector<16xf32>)  : i32 {
        %parallel_loop3A_454 = arith.constant 2 : i32
        %parallel_loop3A_455 = arith.muli %parallel_loop3A_454, %parallel_loop3A_445 : i32
        %parallel_loop3A_456 = arith.index_cast %parallel_loop3A_455 : i32 to index
        %parallel_loop3A_457 = arith.constant 0 : index
        %parallel_loop3A_458 = tpu.vector_load %arg7[%parallel_loop3A_456, %parallel_loop3A_457] {strides = array<i32>} : memref<100x128xf32, #tpu.memory_space<vmem>>, vector<1x16xf32>,
        %parallel_loop3A_459 = vector.shape_cast %parallel_loop3A_458 : vector<1x16xf32> to vector<16xf32>
        %parallel_loop3A_460 = arith.addf %parallel_loop3A_446, %parallel_loop3A_459 : vector<16xf32>
        %parallel_loop3A_461 = arith.constant 2 : i32
        %parallel_loop3A_462 = arith.muli %parallel_loop3A_461, %parallel_loop3A_445 : i32
        %parallel_loop3A_463 = arith.constant 1 : i32
        %parallel_loop3A_464 = arith.addi %parallel_loop3A_462, %parallel_loop3A_463 : i32
        %parallel_loop3A_465 = arith.index_cast %parallel_loop3A_464 : i32 to index
        %parallel_loop3A_466 = arith.constant 0 : index
        %parallel_loop3A_467 = tpu.vector_load %arg7[%parallel_loop3A_465, %parallel_loop3A_466] {strides = array<i32>} : memref<100x128xf32, #tpu.memory_space<vmem>>, vector<1x16xf32>,
        %parallel_loop3A_468 = vector.shape_cast %parallel_loop3A_467 : vector<1x16xf32> to vector<16xf32>
        %parallel_loop3A_469 = arith.addf %parallel_loop3A_460, %parallel_loop3A_468 : vector<16xf32>
        %parallel_loop3A_470 = arith.constant 2 : i32
        %parallel_loop3A_471 = arith.muli %parallel_loop3A_470, %parallel_loop3A_445 : i32
        %parallel_loop3A_472 = arith.index_cast %parallel_loop3A_471 : i32 to index
        %parallel_loop3A_473 = arith.constant 16 : index
        %parallel_loop3A_474 = tpu.vector_load %arg7[%parallel_loop3A_472, %parallel_loop3A_473] {strides = array<i32>} : memref<100x128xf32, #tpu.memory_space<vmem>>, vector<1x16xf32>,
        %parallel_loop3A_475 = vector.shape_cast %parallel_loop3A_474 : vector<1x16xf32> to vector<16xf32>
        %parallel_loop3A_476 = arith.addf %parallel_loop3A_447, %parallel_loop3A_475 : vector<16xf32>
        %parallel_loop3A_477 = arith.constant 2 : i32
        %parallel_loop3A_478 = arith.muli %parallel_loop3A_477, %parallel_loop3A_445 : i32
        %parallel_loop3A_479 = arith.constant 1 : i32
        %parallel_loop3A_480 = arith.addi %parallel_loop3A_478, %parallel_loop3A_479 : i32
        %parallel_loop3A_481 = arith.index_cast %parallel_loop3A_480 : i32 to index
        %parallel_loop3A_482 = arith.constant 16 : index
        %parallel_loop3A_483 = tpu.vector_load %arg7[%parallel_loop3A_481, %parallel_loop3A_482] {strides = array<i32>} : memref<100x128xf32, #tpu.memory_space<vmem>>, vector<1x16xf32>,
        %parallel_loop3A_484 = vector.shape_cast %parallel_loop3A_483 : vector<1x16xf32> to vector<16xf32>
        %parallel_loop3A_485 = arith.addf %parallel_loop3A_476, %parallel_loop3A_484 : vector<16xf32>
        %parallel_loop3A_486 = arith.constant 2 : i32
        %parallel_loop3A_487 = arith.muli %parallel_loop3A_486, %parallel_loop3A_445 : i32
        %parallel_loop3A_488 = arith.index_cast %parallel_loop3A_487 : i32 to index
        %parallel_loop3A_489 = arith.constant 32 : index
        %parallel_loop3A_490 = tpu.vector_load %arg7[%parallel_loop3A_488, %parallel_loop3A_489] {strides = array<i32>} : memref<100x128xf32, #tpu.memory_space<vmem>>, vector<1x16xf32>,
        %parallel_loop3A_491 = vector.shape_cast %parallel_loop3A_490 : vector<1x16xf32> to vector<16xf32>
        %parallel_loop3A_492 = arith.addf %parallel_loop3A_448, %parallel_loop3A_491 : vector<16xf32>
        %parallel_loop3A_493 = arith.constant 2 : i32
        %parallel_loop3A_494 = arith.muli %parallel_loop3A_493, %parallel_loop3A_445 : i32
        %parallel_loop3A_495 = arith.constant 1 : i32
        %parallel_loop3A_496 = arith.addi %parallel_loop3A_494, %parallel_loop3A_495 : i32
        %parallel_loop3A_497 = arith.index_cast %parallel_loop3A_496 : i32 to index
        %parallel_loop3A_498 = arith.constant 32 : index
        %parallel_loop3A_499 = tpu.vector_load %arg7[%parallel_loop3A_497, %parallel_loop3A_498] {strides = array<i32>} : memref<100x128xf32, #tpu.memory_space<vmem>>, vector<1x16xf32>,
        %parallel_loop3A_500 = vector.shape_cast %parallel_loop3A_499 : vector<1x16xf32> to vector<16xf32>
        %parallel_loop3A_501 = arith.addf %parallel_loop3A_492, %parallel_loop3A_500 : vector<16xf32>
        %parallel_loop3A_502 = arith.constant 2 : i32
        %parallel_loop3A_503 = arith.muli %parallel_loop3A_502, %parallel_loop3A_445 : i32
        %parallel_loop3A_504 = arith.index_cast %parallel_loop3A_503 : i32 to index
        %parallel_loop3A_505 = arith.constant 48 : index
        %parallel_loop3A_506 = tpu.vector_load %arg7[%parallel_loop3A_504, %parallel_loop3A_505] {strides = array<i32>} : memref<100x128xf32, #tpu.memory_space<vmem>>, vector<1x16xf32>,
        %parallel_loop3A_507 = vector.shape_cast %parallel_loop3A_506 : vector<1x16xf32> to vector<16xf32>
        %parallel_loop3A_508 = arith.addf %parallel_loop3A_449, %parallel_loop3A_507 : vector<16xf32>
        %parallel_loop3A_509 = arith.constant 2 : i32
        %parallel_loop3A_510 = arith.muli %parallel_loop3A_509, %parallel_loop3A_445 : i32
        %parallel_loop3A_511 = arith.constant 1 : i32
        %parallel_loop3A_512 = arith.addi %parallel_loop3A_510, %parallel_loop3A_511 : i32
        %parallel_loop3A_513 = arith.index_cast %parallel_loop3A_512 : i32 to index
        %parallel_loop3A_514 = arith.constant 48 : index
        %parallel_loop3A_515 = tpu.vector_load %arg7[%parallel_loop3A_513, %parallel_loop3A_514] {strides = array<i32>} : memref<100x128xf32, #tpu.memory_space<vmem>>, vector<1x16xf32>,
        %parallel_loop3A_516 = vector.shape_cast %parallel_loop3A_515 : vector<1x16xf32> to vector<16xf32>
        %parallel_loop3A_517 = arith.addf %parallel_loop3A_508, %parallel_loop3A_516 : vector<16xf32>
        %parallel_loop3A_518 = arith.constant 2 : i32
        %parallel_loop3A_519 = arith.muli %parallel_loop3A_518, %parallel_loop3A_445 : i32
        %parallel_loop3A_520 = arith.index_cast %parallel_loop3A_519 : i32 to index
        %parallel_loop3A_521 = arith.constant 64 : index
        %parallel_loop3A_522 = tpu.vector_load %arg7[%parallel_loop3A_520, %parallel_loop3A_521] {strides = array<i32>} : memref<100x128xf32, #tpu.memory_space<vmem>>, vector<1x16xf32>,
        %parallel_loop3A_523 = vector.shape_cast %parallel_loop3A_522 : vector<1x16xf32> to vector<16xf32>
        %parallel_loop3A_524 = arith.addf %parallel_loop3A_450, %parallel_loop3A_523 : vector<16xf32>
        %parallel_loop3A_525 = arith.constant 2 : i32
        %parallel_loop3A_526 = arith.muli %parallel_loop3A_525, %parallel_loop3A_445 : i32
        %parallel_loop3A_527 = arith.constant 1 : i32
        %parallel_loop3A_528 = arith.addi %parallel_loop3A_526, %parallel_loop3A_527 : i32
        %parallel_loop3A_529 = arith.index_cast %parallel_loop3A_528 : i32 to index
        %parallel_loop3A_530 = arith.constant 64 : index
        %parallel_loop3A_531 = tpu.vector_load %arg7[%parallel_loop3A_529, %parallel_loop3A_530] {strides = array<i32>} : memref<100x128xf32, #tpu.memory_space<vmem>>, vector<1x16xf32>,
        %parallel_loop3A_532 = vector.shape_cast %parallel_loop3A_531 : vector<1x16xf32> to vector<16xf32>
        %parallel_loop3A_533 = arith.addf %parallel_loop3A_524, %parallel_loop3A_532 : vector<16xf32>
        %parallel_loop3A_534 = arith.constant 2 : i32
        %parallel_loop3A_535 = arith.muli %parallel_loop3A_534, %parallel_loop3A_445 : i32
        %parallel_loop3A_536 = arith.index_cast %parallel_loop3A_535 : i32 to index
        %parallel_loop3A_537 = arith.constant 80 : index
        %parallel_loop3A_538 = tpu.vector_load %arg7[%parallel_loop3A_536, %parallel_loop3A_537] {strides = array<i32>} : memref<100x128xf32, #tpu.memory_space<vmem>>, vector<1x16xf32>,
        %parallel_loop3A_539 = vector.shape_cast %parallel_loop3A_538 : vector<1x16xf32> to vector<16xf32>
        %parallel_loop3A_540 = arith.addf %parallel_loop3A_451, %parallel_loop3A_539 : vector<16xf32>
        %parallel_loop3A_541 = arith.constant 2 : i32
        %parallel_loop3A_542 = arith.muli %parallel_loop3A_541, %parallel_loop3A_445 : i32
        %parallel_loop3A_543 = arith.constant 1 : i32
        %parallel_loop3A_544 = arith.addi %parallel_loop3A_542, %parallel_loop3A_543 : i32
        %parallel_loop3A_545 = arith.index_cast %parallel_loop3A_544 : i32 to index
        %parallel_loop3A_546 = arith.constant 80 : index
        %parallel_loop3A_547 = tpu.vector_load %arg7[%parallel_loop3A_545, %parallel_loop3A_546] {strides = array<i32>} : memref<100x128xf32, #tpu.memory_space<vmem>>, vector<1x16xf32>,
        %parallel_loop3A_548 = vector.shape_cast %parallel_loop3A_547 : vector<1x16xf32> to vector<16xf32>
        %parallel_loop3A_549 = arith.addf %parallel_loop3A_540, %parallel_loop3A_548 : vector<16xf32>
        %parallel_loop3A_550 = arith.constant 2 : i32
        %parallel_loop3A_551 = arith.muli %parallel_loop3A_550, %parallel_loop3A_445 : i32
        %parallel_loop3A_552 = arith.index_cast %parallel_loop3A_551 : i32 to index
        %parallel_loop3A_553 = arith.constant 96 : index
        %parallel_loop3A_554 = tpu.vector_load %arg7[%parallel_loop3A_552, %parallel_loop3A_553] {strides = array<i32>} : memref<100x128xf32, #tpu.memory_space<vmem>>, vector<1x16xf32>,
        %parallel_loop3A_555 = vector.shape_cast %parallel_loop3A_554 : vector<1x16xf32> to vector<16xf32>
        %parallel_loop3A_556 = arith.addf %parallel_loop3A_452, %parallel_loop3A_555 : vector<16xf32>
        %parallel_loop3A_557 = arith.constant 2 : i32
        %parallel_loop3A_558 = arith.muli %parallel_loop3A_557, %parallel_loop3A_445 : i32
        %parallel_loop3A_559 = arith.constant 1 : i32
        %parallel_loop3A_560 = arith.addi %parallel_loop3A_558, %parallel_loop3A_559 : i32
        %parallel_loop3A_561 = arith.index_cast %parallel_loop3A_560 : i32 to index
        %parallel_loop3A_562 = arith.constant 96 : index
        %parallel_loop3A_563 = tpu.vector_load %arg7[%parallel_loop3A_561, %parallel_loop3A_562] {strides = array<i32>} : memref<100x128xf32, #tpu.memory_space<vmem>>, vector<1x16xf32>,
        %parallel_loop3A_564 = vector.shape_cast %parallel_loop3A_563 : vector<1x16xf32> to vector<16xf32>
        %parallel_loop3A_565 = arith.addf %parallel_loop3A_556, %parallel_loop3A_564 : vector<16xf32>
        %parallel_loop3A_566 = arith.constant 2 : i32
        %parallel_loop3A_567 = arith.muli %parallel_loop3A_566, %parallel_loop3A_445 : i32
        %parallel_loop3A_568 = arith.index_cast %parallel_loop3A_567 : i32 to index
        %parallel_loop3A_569 = arith.constant 112 : index
        %parallel_loop3A_570 = tpu.vector_load %arg7[%parallel_loop3A_568, %parallel_loop3A_569] {strides = array<i32>} : memref<100x128xf32, #tpu.memory_space<vmem>>, vector<1x16xf32>,
        %parallel_loop3A_571 = vector.shape_cast %parallel_loop3A_570 : vector<1x16xf32> to vector<16xf32>
        %parallel_loop3A_572 = arith.addf %parallel_loop3A_453, %parallel_loop3A_571 : vector<16xf32>
        %parallel_loop3A_573 = arith.constant 2 : i32
        %parallel_loop3A_574 = arith.muli %parallel_loop3A_573, %parallel_loop3A_445 : i32
        %parallel_loop3A_575 = arith.constant 1 : i32
        %parallel_loop3A_576 = arith.addi %parallel_loop3A_574, %parallel_loop3A_575 : i32
        %parallel_loop3A_577 = arith.index_cast %parallel_loop3A_576 : i32 to index
        %parallel_loop3A_578 = arith.constant 112 : index
        %parallel_loop3A_579 = tpu.vector_load %arg7[%parallel_loop3A_577, %parallel_loop3A_578] {strides = array<i32>} : memref<100x128xf32, #tpu.memory_space<vmem>>, vector<1x16xf32>,
        %parallel_loop3A_580 = vector.shape_cast %parallel_loop3A_579 : vector<1x16xf32> to vector<16xf32>
        %parallel_loop3A_581 = arith.addf %parallel_loop3A_572, %parallel_loop3A_580 : vector<16xf32>
        scf.yield %parallel_loop3A_469, %parallel_loop3A_485, %parallel_loop3A_501, %parallel_loop3A_517, %parallel_loop3A_533, %parallel_loop3A_549, %parallel_loop3A_565, %parallel_loop3A_581 : vector<16xf32>, vector<16xf32>, vector<16xf32>, vector<16xf32>, vector<16xf32>, vector<16xf32>, vector<16xf32>, vector<16xf32>
      } {sc.loop_unroll_factor = 4 : i64, sc.parallel_access}
      %add3A_242 = arith.constant 3 : i32
      %add3A_243 = arith.addi %add3A_215, %add3A_242 : i32
      %lt3A_244 = arith.constant 128 : i32
      %lt3A_245 = arith.cmpi slt, %add3A_243, %lt3A_244 : i32
      %convert_element_type3A_246 = arith.extui %lt3A_245 : i1 to i32
      %cond3A_247 = arith.constant 0 : i32
      %cond3A_248 = arith.cmpi ne, %convert_element_type3A_246, %cond3A_247 : i32
      scf.if %cond3A_248 {
        %add3A_445 = arith.constant 3 : i32
        %add3A_446 = arith.addi %add3A_215, %add3A_445 : i32
        %dma_start3A_447 = arith.constant 1 : i32
        %dma_start3A_448 = arith.constant 0 : i32
        %dma_start3A_449 = tpu.memref_slice %arg5[%add3A_446, %dma_start3A_447, %dma_start3A_448] : memref<128x2x100xi32, #tpu.memory_space<vmem>> -> memref<1x1x100xi32, #tpu.memory_space<vmem>>
        %dma_start3A_450 = tpu.memref_squeeze %dma_start3A_449 : memref<1x1x100xi32, #tpu.memory_space<vmem>> -> memref<100xi32, #tpu.memory_space<vmem>>
        %dma_start3A_451 = arith.constant 0 : i32
        %dma_start3A_452 = arith.constant 0 : i32
        %dma_start3A_453 = tpu.memref_slice %arg3[%dma_start3A_451, %dma_start3A_452] : memref<100000x128xf32, #tpu.memory_space<hbm>> -> memref<100000x128xf32, #tpu.memory_space<hbm>>
        tpu.enqueue_indirect_dma source(%dma_start3A_453 : memref<100000x128xf32, #tpu.memory_space<hbm>>) target(%arg7 : memref<100x128xf32, #tpu.memory_space<vmem>>) offsets(%dma_start3A_450 : memref<100xi32, #tpu.memory_space<vmem>>) semaphore(%arg14 : memref<!tpu.dma_semaphore, #tpu.memory_space<semaphore_mem>>)
      } else {
      }
      %swap3A_249 = arith.index_cast %add3A_215 : i32 to index
      %swap3A_250 = arith.constant 0 : index
      %swap3A_251 = tpu.vector_load %arg12[%swap3A_249, %swap3A_250] {strides = array<i32>} : memref<128x128xf32, #tpu.memory_space<vmem>>, vector<1x16xf32>,
      %swap3A_252 = vector.shape_cast %swap3A_251 : vector<1x16xf32> to vector<16xf32>
      %swap3A_253 = vector.shape_cast %parallel_loop3A_241#0 : vector<16xf32> to vector<1x16xf32>
      tpu.vector_store %arg12[%swap3A_249, %swap3A_250], %swap3A_253 {strides = array<i32>} : memref<128x128xf32, #tpu.memory_space<vmem>>, vector<1x16xf32>,
      %swap3A_254 = arith.index_cast %add3A_215 : i32 to index
      %swap3A_255 = arith.constant 16 : index
      %swap3A_256 = tpu.vector_load %arg12[%swap3A_254, %swap3A_255] {strides = array<i32>} : memref<128x128xf32, #tpu.memory_space<vmem>>, vector<1x16xf32>,
      %swap3A_257 = vector.shape_cast %swap3A_256 : vector<1x16xf32> to vector<16xf32>
      %swap3A_258 = vector.shape_cast %parallel_loop3A_241#1 : vector<16xf32> to vector<1x16xf32>
      tpu.vector_store %arg12[%swap3A_254, %swap3A_255], %swap3A_258 {strides = array<i32>} : memref<128x128xf32, #tpu.memory_space<vmem>>, vector<1x16xf32>,
      %swap3A_259 = arith.index_cast %add3A_215 : i32 to index
      %swap3A_260 = arith.constant 32 : index
      %swap3A_261 = tpu.vector_load %arg12[%swap3A_259, %swap3A_260] {strides = array<i32>} : memref<128x128xf32, #tpu.memory_space<vmem>>, vector<1x16xf32>,
      %swap3A_262 = vector.shape_cast %swap3A_261 : vector<1x16xf32> to vector<16xf32>
      %swap3A_263 = vector.shape_cast %parallel_loop3A_241#2 : vector<16xf32> to vector<1x16xf32>
      tpu.vector_store %arg12[%swap3A_259, %swap3A_260], %swap3A_263 {strides = array<i32>} : memref<128x128xf32, #tpu.memory_space<vmem>>, vector<1x16xf32>,
      %swap3A_264 = arith.index_cast %add3A_215 : i32 to index
      %swap3A_265 = arith.constant 48 : index
      %swap3A_266 = tpu.vector_load %arg12[%swap3A_264, %swap3A_265] {strides = array<i32>} : memref<128x128xf32, #tpu.memory_space<vmem>>, vector<1x16xf32>,
      %swap3A_267 = vector.shape_cast %swap3A_266 : vector<1x16xf32> to vector<16xf32>
      %swap3A_268 = vector.shape_cast %parallel_loop3A_241#3 : vector<16xf32> to vector<1x16xf32>
      tpu.vector_store %arg12[%swap3A_264, %swap3A_265], %swap3A_268 {strides = array<i32>} : memref<128x128xf32, #tpu.memory_space<vmem>>, vector<1x16xf32>,
      %swap3A_269 = arith.index_cast %add3A_215 : i32 to index
      %swap3A_270 = arith.constant 64 : index
      %swap3A_271 = tpu.vector_load %arg12[%swap3A_269, %swap3A_270] {strides = array<i32>} : memref<128x128xf32, #tpu.memory_space<vmem>>, vector<1x16xf32>,
      %swap3A_272 = vector.shape_cast %swap3A_271 : vector<1x16xf32> to vector<16xf32>
      %swap3A_273 = vector.shape_cast %parallel_loop3A_241#4 : vector<16xf32> to vector<1x16xf32>
      tpu.vector_store %arg12[%swap3A_269, %swap3A_270], %swap3A_273 {strides = array<i32>} : memref<128x128xf32, #tpu.memory_space<vmem>>, vector<1x16xf32>,
      %swap3A_274 = arith.index_cast %add3A_215 : i32 to index
      %swap3A_275 = arith.constant 80 : index
      %swap3A_276 = tpu.vector_load %arg12[%swap3A_274, %swap3A_275] {strides = array<i32>} : memref<128x128xf32, #tpu.memory_space<vmem>>, vector<1x16xf32>,
      %swap3A_277 = vector.shape_cast %swap3A_276 : vector<1x16xf32> to vector<16xf32>
      %swap3A_278 = vector.shape_cast %parallel_loop3A_241#5 : vector<16xf32> to vector<1x16xf32>
      tpu.vector_store %arg12[%swap3A_274, %swap3A_275], %swap3A_278 {strides = array<i32>} : memref<128x128xf32, #tpu.memory_space<vmem>>, vector<1x16xf32>,
      %swap3A_279 = arith.index_cast %add3A_215 : i32 to index
      %swap3A_280 = arith.constant 96 : index
      %swap3A_281 = tpu.vector_load %arg12[%swap3A_279, %swap3A_280] {strides = array<i32>} : memref<128x128xf32, #tpu.memory_space<vmem>>, vector<1x16xf32>,
      %swap3A_282 = vector.shape_cast %swap3A_281 : vector<1x16xf32> to vector<16xf32>
      %swap3A_283 = vector.shape_cast %parallel_loop3A_241#6 : vector<16xf32> to vector<1x16xf32>
      tpu.vector_store %arg12[%swap3A_279, %swap3A_280], %swap3A_283 {strides = array<i32>} : memref<128x128xf32, #tpu.memory_space<vmem>>, vector<1x16xf32>,
      %swap3A_284 = arith.index_cast %add3A_215 : i32 to index
      %swap3A_285 = arith.constant 112 : index
      %swap3A_286 = tpu.vector_load %arg12[%swap3A_284, %swap3A_285] {strides = array<i32>} : memref<128x128xf32, #tpu.memory_space<vmem>>, vector<1x16xf32>,
      %swap3A_287 = vector.shape_cast %swap3A_286 : vector<1x16xf32> to vector<16xf32>
      %swap3A_288 = vector.shape_cast %parallel_loop3A_241#7 : vector<16xf32> to vector<1x16xf32>
      tpu.vector_store %arg12[%swap3A_284, %swap3A_285], %swap3A_288 {strides = array<i32>} : memref<128x128xf32, #tpu.memory_space<vmem>>, vector<1x16xf32>,
      %add3A_289 = arith.constant 1 : i32
      %add3A_290 = arith.addi %mul3A_213, %add3A_289 : i32
      %dma_wait3A_291 = arith.constant 0 : i32
      %dma_wait3A_292 = arith.constant 0 : i32
      %dma_wait3A_293 = tpu.memref_slice %arg5[%add3A_290, %dma_wait3A_291, %dma_wait3A_292] : memref<128x2x100xi32, #tpu.memory_space<vmem>> -> memref<1x1x100xi32, #tpu.memory_space<vmem>>
      %dma_wait3A_294 = tpu.memref_squeeze %dma_wait3A_293 : memref<1x1x100xi32, #tpu.memory_space<vmem>> -> memref<100xi32, #tpu.memory_space<vmem>>
      %dma_wait3A_295 = arith.constant 0 : i32
      %dma_wait3A_296 = arith.constant 0 : i32
      %dma_wait3A_297 = tpu.memref_slice %arg3[%dma_wait3A_295, %dma_wait3A_296] : memref<100000x128xf32, #tpu.memory_space<hbm>> -> memref<100000x128xf32, #tpu.memory_space<hbm>>
      tpu.wait_indirect_dma semaphore(%arg15 : memref<!tpu.dma_semaphore, #tpu.memory_space<semaphore_mem>>) src(%dma_wait3A_297 : memref<100000x128xf32, #tpu.memory_space<hbm>>) dst(%arg8 : memref<100x128xf32, #tpu.memory_space<vmem>>)
      %parallel_loop3A_298 = arith.constant 0 : i32
      %parallel_loop3A_299 = arith.constant 50 : i32
      %parallel_loop3A_300 = arith.constant 1 : i32
      %parallel_loop3A_301:8 = scf.for %parallel_loop3A_445 = %parallel_loop3A_298 to %parallel_loop3A_299 step %parallel_loop3A_300 iter_args(%parallel_loop3A_446 = %broadcast_in_dim3A_50, %parallel_loop3A_447 = %broadcast_in_dim3A_52, %parallel_loop3A_448 = %broadcast_in_dim3A_54, %parallel_loop3A_449 = %broadcast_in_dim3A_56, %parallel_loop3A_450 = %broadcast_in_dim3A_58, %parallel_loop3A_451 = %broadcast_in_dim3A_60, %parallel_loop3A_452 = %broadcast_in_dim3A_62, %parallel_loop3A_453 = %broadcast_in_dim3A_64) -> (vector<16xf32>, vector<16xf32>, vector<16xf32>, vector<16xf32>, vector<16xf32>, vector<16xf32>, vector<16xf32>, vector<16xf32>)  : i32 {
        %parallel_loop3A_454 = arith.constant 2 : i32
        %parallel_loop3A_455 = arith.muli %parallel_loop3A_454, %parallel_loop3A_445 : i32
        %parallel_loop3A_456 = arith.index_cast %parallel_loop3A_455 : i32 to index
        %parallel_loop3A_457 = arith.constant 0 : index
        %parallel_loop3A_458 = tpu.vector_load %arg8[%parallel_loop3A_456, %parallel_loop3A_457] {strides = array<i32>} : memref<100x128xf32, #tpu.memory_space<vmem>>, vector<1x16xf32>,
        %parallel_loop3A_459 = vector.shape_cast %parallel_loop3A_458 : vector<1x16xf32> to vector<16xf32>
        %parallel_loop3A_460 = arith.addf %parallel_loop3A_446, %parallel_loop3A_459 : vector<16xf32>
        %parallel_loop3A_461 = arith.constant 2 : i32
        %parallel_loop3A_462 = arith.muli %parallel_loop3A_461, %parallel_loop3A_445 : i32
        %parallel_loop3A_463 = arith.constant 1 : i32
        %parallel_loop3A_464 = arith.addi %parallel_loop3A_462, %parallel_loop3A_463 : i32
        %parallel_loop3A_465 = arith.index_cast %parallel_loop3A_464 : i32 to index
        %parallel_loop3A_466 = arith.constant 0 : index
        %parallel_loop3A_467 = tpu.vector_load %arg8[%parallel_loop3A_465, %parallel_loop3A_466] {strides = array<i32>} : memref<100x128xf32, #tpu.memory_space<vmem>>, vector<1x16xf32>,
        %parallel_loop3A_468 = vector.shape_cast %parallel_loop3A_467 : vector<1x16xf32> to vector<16xf32>
        %parallel_loop3A_469 = arith.addf %parallel_loop3A_460, %parallel_loop3A_468 : vector<16xf32>
        %parallel_loop3A_470 = arith.constant 2 : i32
        %parallel_loop3A_471 = arith.muli %parallel_loop3A_470, %parallel_loop3A_445 : i32
        %parallel_loop3A_472 = arith.index_cast %parallel_loop3A_471 : i32 to index
        %parallel_loop3A_473 = arith.constant 16 : index
        %parallel_loop3A_474 = tpu.vector_load %arg8[%parallel_loop3A_472, %parallel_loop3A_473] {strides = array<i32>} : memref<100x128xf32, #tpu.memory_space<vmem>>, vector<1x16xf32>,
        %parallel_loop3A_475 = vector.shape_cast %parallel_loop3A_474 : vector<1x16xf32> to vector<16xf32>
        %parallel_loop3A_476 = arith.addf %parallel_loop3A_447, %parallel_loop3A_475 : vector<16xf32>
        %parallel_loop3A_477 = arith.constant 2 : i32
        %parallel_loop3A_478 = arith.muli %parallel_loop3A_477, %parallel_loop3A_445 : i32
        %parallel_loop3A_479 = arith.constant 1 : i32
        %parallel_loop3A_480 = arith.addi %parallel_loop3A_478, %parallel_loop3A_479 : i32
        %parallel_loop3A_481 = arith.index_cast %parallel_loop3A_480 : i32 to index
        %parallel_loop3A_482 = arith.constant 16 : index
        %parallel_loop3A_483 = tpu.vector_load %arg8[%parallel_loop3A_481, %parallel_loop3A_482] {strides = array<i32>} : memref<100x128xf32, #tpu.memory_space<vmem>>, vector<1x16xf32>,
        %parallel_loop3A_484 = vector.shape_cast %parallel_loop3A_483 : vector<1x16xf32> to vector<16xf32>
        %parallel_loop3A_485 = arith.addf %parallel_loop3A_476, %parallel_loop3A_484 : vector<16xf32>
        %parallel_loop3A_486 = arith.constant 2 : i32
        %parallel_loop3A_487 = arith.muli %parallel_loop3A_486, %parallel_loop3A_445 : i32
        %parallel_loop3A_488 = arith.index_cast %parallel_loop3A_487 : i32 to index
        %parallel_loop3A_489 = arith.constant 32 : index
        %parallel_loop3A_490 = tpu.vector_load %arg8[%parallel_loop3A_488, %parallel_loop3A_489] {strides = array<i32>} : memref<100x128xf32, #tpu.memory_space<vmem>>, vector<1x16xf32>,
        %parallel_loop3A_491 = vector.shape_cast %parallel_loop3A_490 : vector<1x16xf32> to vector<16xf32>
        %parallel_loop3A_492 = arith.addf %parallel_loop3A_448, %parallel_loop3A_491 : vector<16xf32>
        %parallel_loop3A_493 = arith.constant 2 : i32
        %parallel_loop3A_494 = arith.muli %parallel_loop3A_493, %parallel_loop3A_445 : i32
        %parallel_loop3A_495 = arith.constant 1 : i32
        %parallel_loop3A_496 = arith.addi %parallel_loop3A_494, %parallel_loop3A_495 : i32
        %parallel_loop3A_497 = arith.index_cast %parallel_loop3A_496 : i32 to index
        %parallel_loop3A_498 = arith.constant 32 : index
        %parallel_loop3A_499 = tpu.vector_load %arg8[%parallel_loop3A_497, %parallel_loop3A_498] {strides = array<i32>} : memref<100x128xf32, #tpu.memory_space<vmem>>, vector<1x16xf32>,
        %parallel_loop3A_500 = vector.shape_cast %parallel_loop3A_499 : vector<1x16xf32> to vector<16xf32>
        %parallel_loop3A_501 = arith.addf %parallel_loop3A_492, %parallel_loop3A_500 : vector<16xf32>
        %parallel_loop3A_502 = arith.constant 2 : i32
        %parallel_loop3A_503 = arith.muli %parallel_loop3A_502, %parallel_loop3A_445 : i32
        %parallel_loop3A_504 = arith.index_cast %parallel_loop3A_503 : i32 to index
        %parallel_loop3A_505 = arith.constant 48 : index
        %parallel_loop3A_506 = tpu.vector_load %arg8[%parallel_loop3A_504, %parallel_loop3A_505] {strides = array<i32>} : memref<100x128xf32, #tpu.memory_space<vmem>>, vector<1x16xf32>,
        %parallel_loop3A_507 = vector.shape_cast %parallel_loop3A_506 : vector<1x16xf32> to vector<16xf32>
        %parallel_loop3A_508 = arith.addf %parallel_loop3A_449, %parallel_loop3A_507 : vector<16xf32>
        %parallel_loop3A_509 = arith.constant 2 : i32
        %parallel_loop3A_510 = arith.muli %parallel_loop3A_509, %parallel_loop3A_445 : i32
        %parallel_loop3A_511 = arith.constant 1 : i32
        %parallel_loop3A_512 = arith.addi %parallel_loop3A_510, %parallel_loop3A_511 : i32
        %parallel_loop3A_513 = arith.index_cast %parallel_loop3A_512 : i32 to index
        %parallel_loop3A_514 = arith.constant 48 : index
        %parallel_loop3A_515 = tpu.vector_load %arg8[%parallel_loop3A_513, %parallel_loop3A_514] {strides = array<i32>} : memref<100x128xf32, #tpu.memory_space<vmem>>, vector<1x16xf32>,
        %parallel_loop3A_516 = vector.shape_cast %parallel_loop3A_515 : vector<1x16xf32> to vector<16xf32>
        %parallel_loop3A_517 = arith.addf %parallel_loop3A_508, %parallel_loop3A_516 : vector<16xf32>
        %parallel_loop3A_518 = arith.constant 2 : i32
        %parallel_loop3A_519 = arith.muli %parallel_loop3A_518, %parallel_loop3A_445 : i32
        %parallel_loop3A_520 = arith.index_cast %parallel_loop3A_519 : i32 to index
        %parallel_loop3A_521 = arith.constant 64 : index
        %parallel_loop3A_522 = tpu.vector_load %arg8[%parallel_loop3A_520, %parallel_loop3A_521] {strides = array<i32>} : memref<100x128xf32, #tpu.memory_space<vmem>>, vector<1x16xf32>,
        %parallel_loop3A_523 = vector.shape_cast %parallel_loop3A_522 : vector<1x16xf32> to vector<16xf32>
        %parallel_loop3A_524 = arith.addf %parallel_loop3A_450, %parallel_loop3A_523 : vector<16xf32>
        %parallel_loop3A_525 = arith.constant 2 : i32
        %parallel_loop3A_526 = arith.muli %parallel_loop3A_525, %parallel_loop3A_445 : i32
        %parallel_loop3A_527 = arith.constant 1 : i32
        %parallel_loop3A_528 = arith.addi %parallel_loop3A_526, %parallel_loop3A_527 : i32
        %parallel_loop3A_529 = arith.index_cast %parallel_loop3A_528 : i32 to index
        %parallel_loop3A_530 = arith.constant 64 : index
        %parallel_loop3A_531 = tpu.vector_load %arg8[%parallel_loop3A_529, %parallel_loop3A_530] {strides = array<i32>} : memref<100x128xf32, #tpu.memory_space<vmem>>, vector<1x16xf32>,
        %parallel_loop3A_532 = vector.shape_cast %parallel_loop3A_531 : vector<1x16xf32> to vector<16xf32>
        %parallel_loop3A_533 = arith.addf %parallel_loop3A_524, %parallel_loop3A_532 : vector<16xf32>
        %parallel_loop3A_534 = arith.constant 2 : i32
        %parallel_loop3A_535 = arith.muli %parallel_loop3A_534, %parallel_loop3A_445 : i32
        %parallel_loop3A_536 = arith.index_cast %parallel_loop3A_535 : i32 to index
        %parallel_loop3A_537 = arith.constant 80 : index
        %parallel_loop3A_538 = tpu.vector_load %arg8[%parallel_loop3A_536, %parallel_loop3A_537] {strides = array<i32>} : memref<100x128xf32, #tpu.memory_space<vmem>>, vector<1x16xf32>,
        %parallel_loop3A_539 = vector.shape_cast %parallel_loop3A_538 : vector<1x16xf32> to vector<16xf32>
        %parallel_loop3A_540 = arith.addf %parallel_loop3A_451, %parallel_loop3A_539 : vector<16xf32>
        %parallel_loop3A_541 = arith.constant 2 : i32
        %parallel_loop3A_542 = arith.muli %parallel_loop3A_541, %parallel_loop3A_445 : i32
        %parallel_loop3A_543 = arith.constant 1 : i32
        %parallel_loop3A_544 = arith.addi %parallel_loop3A_542, %parallel_loop3A_543 : i32
        %parallel_loop3A_545 = arith.index_cast %parallel_loop3A_544 : i32 to index
        %parallel_loop3A_546 = arith.constant 80 : index
        %parallel_loop3A_547 = tpu.vector_load %arg8[%parallel_loop3A_545, %parallel_loop3A_546] {strides = array<i32>} : memref<100x128xf32, #tpu.memory_space<vmem>>, vector<1x16xf32>,
        %parallel_loop3A_548 = vector.shape_cast %parallel_loop3A_547 : vector<1x16xf32> to vector<16xf32>
        %parallel_loop3A_549 = arith.addf %parallel_loop3A_540, %parallel_loop3A_548 : vector<16xf32>
        %parallel_loop3A_550 = arith.constant 2 : i32
        %parallel_loop3A_551 = arith.muli %parallel_loop3A_550, %parallel_loop3A_445 : i32
        %parallel_loop3A_552 = arith.index_cast %parallel_loop3A_551 : i32 to index
        %parallel_loop3A_553 = arith.constant 96 : index
        %parallel_loop3A_554 = tpu.vector_load %arg8[%parallel_loop3A_552, %parallel_loop3A_553] {strides = array<i32>} : memref<100x128xf32, #tpu.memory_space<vmem>>, vector<1x16xf32>,
        %parallel_loop3A_555 = vector.shape_cast %parallel_loop3A_554 : vector<1x16xf32> to vector<16xf32>
        %parallel_loop3A_556 = arith.addf %parallel_loop3A_452, %parallel_loop3A_555 : vector<16xf32>
        %parallel_loop3A_557 = arith.constant 2 : i32
        %parallel_loop3A_558 = arith.muli %parallel_loop3A_557, %parallel_loop3A_445 : i32
        %parallel_loop3A_559 = arith.constant 1 : i32
        %parallel_loop3A_560 = arith.addi %parallel_loop3A_558, %parallel_loop3A_559 : i32
        %parallel_loop3A_561 = arith.index_cast %parallel_loop3A_560 : i32 to index
        %parallel_loop3A_562 = arith.constant 96 : index
        %parallel_loop3A_563 = tpu.vector_load %arg8[%parallel_loop3A_561, %parallel_loop3A_562] {strides = array<i32>} : memref<100x128xf32, #tpu.memory_space<vmem>>, vector<1x16xf32>,
        %parallel_loop3A_564 = vector.shape_cast %parallel_loop3A_563 : vector<1x16xf32> to vector<16xf32>
        %parallel_loop3A_565 = arith.addf %parallel_loop3A_556, %parallel_loop3A_564 : vector<16xf32>
        %parallel_loop3A_566 = arith.constant 2 : i32
        %parallel_loop3A_567 = arith.muli %parallel_loop3A_566, %parallel_loop3A_445 : i32
        %parallel_loop3A_568 = arith.index_cast %parallel_loop3A_567 : i32 to index
        %parallel_loop3A_569 = arith.constant 112 : index
        %parallel_loop3A_570 = tpu.vector_load %arg8[%parallel_loop3A_568, %parallel_loop3A_569] {strides = array<i32>} : memref<100x128xf32, #tpu.memory_space<vmem>>, vector<1x16xf32>,
        %parallel_loop3A_571 = vector.shape_cast %parallel_loop3A_570 : vector<1x16xf32> to vector<16xf32>
        %parallel_loop3A_572 = arith.addf %parallel_loop3A_453, %parallel_loop3A_571 : vector<16xf32>
        %parallel_loop3A_573 = arith.constant 2 : i32
        %parallel_loop3A_574 = arith.muli %parallel_loop3A_573, %parallel_loop3A_445 : i32
        %parallel_loop3A_575 = arith.constant 1 : i32
        %parallel_loop3A_576 = arith.addi %parallel_loop3A_574, %parallel_loop3A_575 : i32
        %parallel_loop3A_577 = arith.index_cast %parallel_loop3A_576 : i32 to index
        %parallel_loop3A_578 = arith.constant 112 : index
        %parallel_loop3A_579 = tpu.vector_load %arg8[%parallel_loop3A_577, %parallel_loop3A_578] {strides = array<i32>} : memref<100x128xf32, #tpu.memory_space<vmem>>, vector<1x16xf32>,
        %parallel_loop3A_580 = vector.shape_cast %parallel_loop3A_579 : vector<1x16xf32> to vector<16xf32>
        %parallel_loop3A_581 = arith.addf %parallel_loop3A_572, %parallel_loop3A_580 : vector<16xf32>
        scf.yield %parallel_loop3A_469, %parallel_loop3A_485, %parallel_loop3A_501, %parallel_loop3A_517, %parallel_loop3A_533, %parallel_loop3A_549, %parallel_loop3A_565, %parallel_loop3A_581 : vector<16xf32>, vector<16xf32>, vector<16xf32>, vector<16xf32>, vector<16xf32>, vector<16xf32>, vector<16xf32>, vector<16xf32>
      } {sc.loop_unroll_factor = 4 : i64, sc.parallel_access}
      %add3A_302 = arith.constant 3 : i32
      %add3A_303 = arith.addi %add3A_290, %add3A_302 : i32
      %lt3A_304 = arith.constant 128 : i32
      %lt3A_305 = arith.cmpi slt, %add3A_303, %lt3A_304 : i32
      %convert_element_type3A_306 = arith.extui %lt3A_305 : i1 to i32
      %cond3A_307 = arith.constant 0 : i32
      %cond3A_308 = arith.cmpi ne, %convert_element_type3A_306, %cond3A_307 : i32
      scf.if %cond3A_308 {
        %add3A_445 = arith.constant 3 : i32
        %add3A_446 = arith.addi %add3A_290, %add3A_445 : i32
        %dma_start3A_447 = arith.constant 0 : i32
        %dma_start3A_448 = arith.constant 0 : i32
        %dma_start3A_449 = tpu.memref_slice %arg5[%add3A_446, %dma_start3A_447, %dma_start3A_448] : memref<128x2x100xi32, #tpu.memory_space<vmem>> -> memref<1x1x100xi32, #tpu.memory_space<vmem>>
        %dma_start3A_450 = tpu.memref_squeeze %dma_start3A_449 : memref<1x1x100xi32, #tpu.memory_space<vmem>> -> memref<100xi32, #tpu.memory_space<vmem>>
        %dma_start3A_451 = arith.constant 0 : i32
        %dma_start3A_452 = arith.constant 0 : i32
        %dma_start3A_453 = tpu.memref_slice %arg3[%dma_start3A_451, %dma_start3A_452] : memref<100000x128xf32, #tpu.memory_space<hbm>> -> memref<100000x128xf32, #tpu.memory_space<hbm>>
        tpu.enqueue_indirect_dma source(%dma_start3A_453 : memref<100000x128xf32, #tpu.memory_space<hbm>>) target(%arg8 : memref<100x128xf32, #tpu.memory_space<vmem>>) offsets(%dma_start3A_450 : memref<100xi32, #tpu.memory_space<vmem>>) semaphore(%arg15 : memref<!tpu.dma_semaphore, #tpu.memory_space<semaphore_mem>>)
      } else {
      }
      %dma_wait3A_309 = arith.constant 1 : i32
      %dma_wait3A_310 = arith.constant 0 : i32
      %dma_wait3A_311 = tpu.memref_slice %arg5[%add3A_290, %dma_wait3A_309, %dma_wait3A_310] : memref<128x2x100xi32, #tpu.memory_space<vmem>> -> memref<1x1x100xi32, #tpu.memory_space<vmem>>
      %dma_wait3A_312 = tpu.memref_squeeze %dma_wait3A_311 : memref<1x1x100xi32, #tpu.memory_space<vmem>> -> memref<100xi32, #tpu.memory_space<vmem>>
      %dma_wait3A_313 = arith.constant 0 : i32
      %dma_wait3A_314 = arith.constant 0 : i32
      %dma_wait3A_315 = tpu.memref_slice %arg3[%dma_wait3A_313, %dma_wait3A_314] : memref<100000x128xf32, #tpu.memory_space<hbm>> -> memref<100000x128xf32, #tpu.memory_space<hbm>>
      tpu.wait_indirect_dma semaphore(%arg16 : memref<!tpu.dma_semaphore, #tpu.memory_space<semaphore_mem>>) src(%dma_wait3A_315 : memref<100000x128xf32, #tpu.memory_space<hbm>>) dst(%arg9 : memref<100x128xf32, #tpu.memory_space<vmem>>)
      %parallel_loop3A_316 = arith.constant 0 : i32
      %parallel_loop3A_317 = arith.constant 50 : i32
      %parallel_loop3A_318 = arith.constant 1 : i32
      %parallel_loop3A_319:8 = scf.for %parallel_loop3A_445 = %parallel_loop3A_316 to %parallel_loop3A_317 step %parallel_loop3A_318 iter_args(%parallel_loop3A_446 = %parallel_loop3A_301#0, %parallel_loop3A_447 = %parallel_loop3A_301#1, %parallel_loop3A_448 = %parallel_loop3A_301#2, %parallel_loop3A_449 = %parallel_loop3A_301#3, %parallel_loop3A_450 = %parallel_loop3A_301#4, %parallel_loop3A_451 = %parallel_loop3A_301#5, %parallel_loop3A_452 = %parallel_loop3A_301#6, %parallel_loop3A_453 = %parallel_loop3A_301#7) -> (vector<16xf32>, vector<16xf32>, vector<16xf32>, vector<16xf32>, vector<16xf32>, vector<16xf32>, vector<16xf32>, vector<16xf32>)  : i32 {
        %parallel_loop3A_454 = arith.constant 2 : i32
        %parallel_loop3A_455 = arith.muli %parallel_loop3A_454, %parallel_loop3A_445 : i32
        %parallel_loop3A_456 = arith.index_cast %parallel_loop3A_455 : i32 to index
        %parallel_loop3A_457 = arith.constant 0 : index
        %parallel_loop3A_458 = tpu.vector_load %arg9[%parallel_loop3A_456, %parallel_loop3A_457] {strides = array<i32>} : memref<100x128xf32, #tpu.memory_space<vmem>>, vector<1x16xf32>,
        %parallel_loop3A_459 = vector.shape_cast %parallel_loop3A_458 : vector<1x16xf32> to vector<16xf32>
        %parallel_loop3A_460 = arith.addf %parallel_loop3A_446, %parallel_loop3A_459 : vector<16xf32>
        %parallel_loop3A_461 = arith.constant 2 : i32
        %parallel_loop3A_462 = arith.muli %parallel_loop3A_461, %parallel_loop3A_445 : i32
        %parallel_loop3A_463 = arith.constant 1 : i32
        %parallel_loop3A_464 = arith.addi %parallel_loop3A_462, %parallel_loop3A_463 : i32
        %parallel_loop3A_465 = arith.index_cast %parallel_loop3A_464 : i32 to index
        %parallel_loop3A_466 = arith.constant 0 : index
        %parallel_loop3A_467 = tpu.vector_load %arg9[%parallel_loop3A_465, %parallel_loop3A_466] {strides = array<i32>} : memref<100x128xf32, #tpu.memory_space<vmem>>, vector<1x16xf32>,
        %parallel_loop3A_468 = vector.shape_cast %parallel_loop3A_467 : vector<1x16xf32> to vector<16xf32>
        %parallel_loop3A_469 = arith.addf %parallel_loop3A_460, %parallel_loop3A_468 : vector<16xf32>
        %parallel_loop3A_470 = arith.constant 2 : i32
        %parallel_loop3A_471 = arith.muli %parallel_loop3A_470, %parallel_loop3A_445 : i32
        %parallel_loop3A_472 = arith.index_cast %parallel_loop3A_471 : i32 to index
        %parallel_loop3A_473 = arith.constant 16 : index
        %parallel_loop3A_474 = tpu.vector_load %arg9[%parallel_loop3A_472, %parallel_loop3A_473] {strides = array<i32>} : memref<100x128xf32, #tpu.memory_space<vmem>>, vector<1x16xf32>,
        %parallel_loop3A_475 = vector.shape_cast %parallel_loop3A_474 : vector<1x16xf32> to vector<16xf32>
        %parallel_loop3A_476 = arith.addf %parallel_loop3A_447, %parallel_loop3A_475 : vector<16xf32>
        %parallel_loop3A_477 = arith.constant 2 : i32
        %parallel_loop3A_478 = arith.muli %parallel_loop3A_477, %parallel_loop3A_445 : i32
        %parallel_loop3A_479 = arith.constant 1 : i32
        %parallel_loop3A_480 = arith.addi %parallel_loop3A_478, %parallel_loop3A_479 : i32
        %parallel_loop3A_481 = arith.index_cast %parallel_loop3A_480 : i32 to index
        %parallel_loop3A_482 = arith.constant 16 : index
        %parallel_loop3A_483 = tpu.vector_load %arg9[%parallel_loop3A_481, %parallel_loop3A_482] {strides = array<i32>} : memref<100x128xf32, #tpu.memory_space<vmem>>, vector<1x16xf32>,
        %parallel_loop3A_484 = vector.shape_cast %parallel_loop3A_483 : vector<1x16xf32> to vector<16xf32>
        %parallel_loop3A_485 = arith.addf %parallel_loop3A_476, %parallel_loop3A_484 : vector<16xf32>
        %parallel_loop3A_486 = arith.constant 2 : i32
        %parallel_loop3A_487 = arith.muli %parallel_loop3A_486, %parallel_loop3A_445 : i32
        %parallel_loop3A_488 = arith.index_cast %parallel_loop3A_487 : i32 to index
        %parallel_loop3A_489 = arith.constant 32 : index
        %parallel_loop3A_490 = tpu.vector_load %arg9[%parallel_loop3A_488, %parallel_loop3A_489] {strides = array<i32>} : memref<100x128xf32, #tpu.memory_space<vmem>>, vector<1x16xf32>,
        %parallel_loop3A_491 = vector.shape_cast %parallel_loop3A_490 : vector<1x16xf32> to vector<16xf32>
        %parallel_loop3A_492 = arith.addf %parallel_loop3A_448, %parallel_loop3A_491 : vector<16xf32>
        %parallel_loop3A_493 = arith.constant 2 : i32
        %parallel_loop3A_494 = arith.muli %parallel_loop3A_493, %parallel_loop3A_445 : i32
        %parallel_loop3A_495 = arith.constant 1 : i32
        %parallel_loop3A_496 = arith.addi %parallel_loop3A_494, %parallel_loop3A_495 : i32
        %parallel_loop3A_497 = arith.index_cast %parallel_loop3A_496 : i32 to index
        %parallel_loop3A_498 = arith.constant 32 : index
        %parallel_loop3A_499 = tpu.vector_load %arg9[%parallel_loop3A_497, %parallel_loop3A_498] {strides = array<i32>} : memref<100x128xf32, #tpu.memory_space<vmem>>, vector<1x16xf32>,
        %parallel_loop3A_500 = vector.shape_cast %parallel_loop3A_499 : vector<1x16xf32> to vector<16xf32>
        %parallel_loop3A_501 = arith.addf %parallel_loop3A_492, %parallel_loop3A_500 : vector<16xf32>
        %parallel_loop3A_502 = arith.constant 2 : i32
        %parallel_loop3A_503 = arith.muli %parallel_loop3A_502, %parallel_loop3A_445 : i32
        %parallel_loop3A_504 = arith.index_cast %parallel_loop3A_503 : i32 to index
        %parallel_loop3A_505 = arith.constant 48 : index
        %parallel_loop3A_506 = tpu.vector_load %arg9[%parallel_loop3A_504, %parallel_loop3A_505] {strides = array<i32>} : memref<100x128xf32, #tpu.memory_space<vmem>>, vector<1x16xf32>,
        %parallel_loop3A_507 = vector.shape_cast %parallel_loop3A_506 : vector<1x16xf32> to vector<16xf32>
        %parallel_loop3A_508 = arith.addf %parallel_loop3A_449, %parallel_loop3A_507 : vector<16xf32>
        %parallel_loop3A_509 = arith.constant 2 : i32
        %parallel_loop3A_510 = arith.muli %parallel_loop3A_509, %parallel_loop3A_445 : i32
        %parallel_loop3A_511 = arith.constant 1 : i32
        %parallel_loop3A_512 = arith.addi %parallel_loop3A_510, %parallel_loop3A_511 : i32
        %parallel_loop3A_513 = arith.index_cast %parallel_loop3A_512 : i32 to index
        %parallel_loop3A_514 = arith.constant 48 : index
        %parallel_loop3A_515 = tpu.vector_load %arg9[%parallel_loop3A_513, %parallel_loop3A_514] {strides = array<i32>} : memref<100x128xf32, #tpu.memory_space<vmem>>, vector<1x16xf32>,
        %parallel_loop3A_516 = vector.shape_cast %parallel_loop3A_515 : vector<1x16xf32> to vector<16xf32>
        %parallel_loop3A_517 = arith.addf %parallel_loop3A_508, %parallel_loop3A_516 : vector<16xf32>
        %parallel_loop3A_518 = arith.constant 2 : i32
        %parallel_loop3A_519 = arith.muli %parallel_loop3A_518, %parallel_loop3A_445 : i32
        %parallel_loop3A_520 = arith.index_cast %parallel_loop3A_519 : i32 to index
        %parallel_loop3A_521 = arith.constant 64 : index
        %parallel_loop3A_522 = tpu.vector_load %arg9[%parallel_loop3A_520, %parallel_loop3A_521] {strides = array<i32>} : memref<100x128xf32, #tpu.memory_space<vmem>>, vector<1x16xf32>,
        %parallel_loop3A_523 = vector.shape_cast %parallel_loop3A_522 : vector<1x16xf32> to vector<16xf32>
        %parallel_loop3A_524 = arith.addf %parallel_loop3A_450, %parallel_loop3A_523 : vector<16xf32>
        %parallel_loop3A_525 = arith.constant 2 : i32
        %parallel_loop3A_526 = arith.muli %parallel_loop3A_525, %parallel_loop3A_445 : i32
        %parallel_loop3A_527 = arith.constant 1 : i32
        %parallel_loop3A_528 = arith.addi %parallel_loop3A_526, %parallel_loop3A_527 : i32
        %parallel_loop3A_529 = arith.index_cast %parallel_loop3A_528 : i32 to index
        %parallel_loop3A_530 = arith.constant 64 : index
        %parallel_loop3A_531 = tpu.vector_load %arg9[%parallel_loop3A_529, %parallel_loop3A_530] {strides = array<i32>} : memref<100x128xf32, #tpu.memory_space<vmem>>, vector<1x16xf32>,
        %parallel_loop3A_532 = vector.shape_cast %parallel_loop3A_531 : vector<1x16xf32> to vector<16xf32>
        %parallel_loop3A_533 = arith.addf %parallel_loop3A_524, %parallel_loop3A_532 : vector<16xf32>
        %parallel_loop3A_534 = arith.constant 2 : i32
        %parallel_loop3A_535 = arith.muli %parallel_loop3A_534, %parallel_loop3A_445 : i32
        %parallel_loop3A_536 = arith.index_cast %parallel_loop3A_535 : i32 to index
        %parallel_loop3A_537 = arith.constant 80 : index
        %parallel_loop3A_538 = tpu.vector_load %arg9[%parallel_loop3A_536, %parallel_loop3A_537] {strides = array<i32>} : memref<100x128xf32, #tpu.memory_space<vmem>>, vector<1x16xf32>,
        %parallel_loop3A_539 = vector.shape_cast %parallel_loop3A_538 : vector<1x16xf32> to vector<16xf32>
        %parallel_loop3A_540 = arith.addf %parallel_loop3A_451, %parallel_loop3A_539 : vector<16xf32>
        %parallel_loop3A_541 = arith.constant 2 : i32
        %parallel_loop3A_542 = arith.muli %parallel_loop3A_541, %parallel_loop3A_445 : i32
        %parallel_loop3A_543 = arith.constant 1 : i32
        %parallel_loop3A_544 = arith.addi %parallel_loop3A_542, %parallel_loop3A_543 : i32
        %parallel_loop3A_545 = arith.index_cast %parallel_loop3A_544 : i32 to index
        %parallel_loop3A_546 = arith.constant 80 : index
        %parallel_loop3A_547 = tpu.vector_load %arg9[%parallel_loop3A_545, %parallel_loop3A_546] {strides = array<i32>} : memref<100x128xf32, #tpu.memory_space<vmem>>, vector<1x16xf32>,
        %parallel_loop3A_548 = vector.shape_cast %parallel_loop3A_547 : vector<1x16xf32> to vector<16xf32>
        %parallel_loop3A_549 = arith.addf %parallel_loop3A_540, %parallel_loop3A_548 : vector<16xf32>
        %parallel_loop3A_550 = arith.constant 2 : i32
        %parallel_loop3A_551 = arith.muli %parallel_loop3A_550, %parallel_loop3A_445 : i32
        %parallel_loop3A_552 = arith.index_cast %parallel_loop3A_551 : i32 to index
        %parallel_loop3A_553 = arith.constant 96 : index
        %parallel_loop3A_554 = tpu.vector_load %arg9[%parallel_loop3A_552, %parallel_loop3A_553] {strides = array<i32>} : memref<100x128xf32, #tpu.memory_space<vmem>>, vector<1x16xf32>,
        %parallel_loop3A_555 = vector.shape_cast %parallel_loop3A_554 : vector<1x16xf32> to vector<16xf32>
        %parallel_loop3A_556 = arith.addf %parallel_loop3A_452, %parallel_loop3A_555 : vector<16xf32>
        %parallel_loop3A_557 = arith.constant 2 : i32
        %parallel_loop3A_558 = arith.muli %parallel_loop3A_557, %parallel_loop3A_445 : i32
        %parallel_loop3A_559 = arith.constant 1 : i32
        %parallel_loop3A_560 = arith.addi %parallel_loop3A_558, %parallel_loop3A_559 : i32
        %parallel_loop3A_561 = arith.index_cast %parallel_loop3A_560 : i32 to index
        %parallel_loop3A_562 = arith.constant 96 : index
        %parallel_loop3A_563 = tpu.vector_load %arg9[%parallel_loop3A_561, %parallel_loop3A_562] {strides = array<i32>} : memref<100x128xf32, #tpu.memory_space<vmem>>, vector<1x16xf32>,
        %parallel_loop3A_564 = vector.shape_cast %parallel_loop3A_563 : vector<1x16xf32> to vector<16xf32>
        %parallel_loop3A_565 = arith.addf %parallel_loop3A_556, %parallel_loop3A_564 : vector<16xf32>
        %parallel_loop3A_566 = arith.constant 2 : i32
        %parallel_loop3A_567 = arith.muli %parallel_loop3A_566, %parallel_loop3A_445 : i32
        %parallel_loop3A_568 = arith.index_cast %parallel_loop3A_567 : i32 to index
        %parallel_loop3A_569 = arith.constant 112 : index
        %parallel_loop3A_570 = tpu.vector_load %arg9[%parallel_loop3A_568, %parallel_loop3A_569] {strides = array<i32>} : memref<100x128xf32, #tpu.memory_space<vmem>>, vector<1x16xf32>,
        %parallel_loop3A_571 = vector.shape_cast %parallel_loop3A_570 : vector<1x16xf32> to vector<16xf32>
        %parallel_loop3A_572 = arith.addf %parallel_loop3A_453, %parallel_loop3A_571 : vector<16xf32>
        %parallel_loop3A_573 = arith.constant 2 : i32
        %parallel_loop3A_574 = arith.muli %parallel_loop3A_573, %parallel_loop3A_445 : i32
        %parallel_loop3A_575 = arith.constant 1 : i32
        %parallel_loop3A_576 = arith.addi %parallel_loop3A_574, %parallel_loop3A_575 : i32
        %parallel_loop3A_577 = arith.index_cast %parallel_loop3A_576 : i32 to index
        %parallel_loop3A_578 = arith.constant 112 : index
        %parallel_loop3A_579 = tpu.vector_load %arg9[%parallel_loop3A_577, %parallel_loop3A_578] {strides = array<i32>} : memref<100x128xf32, #tpu.memory_space<vmem>>, vector<1x16xf32>,
        %parallel_loop3A_580 = vector.shape_cast %parallel_loop3A_579 : vector<1x16xf32> to vector<16xf32>
        %parallel_loop3A_581 = arith.addf %parallel_loop3A_572, %parallel_loop3A_580 : vector<16xf32>
        scf.yield %parallel_loop3A_469, %parallel_loop3A_485, %parallel_loop3A_501, %parallel_loop3A_517, %parallel_loop3A_533, %parallel_loop3A_549, %parallel_loop3A_565, %parallel_loop3A_581 : vector<16xf32>, vector<16xf32>, vector<16xf32>, vector<16xf32>, vector<16xf32>, vector<16xf32>, vector<16xf32>, vector<16xf32>
      } {sc.loop_unroll_factor = 4 : i64, sc.parallel_access}
      %add3A_320 = arith.constant 3 : i32
      %add3A_321 = arith.addi %add3A_290, %add3A_320 : i32
      %lt3A_322 = arith.constant 128 : i32
      %lt3A_323 = arith.cmpi slt, %add3A_321, %lt3A_322 : i32
      %convert_element_type3A_324 = arith.extui %lt3A_323 : i1 to i32
      %cond3A_325 = arith.constant 0 : i32
      %cond3A_326 = arith.cmpi ne, %convert_element_type3A_324, %cond3A_325 : i32
      scf.if %cond3A_326 {
        %add3A_445 = arith.constant 3 : i32
        %add3A_446 = arith.addi %add3A_290, %add3A_445 : i32
        %dma_start3A_447 = arith.constant 1 : i32
        %dma_start3A_448 = arith.constant 0 : i32
        %dma_start3A_449 = tpu.memref_slice %arg5[%add3A_446, %dma_start3A_447, %dma_start3A_448] : memref<128x2x100xi32, #tpu.memory_space<vmem>> -> memref<1x1x100xi32, #tpu.memory_space<vmem>>
        %dma_start3A_450 = tpu.memref_squeeze %dma_start3A_449 : memref<1x1x100xi32, #tpu.memory_space<vmem>> -> memref<100xi32, #tpu.memory_space<vmem>>
        %dma_start3A_451 = arith.constant 0 : i32
        %dma_start3A_452 = arith.constant 0 : i32
        %dma_start3A_453 = tpu.memref_slice %arg3[%dma_start3A_451, %dma_start3A_452] : memref<100000x128xf32, #tpu.memory_space<hbm>> -> memref<100000x128xf32, #tpu.memory_space<hbm>>
        tpu.enqueue_indirect_dma source(%dma_start3A_453 : memref<100000x128xf32, #tpu.memory_space<hbm>>) target(%arg9 : memref<100x128xf32, #tpu.memory_space<vmem>>) offsets(%dma_start3A_450 : memref<100xi32, #tpu.memory_space<vmem>>) semaphore(%arg16 : memref<!tpu.dma_semaphore, #tpu.memory_space<semaphore_mem>>)
      } else {
      }
      %swap3A_327 = arith.index_cast %add3A_290 : i32 to index
      %swap3A_328 = arith.constant 0 : index
      %swap3A_329 = tpu.vector_load %arg12[%swap3A_327, %swap3A_328] {strides = array<i32>} : memref<128x128xf32, #tpu.memory_space<vmem>>, vector<1x16xf32>,
      %swap3A_330 = vector.shape_cast %swap3A_329 : vector<1x16xf32> to vector<16xf32>
      %swap3A_331 = vector.shape_cast %parallel_loop3A_319#0 : vector<16xf32> to vector<1x16xf32>
      tpu.vector_store %arg12[%swap3A_327, %swap3A_328], %swap3A_331 {strides = array<i32>} : memref<128x128xf32, #tpu.memory_space<vmem>>, vector<1x16xf32>,
      %swap3A_332 = arith.index_cast %add3A_290 : i32 to index
      %swap3A_333 = arith.constant 16 : index
      %swap3A_334 = tpu.vector_load %arg12[%swap3A_332, %swap3A_333] {strides = array<i32>} : memref<128x128xf32, #tpu.memory_space<vmem>>, vector<1x16xf32>,
      %swap3A_335 = vector.shape_cast %swap3A_334 : vector<1x16xf32> to vector<16xf32>
      %swap3A_336 = vector.shape_cast %parallel_loop3A_319#1 : vector<16xf32> to vector<1x16xf32>
      tpu.vector_store %arg12[%swap3A_332, %swap3A_333], %swap3A_336 {strides = array<i32>} : memref<128x128xf32, #tpu.memory_space<vmem>>, vector<1x16xf32>,
      %swap3A_337 = arith.index_cast %add3A_290 : i32 to index
      %swap3A_338 = arith.constant 32 : index
      %swap3A_339 = tpu.vector_load %arg12[%swap3A_337, %swap3A_338] {strides = array<i32>} : memref<128x128xf32, #tpu.memory_space<vmem>>, vector<1x16xf32>,
      %swap3A_340 = vector.shape_cast %swap3A_339 : vector<1x16xf32> to vector<16xf32>
      %swap3A_341 = vector.shape_cast %parallel_loop3A_319#2 : vector<16xf32> to vector<1x16xf32>
      tpu.vector_store %arg12[%swap3A_337, %swap3A_338], %swap3A_341 {strides = array<i32>} : memref<128x128xf32, #tpu.memory_space<vmem>>, vector<1x16xf32>,
      %swap3A_342 = arith.index_cast %add3A_290 : i32 to index
      %swap3A_343 = arith.constant 48 : index
      %swap3A_344 = tpu.vector_load %arg12[%swap3A_342, %swap3A_343] {strides = array<i32>} : memref<128x128xf32, #tpu.memory_space<vmem>>, vector<1x16xf32>,
      %swap3A_345 = vector.shape_cast %swap3A_344 : vector<1x16xf32> to vector<16xf32>
      %swap3A_346 = vector.shape_cast %parallel_loop3A_319#3 : vector<16xf32> to vector<1x16xf32>
      tpu.vector_store %arg12[%swap3A_342, %swap3A_343], %swap3A_346 {strides = array<i32>} : memref<128x128xf32, #tpu.memory_space<vmem>>, vector<1x16xf32>,
      %swap3A_347 = arith.index_cast %add3A_290 : i32 to index
      %swap3A_348 = arith.constant 64 : index
      %swap3A_349 = tpu.vector_load %arg12[%swap3A_347, %swap3A_348] {strides = array<i32>} : memref<128x128xf32, #tpu.memory_space<vmem>>, vector<1x16xf32>,
      %swap3A_350 = vector.shape_cast %swap3A_349 : vector<1x16xf32> to vector<16xf32>
      %swap3A_351 = vector.shape_cast %parallel_loop3A_319#4 : vector<16xf32> to vector<1x16xf32>
      tpu.vector_store %arg12[%swap3A_347, %swap3A_348], %swap3A_351 {strides = array<i32>} : memref<128x128xf32, #tpu.memory_space<vmem>>, vector<1x16xf32>,
      %swap3A_352 = arith.index_cast %add3A_290 : i32 to index
      %swap3A_353 = arith.constant 80 : index
      %swap3A_354 = tpu.vector_load %arg12[%swap3A_352, %swap3A_353] {strides = array<i32>} : memref<128x128xf32, #tpu.memory_space<vmem>>, vector<1x16xf32>,
      %swap3A_355 = vector.shape_cast %swap3A_354 : vector<1x16xf32> to vector<16xf32>
      %swap3A_356 = vector.shape_cast %parallel_loop3A_319#5 : vector<16xf32> to vector<1x16xf32>
      tpu.vector_store %arg12[%swap3A_352, %swap3A_353], %swap3A_356 {strides = array<i32>} : memref<128x128xf32, #tpu.memory_space<vmem>>, vector<1x16xf32>,
      %swap3A_357 = arith.index_cast %add3A_290 : i32 to index
      %swap3A_358 = arith.constant 96 : index
      %swap3A_359 = tpu.vector_load %arg12[%swap3A_357, %swap3A_358] {strides = array<i32>} : memref<128x128xf32, #tpu.memory_space<vmem>>, vector<1x16xf32>,
      %swap3A_360 = vector.shape_cast %swap3A_359 : vector<1x16xf32> to vector<16xf32>
      %swap3A_361 = vector.shape_cast %parallel_loop3A_319#6 : vector<16xf32> to vector<1x16xf32>
      tpu.vector_store %arg12[%swap3A_357, %swap3A_358], %swap3A_361 {strides = array<i32>} : memref<128x128xf32, #tpu.memory_space<vmem>>, vector<1x16xf32>,
      %swap3A_362 = arith.index_cast %add3A_290 : i32 to index
      %swap3A_363 = arith.constant 112 : index
      %swap3A_364 = tpu.vector_load %arg12[%swap3A_362, %swap3A_363] {strides = array<i32>} : memref<128x128xf32, #tpu.memory_space<vmem>>, vector<1x16xf32>,
      %swap3A_365 = vector.shape_cast %swap3A_364 : vector<1x16xf32> to vector<16xf32>
      %swap3A_366 = vector.shape_cast %parallel_loop3A_319#7 : vector<16xf32> to vector<1x16xf32>
      tpu.vector_store %arg12[%swap3A_362, %swap3A_363], %swap3A_366 {strides = array<i32>} : memref<128x128xf32, #tpu.memory_space<vmem>>, vector<1x16xf32>,
      %add3A_367 = arith.constant 2 : i32
      %add3A_368 = arith.addi %mul3A_213, %add3A_367 : i32
      %dma_wait3A_369 = arith.constant 0 : i32
      %dma_wait3A_370 = arith.constant 0 : i32
      %dma_wait3A_371 = tpu.memref_slice %arg5[%add3A_368, %dma_wait3A_369, %dma_wait3A_370] : memref<128x2x100xi32, #tpu.memory_space<vmem>> -> memref<1x1x100xi32, #tpu.memory_space<vmem>>
      %dma_wait3A_372 = tpu.memref_squeeze %dma_wait3A_371 : memref<1x1x100xi32, #tpu.memory_space<vmem>> -> memref<100xi32, #tpu.memory_space<vmem>>
      %dma_wait3A_373 = arith.constant 0 : i32
      %dma_wait3A_374 = arith.constant 0 : i32
      %dma_wait3A_375 = tpu.memref_slice %arg3[%dma_wait3A_373, %dma_wait3A_374] : memref<100000x128xf32, #tpu.memory_space<hbm>> -> memref<100000x128xf32, #tpu.memory_space<hbm>>
      tpu.wait_indirect_dma semaphore(%arg17 : memref<!tpu.dma_semaphore, #tpu.memory_space<semaphore_mem>>) src(%dma_wait3A_375 : memref<100000x128xf32, #tpu.memory_space<hbm>>) dst(%arg10 : memref<100x128xf32, #tpu.memory_space<vmem>>)
      %parallel_loop3A_376 = arith.constant 0 : i32
      %parallel_loop3A_377 = arith.constant 50 : i32
      %parallel_loop3A_378 = arith.constant 1 : i32
      %parallel_loop3A_379:8 = scf.for %parallel_loop3A_445 = %parallel_loop3A_376 to %parallel_loop3A_377 step %parallel_loop3A_378 iter_args(%parallel_loop3A_446 = %broadcast_in_dim3A_50, %parallel_loop3A_447 = %broadcast_in_dim3A_52, %parallel_loop3A_448 = %broadcast_in_dim3A_54, %parallel_loop3A_449 = %broadcast_in_dim3A_56, %parallel_loop3A_450 = %broadcast_in_dim3A_58, %parallel_loop3A_451 = %broadcast_in_dim3A_60, %parallel_loop3A_452 = %broadcast_in_dim3A_62, %parallel_loop3A_453 = %broadcast_in_dim3A_64) -> (vector<16xf32>, vector<16xf32>, vector<16xf32>, vector<16xf32>, vector<16xf32>, vector<16xf32>, vector<16xf32>, vector<16xf32>)  : i32 {
        %parallel_loop3A_454 = arith.constant 2 : i32
        %parallel_loop3A_455 = arith.muli %parallel_loop3A_454, %parallel_loop3A_445 : i32
        %parallel_loop3A_456 = arith.index_cast %parallel_loop3A_455 : i32 to index
        %parallel_loop3A_457 = arith.constant 0 : index
        %parallel_loop3A_458 = tpu.vector_load %arg10[%parallel_loop3A_456, %parallel_loop3A_457] {strides = array<i32>} : memref<100x128xf32, #tpu.memory_space<vmem>>, vector<1x16xf32>,
        %parallel_loop3A_459 = vector.shape_cast %parallel_loop3A_458 : vector<1x16xf32> to vector<16xf32>
        %parallel_loop3A_460 = arith.addf %parallel_loop3A_446, %parallel_loop3A_459 : vector<16xf32>
        %parallel_loop3A_461 = arith.constant 2 : i32
        %parallel_loop3A_462 = arith.muli %parallel_loop3A_461, %parallel_loop3A_445 : i32
        %parallel_loop3A_463 = arith.constant 1 : i32
        %parallel_loop3A_464 = arith.addi %parallel_loop3A_462, %parallel_loop3A_463 : i32
        %parallel_loop3A_465 = arith.index_cast %parallel_loop3A_464 : i32 to index
        %parallel_loop3A_466 = arith.constant 0 : index
        %parallel_loop3A_467 = tpu.vector_load %arg10[%parallel_loop3A_465, %parallel_loop3A_466] {strides = array<i32>} : memref<100x128xf32, #tpu.memory_space<vmem>>, vector<1x16xf32>,
        %parallel_loop3A_468 = vector.shape_cast %parallel_loop3A_467 : vector<1x16xf32> to vector<16xf32>
        %parallel_loop3A_469 = arith.addf %parallel_loop3A_460, %parallel_loop3A_468 : vector<16xf32>
        %parallel_loop3A_470 = arith.constant 2 : i32
        %parallel_loop3A_471 = arith.muli %parallel_loop3A_470, %parallel_loop3A_445 : i32
        %parallel_loop3A_472 = arith.index_cast %parallel_loop3A_471 : i32 to index
        %parallel_loop3A_473 = arith.constant 16 : index
        %parallel_loop3A_474 = tpu.vector_load %arg10[%parallel_loop3A_472, %parallel_loop3A_473] {strides = array<i32>} : memref<100x128xf32, #tpu.memory_space<vmem>>, vector<1x16xf32>,
        %parallel_loop3A_475 = vector.shape_cast %parallel_loop3A_474 : vector<1x16xf32> to vector<16xf32>
        %parallel_loop3A_476 = arith.addf %parallel_loop3A_447, %parallel_loop3A_475 : vector<16xf32>
        %parallel_loop3A_477 = arith.constant 2 : i32
        %parallel_loop3A_478 = arith.muli %parallel_loop3A_477, %parallel_loop3A_445 : i32
        %parallel_loop3A_479 = arith.constant 1 : i32
        %parallel_loop3A_480 = arith.addi %parallel_loop3A_478, %parallel_loop3A_479 : i32
        %parallel_loop3A_481 = arith.index_cast %parallel_loop3A_480 : i32 to index
        %parallel_loop3A_482 = arith.constant 16 : index
        %parallel_loop3A_483 = tpu.vector_load %arg10[%parallel_loop3A_481, %parallel_loop3A_482] {strides = array<i32>} : memref<100x128xf32, #tpu.memory_space<vmem>>, vector<1x16xf32>,
        %parallel_loop3A_484 = vector.shape_cast %parallel_loop3A_483 : vector<1x16xf32> to vector<16xf32>
        %parallel_loop3A_485 = arith.addf %parallel_loop3A_476, %parallel_loop3A_484 : vector<16xf32>
        %parallel_loop3A_486 = arith.constant 2 : i32
        %parallel_loop3A_487 = arith.muli %parallel_loop3A_486, %parallel_loop3A_445 : i32
        %parallel_loop3A_488 = arith.index_cast %parallel_loop3A_487 : i32 to index
        %parallel_loop3A_489 = arith.constant 32 : index
        %parallel_loop3A_490 = tpu.vector_load %arg10[%parallel_loop3A_488, %parallel_loop3A_489] {strides = array<i32>} : memref<100x128xf32, #tpu.memory_space<vmem>>, vector<1x16xf32>,
        %parallel_loop3A_491 = vector.shape_cast %parallel_loop3A_490 : vector<1x16xf32> to vector<16xf32>
        %parallel_loop3A_492 = arith.addf %parallel_loop3A_448, %parallel_loop3A_491 : vector<16xf32>
        %parallel_loop3A_493 = arith.constant 2 : i32
        %parallel_loop3A_494 = arith.muli %parallel_loop3A_493, %parallel_loop3A_445 : i32
        %parallel_loop3A_495 = arith.constant 1 : i32
        %parallel_loop3A_496 = arith.addi %parallel_loop3A_494, %parallel_loop3A_495 : i32
        %parallel_loop3A_497 = arith.index_cast %parallel_loop3A_496 : i32 to index
        %parallel_loop3A_498 = arith.constant 32 : index
        %parallel_loop3A_499 = tpu.vector_load %arg10[%parallel_loop3A_497, %parallel_loop3A_498] {strides = array<i32>} : memref<100x128xf32, #tpu.memory_space<vmem>>, vector<1x16xf32>,
        %parallel_loop3A_500 = vector.shape_cast %parallel_loop3A_499 : vector<1x16xf32> to vector<16xf32>
        %parallel_loop3A_501 = arith.addf %parallel_loop3A_492, %parallel_loop3A_500 : vector<16xf32>
        %parallel_loop3A_502 = arith.constant 2 : i32
        %parallel_loop3A_503 = arith.muli %parallel_loop3A_502, %parallel_loop3A_445 : i32
        %parallel_loop3A_504 = arith.index_cast %parallel_loop3A_503 : i32 to index
        %parallel_loop3A_505 = arith.constant 48 : index
        %parallel_loop3A_506 = tpu.vector_load %arg10[%parallel_loop3A_504, %parallel_loop3A_505] {strides = array<i32>} : memref<100x128xf32, #tpu.memory_space<vmem>>, vector<1x16xf32>,
        %parallel_loop3A_507 = vector.shape_cast %parallel_loop3A_506 : vector<1x16xf32> to vector<16xf32>
        %parallel_loop3A_508 = arith.addf %parallel_loop3A_449, %parallel_loop3A_507 : vector<16xf32>
        %parallel_loop3A_509 = arith.constant 2 : i32
        %parallel_loop3A_510 = arith.muli %parallel_loop3A_509, %parallel_loop3A_445 : i32
        %parallel_loop3A_511 = arith.constant 1 : i32
        %parallel_loop3A_512 = arith.addi %parallel_loop3A_510, %parallel_loop3A_511 : i32
        %parallel_loop3A_513 = arith.index_cast %parallel_loop3A_512 : i32 to index
        %parallel_loop3A_514 = arith.constant 48 : index
        %parallel_loop3A_515 = tpu.vector_load %arg10[%parallel_loop3A_513, %parallel_loop3A_514] {strides = array<i32>} : memref<100x128xf32, #tpu.memory_space<vmem>>, vector<1x16xf32>,
        %parallel_loop3A_516 = vector.shape_cast %parallel_loop3A_515 : vector<1x16xf32> to vector<16xf32>
        %parallel_loop3A_517 = arith.addf %parallel_loop3A_508, %parallel_loop3A_516 : vector<16xf32>
        %parallel_loop3A_518 = arith.constant 2 : i32
        %parallel_loop3A_519 = arith.muli %parallel_loop3A_518, %parallel_loop3A_445 : i32
        %parallel_loop3A_520 = arith.index_cast %parallel_loop3A_519 : i32 to index
        %parallel_loop3A_521 = arith.constant 64 : index
        %parallel_loop3A_522 = tpu.vector_load %arg10[%parallel_loop3A_520, %parallel_loop3A_521] {strides = array<i32>} : memref<100x128xf32, #tpu.memory_space<vmem>>, vector<1x16xf32>,
        %parallel_loop3A_523 = vector.shape_cast %parallel_loop3A_522 : vector<1x16xf32> to vector<16xf32>
        %parallel_loop3A_524 = arith.addf %parallel_loop3A_450, %parallel_loop3A_523 : vector<16xf32>
        %parallel_loop3A_525 = arith.constant 2 : i32
        %parallel_loop3A_526 = arith.muli %parallel_loop3A_525, %parallel_loop3A_445 : i32
        %parallel_loop3A_527 = arith.constant 1 : i32
        %parallel_loop3A_528 = arith.addi %parallel_loop3A_526, %parallel_loop3A_527 : i32
        %parallel_loop3A_529 = arith.index_cast %parallel_loop3A_528 : i32 to index
        %parallel_loop3A_530 = arith.constant 64 : index
        %parallel_loop3A_531 = tpu.vector_load %arg10[%parallel_loop3A_529, %parallel_loop3A_530] {strides = array<i32>} : memref<100x128xf32, #tpu.memory_space<vmem>>, vector<1x16xf32>,
        %parallel_loop3A_532 = vector.shape_cast %parallel_loop3A_531 : vector<1x16xf32> to vector<16xf32>
        %parallel_loop3A_533 = arith.addf %parallel_loop3A_524, %parallel_loop3A_532 : vector<16xf32>
        %parallel_loop3A_534 = arith.constant 2 : i32
        %parallel_loop3A_535 = arith.muli %parallel_loop3A_534, %parallel_loop3A_445 : i32
        %parallel_loop3A_536 = arith.index_cast %parallel_loop3A_535 : i32 to index
        %parallel_loop3A_537 = arith.constant 80 : index
        %parallel_loop3A_538 = tpu.vector_load %arg10[%parallel_loop3A_536, %parallel_loop3A_537] {strides = array<i32>} : memref<100x128xf32, #tpu.memory_space<vmem>>, vector<1x16xf32>,
        %parallel_loop3A_539 = vector.shape_cast %parallel_loop3A_538 : vector<1x16xf32> to vector<16xf32>
        %parallel_loop3A_540 = arith.addf %parallel_loop3A_451, %parallel_loop3A_539 : vector<16xf32>
        %parallel_loop3A_541 = arith.constant 2 : i32
        %parallel_loop3A_542 = arith.muli %parallel_loop3A_541, %parallel_loop3A_445 : i32
        %parallel_loop3A_543 = arith.constant 1 : i32
        %parallel_loop3A_544 = arith.addi %parallel_loop3A_542, %parallel_loop3A_543 : i32
        %parallel_loop3A_545 = arith.index_cast %parallel_loop3A_544 : i32 to index
        %parallel_loop3A_546 = arith.constant 80 : index
        %parallel_loop3A_547 = tpu.vector_load %arg10[%parallel_loop3A_545, %parallel_loop3A_546] {strides = array<i32>} : memref<100x128xf32, #tpu.memory_space<vmem>>, vector<1x16xf32>,
        %parallel_loop3A_548 = vector.shape_cast %parallel_loop3A_547 : vector<1x16xf32> to vector<16xf32>
        %parallel_loop3A_549 = arith.addf %parallel_loop3A_540, %parallel_loop3A_548 : vector<16xf32>
        %parallel_loop3A_550 = arith.constant 2 : i32
        %parallel_loop3A_551 = arith.muli %parallel_loop3A_550, %parallel_loop3A_445 : i32
        %parallel_loop3A_552 = arith.index_cast %parallel_loop3A_551 : i32 to index
        %parallel_loop3A_553 = arith.constant 96 : index
        %parallel_loop3A_554 = tpu.vector_load %arg10[%parallel_loop3A_552, %parallel_loop3A_553] {strides = array<i32>} : memref<100x128xf32, #tpu.memory_space<vmem>>, vector<1x16xf32>,
        %parallel_loop3A_555 = vector.shape_cast %parallel_loop3A_554 : vector<1x16xf32> to vector<16xf32>
        %parallel_loop3A_556 = arith.addf %parallel_loop3A_452, %parallel_loop3A_555 : vector<16xf32>
        %parallel_loop3A_557 = arith.constant 2 : i32
        %parallel_loop3A_558 = arith.muli %parallel_loop3A_557, %parallel_loop3A_445 : i32
        %parallel_loop3A_559 = arith.constant 1 : i32
        %parallel_loop3A_560 = arith.addi %parallel_loop3A_558, %parallel_loop3A_559 : i32
        %parallel_loop3A_561 = arith.index_cast %parallel_loop3A_560 : i32 to index
        %parallel_loop3A_562 = arith.constant 96 : index
        %parallel_loop3A_563 = tpu.vector_load %arg10[%parallel_loop3A_561, %parallel_loop3A_562] {strides = array<i32>} : memref<100x128xf32, #tpu.memory_space<vmem>>, vector<1x16xf32>,
        %parallel_loop3A_564 = vector.shape_cast %parallel_loop3A_563 : vector<1x16xf32> to vector<16xf32>
        %parallel_loop3A_565 = arith.addf %parallel_loop3A_556, %parallel_loop3A_564 : vector<16xf32>
        %parallel_loop3A_566 = arith.constant 2 : i32
        %parallel_loop3A_567 = arith.muli %parallel_loop3A_566, %parallel_loop3A_445 : i32
        %parallel_loop3A_568 = arith.index_cast %parallel_loop3A_567 : i32 to index
        %parallel_loop3A_569 = arith.constant 112 : index
        %parallel_loop3A_570 = tpu.vector_load %arg10[%parallel_loop3A_568, %parallel_loop3A_569] {strides = array<i32>} : memref<100x128xf32, #tpu.memory_space<vmem>>, vector<1x16xf32>,
        %parallel_loop3A_571 = vector.shape_cast %parallel_loop3A_570 : vector<1x16xf32> to vector<16xf32>
        %parallel_loop3A_572 = arith.addf %parallel_loop3A_453, %parallel_loop3A_571 : vector<16xf32>
        %parallel_loop3A_573 = arith.constant 2 : i32
        %parallel_loop3A_574 = arith.muli %parallel_loop3A_573, %parallel_loop3A_445 : i32
        %parallel_loop3A_575 = arith.constant 1 : i32
        %parallel_loop3A_576 = arith.addi %parallel_loop3A_574, %parallel_loop3A_575 : i32
        %parallel_loop3A_577 = arith.index_cast %parallel_loop3A_576 : i32 to index
        %parallel_loop3A_578 = arith.constant 112 : index
        %parallel_loop3A_579 = tpu.vector_load %arg10[%parallel_loop3A_577, %parallel_loop3A_578] {strides = array<i32>} : memref<100x128xf32, #tpu.memory_space<vmem>>, vector<1x16xf32>,
        %parallel_loop3A_580 = vector.shape_cast %parallel_loop3A_579 : vector<1x16xf32> to vector<16xf32>
        %parallel_loop3A_581 = arith.addf %parallel_loop3A_572, %parallel_loop3A_580 : vector<16xf32>
        scf.yield %parallel_loop3A_469, %parallel_loop3A_485, %parallel_loop3A_501, %parallel_loop3A_517, %parallel_loop3A_533, %parallel_loop3A_549, %parallel_loop3A_565, %parallel_loop3A_581 : vector<16xf32>, vector<16xf32>, vector<16xf32>, vector<16xf32>, vector<16xf32>, vector<16xf32>, vector<16xf32>, vector<16xf32>
      } {sc.loop_unroll_factor = 4 : i64, sc.parallel_access}
      %add3A_380 = arith.constant 3 : i32
      %add3A_381 = arith.addi %add3A_368, %add3A_380 : i32
      %lt3A_382 = arith.constant 128 : i32
      %lt3A_383 = arith.cmpi slt, %add3A_381, %lt3A_382 : i32
      %convert_element_type3A_384 = arith.extui %lt3A_383 : i1 to i32
      %cond3A_385 = arith.constant 0 : i32
      %cond3A_386 = arith.cmpi ne, %convert_element_type3A_384, %cond3A_385 : i32
      scf.if %cond3A_386 {
        %add3A_445 = arith.constant 3 : i32
        %add3A_446 = arith.addi %add3A_368, %add3A_445 : i32
        %dma_start3A_447 = arith.constant 0 : i32
        %dma_start3A_448 = arith.constant 0 : i32
        %dma_start3A_449 = tpu.memref_slice %arg5[%add3A_446, %dma_start3A_447, %dma_start3A_448] : memref<128x2x100xi32, #tpu.memory_space<vmem>> -> memref<1x1x100xi32, #tpu.memory_space<vmem>>
        %dma_start3A_450 = tpu.memref_squeeze %dma_start3A_449 : memref<1x1x100xi32, #tpu.memory_space<vmem>> -> memref<100xi32, #tpu.memory_space<vmem>>
        %dma_start3A_451 = arith.constant 0 : i32
        %dma_start3A_452 = arith.constant 0 : i32
        %dma_start3A_453 = tpu.memref_slice %arg3[%dma_start3A_451, %dma_start3A_452] : memref<100000x128xf32, #tpu.memory_space<hbm>> -> memref<100000x128xf32, #tpu.memory_space<hbm>>
        tpu.enqueue_indirect_dma source(%dma_start3A_453 : memref<100000x128xf32, #tpu.memory_space<hbm>>) target(%arg10 : memref<100x128xf32, #tpu.memory_space<vmem>>) offsets(%dma_start3A_450 : memref<100xi32, #tpu.memory_space<vmem>>) semaphore(%arg17 : memref<!tpu.dma_semaphore, #tpu.memory_space<semaphore_mem>>)
      } else {
      }
      %dma_wait3A_387 = arith.constant 1 : i32
      %dma_wait3A_388 = arith.constant 0 : i32
      %dma_wait3A_389 = tpu.memref_slice %arg5[%add3A_368, %dma_wait3A_387, %dma_wait3A_388] : memref<128x2x100xi32, #tpu.memory_space<vmem>> -> memref<1x1x100xi32, #tpu.memory_space<vmem>>
      %dma_wait3A_390 = tpu.memref_squeeze %dma_wait3A_389 : memref<1x1x100xi32, #tpu.memory_space<vmem>> -> memref<100xi32, #tpu.memory_space<vmem>>
      %dma_wait3A_391 = arith.constant 0 : i32
      %dma_wait3A_392 = arith.constant 0 : i32
      %dma_wait3A_393 = tpu.memref_slice %arg3[%dma_wait3A_391, %dma_wait3A_392] : memref<100000x128xf32, #tpu.memory_space<hbm>> -> memref<100000x128xf32, #tpu.memory_space<hbm>>
      tpu.wait_indirect_dma semaphore(%arg18 : memref<!tpu.dma_semaphore, #tpu.memory_space<semaphore_mem>>) src(%dma_wait3A_393 : memref<100000x128xf32, #tpu.memory_space<hbm>>) dst(%arg11 : memref<100x128xf32, #tpu.memory_space<vmem>>)
      %parallel_loop3A_394 = arith.constant 0 : i32
      %parallel_loop3A_395 = arith.constant 50 : i32
      %parallel_loop3A_396 = arith.constant 1 : i32
      %parallel_loop3A_397:8 = scf.for %parallel_loop3A_445 = %parallel_loop3A_394 to %parallel_loop3A_395 step %parallel_loop3A_396 iter_args(%parallel_loop3A_446 = %parallel_loop3A_379#0, %parallel_loop3A_447 = %parallel_loop3A_379#1, %parallel_loop3A_448 = %parallel_loop3A_379#2, %parallel_loop3A_449 = %parallel_loop3A_379#3, %parallel_loop3A_450 = %parallel_loop3A_379#4, %parallel_loop3A_451 = %parallel_loop3A_379#5, %parallel_loop3A_452 = %parallel_loop3A_379#6, %parallel_loop3A_453 = %parallel_loop3A_379#7) -> (vector<16xf32>, vector<16xf32>, vector<16xf32>, vector<16xf32>, vector<16xf32>, vector<16xf32>, vector<16xf32>, vector<16xf32>)  : i32 {
        %parallel_loop3A_454 = arith.constant 2 : i32
        %parallel_loop3A_455 = arith.muli %parallel_loop3A_454, %parallel_loop3A_445 : i32
        %parallel_loop3A_456 = arith.index_cast %parallel_loop3A_455 : i32 to index
        %parallel_loop3A_457 = arith.constant 0 : index
        %parallel_loop3A_458 = tpu.vector_load %arg11[%parallel_loop3A_456, %parallel_loop3A_457] {strides = array<i32>} : memref<100x128xf32, #tpu.memory_space<vmem>>, vector<1x16xf32>,
        %parallel_loop3A_459 = vector.shape_cast %parallel_loop3A_458 : vector<1x16xf32> to vector<16xf32>
        %parallel_loop3A_460 = arith.addf %parallel_loop3A_446, %parallel_loop3A_459 : vector<16xf32>
        %parallel_loop3A_461 = arith.constant 2 : i32
        %parallel_loop3A_462 = arith.muli %parallel_loop3A_461, %parallel_loop3A_445 : i32
        %parallel_loop3A_463 = arith.constant 1 : i32
        %parallel_loop3A_464 = arith.addi %parallel_loop3A_462, %parallel_loop3A_463 : i32
        %parallel_loop3A_465 = arith.index_cast %parallel_loop3A_464 : i32 to index
        %parallel_loop3A_466 = arith.constant 0 : index
        %parallel_loop3A_467 = tpu.vector_load %arg11[%parallel_loop3A_465, %parallel_loop3A_466] {strides = array<i32>} : memref<100x128xf32, #tpu.memory_space<vmem>>, vector<1x16xf32>,
        %parallel_loop3A_468 = vector.shape_cast %parallel_loop3A_467 : vector<1x16xf32> to vector<16xf32>
        %parallel_loop3A_469 = arith.addf %parallel_loop3A_460, %parallel_loop3A_468 : vector<16xf32>
        %parallel_loop3A_470 = arith.constant 2 : i32
        %parallel_loop3A_471 = arith.muli %parallel_loop3A_470, %parallel_loop3A_445 : i32
        %parallel_loop3A_472 = arith.index_cast %parallel_loop3A_471 : i32 to index
        %parallel_loop3A_473 = arith.constant 16 : index
        %parallel_loop3A_474 = tpu.vector_load %arg11[%parallel_loop3A_472, %parallel_loop3A_473] {strides = array<i32>} : memref<100x128xf32, #tpu.memory_space<vmem>>, vector<1x16xf32>,
        %parallel_loop3A_475 = vector.shape_cast %parallel_loop3A_474 : vector<1x16xf32> to vector<16xf32>
        %parallel_loop3A_476 = arith.addf %parallel_loop3A_447, %parallel_loop3A_475 : vector<16xf32>
        %parallel_loop3A_477 = arith.constant 2 : i32
        %parallel_loop3A_478 = arith.muli %parallel_loop3A_477, %parallel_loop3A_445 : i32
        %parallel_loop3A_479 = arith.constant 1 : i32
        %parallel_loop3A_480 = arith.addi %parallel_loop3A_478, %parallel_loop3A_479 : i32
        %parallel_loop3A_481 = arith.index_cast %parallel_loop3A_480 : i32 to index
        %parallel_loop3A_482 = arith.constant 16 : index
        %parallel_loop3A_483 = tpu.vector_load %arg11[%parallel_loop3A_481, %parallel_loop3A_482] {strides = array<i32>} : memref<100x128xf32, #tpu.memory_space<vmem>>, vector<1x16xf32>,
        %parallel_loop3A_484 = vector.shape_cast %parallel_loop3A_483 : vector<1x16xf32> to vector<16xf32>
        %parallel_loop3A_485 = arith.addf %parallel_loop3A_476, %parallel_loop3A_484 : vector<16xf32>
        %parallel_loop3A_486 = arith.constant 2 : i32
        %parallel_loop3A_487 = arith.muli %parallel_loop3A_486, %parallel_loop3A_445 : i32
        %parallel_loop3A_488 = arith.index_cast %parallel_loop3A_487 : i32 to index
        %parallel_loop3A_489 = arith.constant 32 : index
        %parallel_loop3A_490 = tpu.vector_load %arg11[%parallel_loop3A_488, %parallel_loop3A_489] {strides = array<i32>} : memref<100x128xf32, #tpu.memory_space<vmem>>, vector<1x16xf32>,
        %parallel_loop3A_491 = vector.shape_cast %parallel_loop3A_490 : vector<1x16xf32> to vector<16xf32>
        %parallel_loop3A_492 = arith.addf %parallel_loop3A_448, %parallel_loop3A_491 : vector<16xf32>
        %parallel_loop3A_493 = arith.constant 2 : i32
        %parallel_loop3A_494 = arith.muli %parallel_loop3A_493, %parallel_loop3A_445 : i32
        %parallel_loop3A_495 = arith.constant 1 : i32
        %parallel_loop3A_496 = arith.addi %parallel_loop3A_494, %parallel_loop3A_495 : i32
        %parallel_loop3A_497 = arith.index_cast %parallel_loop3A_496 : i32 to index
        %parallel_loop3A_498 = arith.constant 32 : index
        %parallel_loop3A_499 = tpu.vector_load %arg11[%parallel_loop3A_497, %parallel_loop3A_498] {strides = array<i32>} : memref<100x128xf32, #tpu.memory_space<vmem>>, vector<1x16xf32>,
        %parallel_loop3A_500 = vector.shape_cast %parallel_loop3A_499 : vector<1x16xf32> to vector<16xf32>
        %parallel_loop3A_501 = arith.addf %parallel_loop3A_492, %parallel_loop3A_500 : vector<16xf32>
        %parallel_loop3A_502 = arith.constant 2 : i32
        %parallel_loop3A_503 = arith.muli %parallel_loop3A_502, %parallel_loop3A_445 : i32
        %parallel_loop3A_504 = arith.index_cast %parallel_loop3A_503 : i32 to index
        %parallel_loop3A_505 = arith.constant 48 : index
        %parallel_loop3A_506 = tpu.vector_load %arg11[%parallel_loop3A_504, %parallel_loop3A_505] {strides = array<i32>} : memref<100x128xf32, #tpu.memory_space<vmem>>, vector<1x16xf32>,
        %parallel_loop3A_507 = vector.shape_cast %parallel_loop3A_506 : vector<1x16xf32> to vector<16xf32>
        %parallel_loop3A_508 = arith.addf %parallel_loop3A_449, %parallel_loop3A_507 : vector<16xf32>
        %parallel_loop3A_509 = arith.constant 2 : i32
        %parallel_loop3A_510 = arith.muli %parallel_loop3A_509, %parallel_loop3A_445 : i32
        %parallel_loop3A_511 = arith.constant 1 : i32
        %parallel_loop3A_512 = arith.addi %parallel_loop3A_510, %parallel_loop3A_511 : i32
        %parallel_loop3A_513 = arith.index_cast %parallel_loop3A_512 : i32 to index
        %parallel_loop3A_514 = arith.constant 48 : index
        %parallel_loop3A_515 = tpu.vector_load %arg11[%parallel_loop3A_513, %parallel_loop3A_514] {strides = array<i32>} : memref<100x128xf32, #tpu.memory_space<vmem>>, vector<1x16xf32>,
        %parallel_loop3A_516 = vector.shape_cast %parallel_loop3A_515 : vector<1x16xf32> to vector<16xf32>
        %parallel_loop3A_517 = arith.addf %parallel_loop3A_508, %parallel_loop3A_516 : vector<16xf32>
        %parallel_loop3A_518 = arith.constant 2 : i32
        %parallel_loop3A_519 = arith.muli %parallel_loop3A_518, %parallel_loop3A_445 : i32
        %parallel_loop3A_520 = arith.index_cast %parallel_loop3A_519 : i32 to index
        %parallel_loop3A_521 = arith.constant 64 : index
        %parallel_loop3A_522 = tpu.vector_load %arg11[%parallel_loop3A_520, %parallel_loop3A_521] {strides = array<i32>} : memref<100x128xf32, #tpu.memory_space<vmem>>, vector<1x16xf32>,
        %parallel_loop3A_523 = vector.shape_cast %parallel_loop3A_522 : vector<1x16xf32> to vector<16xf32>
        %parallel_loop3A_524 = arith.addf %parallel_loop3A_450, %parallel_loop3A_523 : vector<16xf32>
        %parallel_loop3A_525 = arith.constant 2 : i32
        %parallel_loop3A_526 = arith.muli %parallel_loop3A_525, %parallel_loop3A_445 : i32
        %parallel_loop3A_527 = arith.constant 1 : i32
        %parallel_loop3A_528 = arith.addi %parallel_loop3A_526, %parallel_loop3A_527 : i32
        %parallel_loop3A_529 = arith.index_cast %parallel_loop3A_528 : i32 to index
        %parallel_loop3A_530 = arith.constant 64 : index
        %parallel_loop3A_531 = tpu.vector_load %arg11[%parallel_loop3A_529, %parallel_loop3A_530] {strides = array<i32>} : memref<100x128xf32, #tpu.memory_space<vmem>>, vector<1x16xf32>,
        %parallel_loop3A_532 = vector.shape_cast %parallel_loop3A_531 : vector<1x16xf32> to vector<16xf32>
        %parallel_loop3A_533 = arith.addf %parallel_loop3A_524, %parallel_loop3A_532 : vector<16xf32>
        %parallel_loop3A_534 = arith.constant 2 : i32
        %parallel_loop3A_535 = arith.muli %parallel_loop3A_534, %parallel_loop3A_445 : i32
        %parallel_loop3A_536 = arith.index_cast %parallel_loop3A_535 : i32 to index
        %parallel_loop3A_537 = arith.constant 80 : index
        %parallel_loop3A_538 = tpu.vector_load %arg11[%parallel_loop3A_536, %parallel_loop3A_537] {strides = array<i32>} : memref<100x128xf32, #tpu.memory_space<vmem>>, vector<1x16xf32>,
        %parallel_loop3A_539 = vector.shape_cast %parallel_loop3A_538 : vector<1x16xf32> to vector<16xf32>
        %parallel_loop3A_540 = arith.addf %parallel_loop3A_451, %parallel_loop3A_539 : vector<16xf32>
        %parallel_loop3A_541 = arith.constant 2 : i32
        %parallel_loop3A_542 = arith.muli %parallel_loop3A_541, %parallel_loop3A_445 : i32
        %parallel_loop3A_543 = arith.constant 1 : i32
        %parallel_loop3A_544 = arith.addi %parallel_loop3A_542, %parallel_loop3A_543 : i32
        %parallel_loop3A_545 = arith.index_cast %parallel_loop3A_544 : i32 to index
        %parallel_loop3A_546 = arith.constant 80 : index
        %parallel_loop3A_547 = tpu.vector_load %arg11[%parallel_loop3A_545, %parallel_loop3A_546] {strides = array<i32>} : memref<100x128xf32, #tpu.memory_space<vmem>>, vector<1x16xf32>,
        %parallel_loop3A_548 = vector.shape_cast %parallel_loop3A_547 : vector<1x16xf32> to vector<16xf32>
        %parallel_loop3A_549 = arith.addf %parallel_loop3A_540, %parallel_loop3A_548 : vector<16xf32>
        %parallel_loop3A_550 = arith.constant 2 : i32
        %parallel_loop3A_551 = arith.muli %parallel_loop3A_550, %parallel_loop3A_445 : i32
        %parallel_loop3A_552 = arith.index_cast %parallel_loop3A_551 : i32 to index
        %parallel_loop3A_553 = arith.constant 96 : index
        %parallel_loop3A_554 = tpu.vector_load %arg11[%parallel_loop3A_552, %parallel_loop3A_553] {strides = array<i32>} : memref<100x128xf32, #tpu.memory_space<vmem>>, vector<1x16xf32>,
        %parallel_loop3A_555 = vector.shape_cast %parallel_loop3A_554 : vector<1x16xf32> to vector<16xf32>
        %parallel_loop3A_556 = arith.addf %parallel_loop3A_452, %parallel_loop3A_555 : vector<16xf32>
        %parallel_loop3A_557 = arith.constant 2 : i32
        %parallel_loop3A_558 = arith.muli %parallel_loop3A_557, %parallel_loop3A_445 : i32
        %parallel_loop3A_559 = arith.constant 1 : i32
        %parallel_loop3A_560 = arith.addi %parallel_loop3A_558, %parallel_loop3A_559 : i32
        %parallel_loop3A_561 = arith.index_cast %parallel_loop3A_560 : i32 to index
        %parallel_loop3A_562 = arith.constant 96 : index
        %parallel_loop3A_563 = tpu.vector_load %arg11[%parallel_loop3A_561, %parallel_loop3A_562] {strides = array<i32>} : memref<100x128xf32, #tpu.memory_space<vmem>>, vector<1x16xf32>,
        %parallel_loop3A_564 = vector.shape_cast %parallel_loop3A_563 : vector<1x16xf32> to vector<16xf32>
        %parallel_loop3A_565 = arith.addf %parallel_loop3A_556, %parallel_loop3A_564 : vector<16xf32>
        %parallel_loop3A_566 = arith.constant 2 : i32
        %parallel_loop3A_567 = arith.muli %parallel_loop3A_566, %parallel_loop3A_445 : i32
        %parallel_loop3A_568 = arith.index_cast %parallel_loop3A_567 : i32 to index
        %parallel_loop3A_569 = arith.constant 112 : index
        %parallel_loop3A_570 = tpu.vector_load %arg11[%parallel_loop3A_568, %parallel_loop3A_569] {strides = array<i32>} : memref<100x128xf32, #tpu.memory_space<vmem>>, vector<1x16xf32>,
        %parallel_loop3A_571 = vector.shape_cast %parallel_loop3A_570 : vector<1x16xf32> to vector<16xf32>
        %parallel_loop3A_572 = arith.addf %parallel_loop3A_453, %parallel_loop3A_571 : vector<16xf32>
        %parallel_loop3A_573 = arith.constant 2 : i32
        %parallel_loop3A_574 = arith.muli %parallel_loop3A_573, %parallel_loop3A_445 : i32
        %parallel_loop3A_575 = arith.constant 1 : i32
        %parallel_loop3A_576 = arith.addi %parallel_loop3A_574, %parallel_loop3A_575 : i32
        %parallel_loop3A_577 = arith.index_cast %parallel_loop3A_576 : i32 to index
        %parallel_loop3A_578 = arith.constant 112 : index
        %parallel_loop3A_579 = tpu.vector_load %arg11[%parallel_loop3A_577, %parallel_loop3A_578] {strides = array<i32>} : memref<100x128xf32, #tpu.memory_space<vmem>>, vector<1x16xf32>,
        %parallel_loop3A_580 = vector.shape_cast %parallel_loop3A_579 : vector<1x16xf32> to vector<16xf32>
        %parallel_loop3A_581 = arith.addf %parallel_loop3A_572, %parallel_loop3A_580 : vector<16xf32>
        scf.yield %parallel_loop3A_469, %parallel_loop3A_485, %parallel_loop3A_501, %parallel_loop3A_517, %parallel_loop3A_533, %parallel_loop3A_549, %parallel_loop3A_565, %parallel_loop3A_581 : vector<16xf32>, vector<16xf32>, vector<16xf32>, vector<16xf32>, vector<16xf32>, vector<16xf32>, vector<16xf32>, vector<16xf32>
      } {sc.loop_unroll_factor = 4 : i64, sc.parallel_access}
      %add3A_398 = arith.constant 3 : i32
      %add3A_399 = arith.addi %add3A_368, %add3A_398 : i32
      %lt3A_400 = arith.constant 128 : i32
      %lt3A_401 = arith.cmpi slt, %add3A_399, %lt3A_400 : i32
      %convert_element_type3A_402 = arith.extui %lt3A_401 : i1 to i32
      %cond3A_403 = arith.constant 0 : i32
      %cond3A_404 = arith.cmpi ne, %convert_element_type3A_402, %cond3A_403 : i32
      scf.if %cond3A_404 {
        %add3A_445 = arith.constant 3 : i32
        %add3A_446 = arith.addi %add3A_368, %add3A_445 : i32
        %dma_start3A_447 = arith.constant 1 : i32
        %dma_start3A_448 = arith.constant 0 : i32
        %dma_start3A_449 = tpu.memref_slice %arg5[%add3A_446, %dma_start3A_447, %dma_start3A_448] : memref<128x2x100xi32, #tpu.memory_space<vmem>> -> memref<1x1x100xi32, #tpu.memory_space<vmem>>
        %dma_start3A_450 = tpu.memref_squeeze %dma_start3A_449 : memref<1x1x100xi32, #tpu.memory_space<vmem>> -> memref<100xi32, #tpu.memory_space<vmem>>
        %dma_start3A_451 = arith.constant 0 : i32
        %dma_start3A_452 = arith.constant 0 : i32
        %dma_start3A_453 = tpu.memref_slice %arg3[%dma_start3A_451, %dma_start3A_452] : memref<100000x128xf32, #tpu.memory_space<hbm>> -> memref<100000x128xf32, #tpu.memory_space<hbm>>
        tpu.enqueue_indirect_dma source(%dma_start3A_453 : memref<100000x128xf32, #tpu.memory_space<hbm>>) target(%arg11 : memref<100x128xf32, #tpu.memory_space<vmem>>) offsets(%dma_start3A_450 : memref<100xi32, #tpu.memory_space<vmem>>) semaphore(%arg18 : memref<!tpu.dma_semaphore, #tpu.memory_space<semaphore_mem>>)
      } else {
      }
      %swap3A_405 = arith.index_cast %add3A_368 : i32 to index
      %swap3A_406 = arith.constant 0 : index
      %swap3A_407 = tpu.vector_load %arg12[%swap3A_405, %swap3A_406] {strides = array<i32>} : memref<128x128xf32, #tpu.memory_space<vmem>>, vector<1x16xf32>,
      %swap3A_408 = vector.shape_cast %swap3A_407 : vector<1x16xf32> to vector<16xf32>
      %swap3A_409 = vector.shape_cast %parallel_loop3A_397#0 : vector<16xf32> to vector<1x16xf32>
      tpu.vector_store %arg12[%swap3A_405, %swap3A_406], %swap3A_409 {strides = array<i32>} : memref<128x128xf32, #tpu.memory_space<vmem>>, vector<1x16xf32>,
      %swap3A_410 = arith.index_cast %add3A_368 : i32 to index
      %swap3A_411 = arith.constant 16 : index
      %swap3A_412 = tpu.vector_load %arg12[%swap3A_410, %swap3A_411] {strides = array<i32>} : memref<128x128xf32, #tpu.memory_space<vmem>>, vector<1x16xf32>,
      %swap3A_413 = vector.shape_cast %swap3A_412 : vector<1x16xf32> to vector<16xf32>
      %swap3A_414 = vector.shape_cast %parallel_loop3A_397#1 : vector<16xf32> to vector<1x16xf32>
      tpu.vector_store %arg12[%swap3A_410, %swap3A_411], %swap3A_414 {strides = array<i32>} : memref<128x128xf32, #tpu.memory_space<vmem>>, vector<1x16xf32>,
      %swap3A_415 = arith.index_cast %add3A_368 : i32 to index
      %swap3A_416 = arith.constant 32 : index
      %swap3A_417 = tpu.vector_load %arg12[%swap3A_415, %swap3A_416] {strides = array<i32>} : memref<128x128xf32, #tpu.memory_space<vmem>>, vector<1x16xf32>,
      %swap3A_418 = vector.shape_cast %swap3A_417 : vector<1x16xf32> to vector<16xf32>
      %swap3A_419 = vector.shape_cast %parallel_loop3A_397#2 : vector<16xf32> to vector<1x16xf32>
      tpu.vector_store %arg12[%swap3A_415, %swap3A_416], %swap3A_419 {strides = array<i32>} : memref<128x128xf32, #tpu.memory_space<vmem>>, vector<1x16xf32>,
      %swap3A_420 = arith.index_cast %add3A_368 : i32 to index
      %swap3A_421 = arith.constant 48 : index
      %swap3A_422 = tpu.vector_load %arg12[%swap3A_420, %swap3A_421] {strides = array<i32>} : memref<128x128xf32, #tpu.memory_space<vmem>>, vector<1x16xf32>,
      %swap3A_423 = vector.shape_cast %swap3A_422 : vector<1x16xf32> to vector<16xf32>
      %swap3A_424 = vector.shape_cast %parallel_loop3A_397#3 : vector<16xf32> to vector<1x16xf32>
      tpu.vector_store %arg12[%swap3A_420, %swap3A_421], %swap3A_424 {strides = array<i32>} : memref<128x128xf32, #tpu.memory_space<vmem>>, vector<1x16xf32>,
      %swap3A_425 = arith.index_cast %add3A_368 : i32 to index
      %swap3A_426 = arith.constant 64 : index
      %swap3A_427 = tpu.vector_load %arg12[%swap3A_425, %swap3A_426] {strides = array<i32>} : memref<128x128xf32, #tpu.memory_space<vmem>>, vector<1x16xf32>,
      %swap3A_428 = vector.shape_cast %swap3A_427 : vector<1x16xf32> to vector<16xf32>
      %swap3A_429 = vector.shape_cast %parallel_loop3A_397#4 : vector<16xf32> to vector<1x16xf32>
      tpu.vector_store %arg12[%swap3A_425, %swap3A_426], %swap3A_429 {strides = array<i32>} : memref<128x128xf32, #tpu.memory_space<vmem>>, vector<1x16xf32>,
      %swap3A_430 = arith.index_cast %add3A_368 : i32 to index
      %swap3A_431 = arith.constant 80 : index
      %swap3A_432 = tpu.vector_load %arg12[%swap3A_430, %swap3A_431] {strides = array<i32>} : memref<128x128xf32, #tpu.memory_space<vmem>>, vector<1x16xf32>,
      %swap3A_433 = vector.shape_cast %swap3A_432 : vector<1x16xf32> to vector<16xf32>
      %swap3A_434 = vector.shape_cast %parallel_loop3A_397#5 : vector<16xf32> to vector<1x16xf32>
      tpu.vector_store %arg12[%swap3A_430, %swap3A_431], %swap3A_434 {strides = array<i32>} : memref<128x128xf32, #tpu.memory_space<vmem>>, vector<1x16xf32>,
      %swap3A_435 = arith.index_cast %add3A_368 : i32 to index
      %swap3A_436 = arith.constant 96 : index
      %swap3A_437 = tpu.vector_load %arg12[%swap3A_435, %swap3A_436] {strides = array<i32>} : memref<128x128xf32, #tpu.memory_space<vmem>>, vector<1x16xf32>,
      %swap3A_438 = vector.shape_cast %swap3A_437 : vector<1x16xf32> to vector<16xf32>
      %swap3A_439 = vector.shape_cast %parallel_loop3A_397#6 : vector<16xf32> to vector<1x16xf32>
      tpu.vector_store %arg12[%swap3A_435, %swap3A_436], %swap3A_439 {strides = array<i32>} : memref<128x128xf32, #tpu.memory_space<vmem>>, vector<1x16xf32>,
      %swap3A_440 = arith.index_cast %add3A_368 : i32 to index
      %swap3A_441 = arith.constant 112 : index
      %swap3A_442 = tpu.vector_load %arg12[%swap3A_440, %swap3A_441] {strides = array<i32>} : memref<128x128xf32, #tpu.memory_space<vmem>>, vector<1x16xf32>,
      %swap3A_443 = vector.shape_cast %swap3A_442 : vector<1x16xf32> to vector<16xf32>
      %swap3A_444 = vector.shape_cast %parallel_loop3A_397#7 : vector<16xf32> to vector<1x16xf32>
      tpu.vector_store %arg12[%swap3A_440, %swap3A_441], %swap3A_444 {strides = array<i32>} : memref<128x128xf32, #tpu.memory_space<vmem>>, vector<1x16xf32>,
    }
    %scan3A_69 = arith.constant 42 : i32
    %dma_wait3A = arith.constant 126 : i32
    %dma_wait3A_70 = arith.constant 0 : i32
    %dma_wait3A_71 = arith.constant 0 : i32
    %dma_wait3A_72 = tpu.memref_slice %arg5[%dma_wait3A, %dma_wait3A_70, %dma_wait3A_71] : memref<128x2x100xi32, #tpu.memory_space<vmem>> -> memref<1x1x100xi32, #tpu.memory_space<vmem>>
    %dma_wait3A_73 = tpu.memref_squeeze %dma_wait3A_72 : memref<1x1x100xi32, #tpu.memory_space<vmem>> -> memref<100xi32, #tpu.memory_space<vmem>>
    %dma_wait3A_74 = arith.constant 0 : i32
    %dma_wait3A_75 = arith.constant 0 : i32
    %dma_wait3A_76 = tpu.memref_slice %arg3[%dma_wait3A_74, %dma_wait3A_75] : memref<100000x128xf32, #tpu.memory_space<hbm>> -> memref<100000x128xf32, #tpu.memory_space<hbm>>
    tpu.wait_indirect_dma semaphore(%arg13 : memref<!tpu.dma_semaphore, #tpu.memory_space<semaphore_mem>>) src(%dma_wait3A_76 : memref<100000x128xf32, #tpu.memory_space<hbm>>) dst(%arg6 : memref<100x128xf32, #tpu.memory_space<vmem>>)
    %parallel_loop3A = arith.constant 0 : i32
    %parallel_loop3A_77 = arith.constant 50 : i32
    %parallel_loop3A_78 = arith.constant 1 : i32
    %parallel_loop3A_79:8 = scf.for %parallel_loop3A_211 = %parallel_loop3A to %parallel_loop3A_77 step %parallel_loop3A_78 iter_args(%parallel_loop3A_212 = %broadcast_in_dim3A_50, %parallel_loop3A_213 = %broadcast_in_dim3A_52, %parallel_loop3A_214 = %broadcast_in_dim3A_54, %parallel_loop3A_215 = %broadcast_in_dim3A_56, %parallel_loop3A_216 = %broadcast_in_dim3A_58, %parallel_loop3A_217 = %broadcast_in_dim3A_60, %parallel_loop3A_218 = %broadcast_in_dim3A_62, %parallel_loop3A_219 = %broadcast_in_dim3A_64) -> (vector<16xf32>, vector<16xf32>, vector<16xf32>, vector<16xf32>, vector<16xf32>, vector<16xf32>, vector<16xf32>, vector<16xf32>)  : i32 {
      %parallel_loop3A_220 = arith.constant 2 : i32
      %parallel_loop3A_221 = arith.muli %parallel_loop3A_220, %parallel_loop3A_211 : i32
      %parallel_loop3A_222 = arith.index_cast %parallel_loop3A_221 : i32 to index
      %parallel_loop3A_223 = arith.constant 0 : index
      %parallel_loop3A_224 = tpu.vector_load %arg6[%parallel_loop3A_222, %parallel_loop3A_223] {strides = array<i32>} : memref<100x128xf32, #tpu.memory_space<vmem>>, vector<1x16xf32>,
      %parallel_loop3A_225 = vector.shape_cast %parallel_loop3A_224 : vector<1x16xf32> to vector<16xf32>
      %parallel_loop3A_226 = arith.addf %parallel_loop3A_212, %parallel_loop3A_225 : vector<16xf32>
      %parallel_loop3A_227 = arith.constant 2 : i32
      %parallel_loop3A_228 = arith.muli %parallel_loop3A_227, %parallel_loop3A_211 : i32
      %parallel_loop3A_229 = arith.constant 1 : i32
      %parallel_loop3A_230 = arith.addi %parallel_loop3A_228, %parallel_loop3A_229 : i32
      %parallel_loop3A_231 = arith.index_cast %parallel_loop3A_230 : i32 to index
      %parallel_loop3A_232 = arith.constant 0 : index
      %parallel_loop3A_233 = tpu.vector_load %arg6[%parallel_loop3A_231, %parallel_loop3A_232] {strides = array<i32>} : memref<100x128xf32, #tpu.memory_space<vmem>>, vector<1x16xf32>,
      %parallel_loop3A_234 = vector.shape_cast %parallel_loop3A_233 : vector<1x16xf32> to vector<16xf32>
      %parallel_loop3A_235 = arith.addf %parallel_loop3A_226, %parallel_loop3A_234 : vector<16xf32>
      %parallel_loop3A_236 = arith.constant 2 : i32
      %parallel_loop3A_237 = arith.muli %parallel_loop3A_236, %parallel_loop3A_211 : i32
      %parallel_loop3A_238 = arith.index_cast %parallel_loop3A_237 : i32 to index
      %parallel_loop3A_239 = arith.constant 16 : index
      %parallel_loop3A_240 = tpu.vector_load %arg6[%parallel_loop3A_238, %parallel_loop3A_239] {strides = array<i32>} : memref<100x128xf32, #tpu.memory_space<vmem>>, vector<1x16xf32>,
      %parallel_loop3A_241 = vector.shape_cast %parallel_loop3A_240 : vector<1x16xf32> to vector<16xf32>
      %parallel_loop3A_242 = arith.addf %parallel_loop3A_213, %parallel_loop3A_241 : vector<16xf32>
      %parallel_loop3A_243 = arith.constant 2 : i32
      %parallel_loop3A_244 = arith.muli %parallel_loop3A_243, %parallel_loop3A_211 : i32
      %parallel_loop3A_245 = arith.constant 1 : i32
      %parallel_loop3A_246 = arith.addi %parallel_loop3A_244, %parallel_loop3A_245 : i32
      %parallel_loop3A_247 = arith.index_cast %parallel_loop3A_246 : i32 to index
      %parallel_loop3A_248 = arith.constant 16 : index
      %parallel_loop3A_249 = tpu.vector_load %arg6[%parallel_loop3A_247, %parallel_loop3A_248] {strides = array<i32>} : memref<100x128xf32, #tpu.memory_space<vmem>>, vector<1x16xf32>,
      %parallel_loop3A_250 = vector.shape_cast %parallel_loop3A_249 : vector<1x16xf32> to vector<16xf32>
      %parallel_loop3A_251 = arith.addf %parallel_loop3A_242, %parallel_loop3A_250 : vector<16xf32>
      %parallel_loop3A_252 = arith.constant 2 : i32
      %parallel_loop3A_253 = arith.muli %parallel_loop3A_252, %parallel_loop3A_211 : i32
      %parallel_loop3A_254 = arith.index_cast %parallel_loop3A_253 : i32 to index
      %parallel_loop3A_255 = arith.constant 32 : index
      %parallel_loop3A_256 = tpu.vector_load %arg6[%parallel_loop3A_254, %parallel_loop3A_255] {strides = array<i32>} : memref<100x128xf32, #tpu.memory_space<vmem>>, vector<1x16xf32>,
      %parallel_loop3A_257 = vector.shape_cast %parallel_loop3A_256 : vector<1x16xf32> to vector<16xf32>
      %parallel_loop3A_258 = arith.addf %parallel_loop3A_214, %parallel_loop3A_257 : vector<16xf32>
      %parallel_loop3A_259 = arith.constant 2 : i32
      %parallel_loop3A_260 = arith.muli %parallel_loop3A_259, %parallel_loop3A_211 : i32
      %parallel_loop3A_261 = arith.constant 1 : i32
      %parallel_loop3A_262 = arith.addi %parallel_loop3A_260, %parallel_loop3A_261 : i32
      %parallel_loop3A_263 = arith.index_cast %parallel_loop3A_262 : i32 to index
      %parallel_loop3A_264 = arith.constant 32 : index
      %parallel_loop3A_265 = tpu.vector_load %arg6[%parallel_loop3A_263, %parallel_loop3A_264] {strides = array<i32>} : memref<100x128xf32, #tpu.memory_space<vmem>>, vector<1x16xf32>,
      %parallel_loop3A_266 = vector.shape_cast %parallel_loop3A_265 : vector<1x16xf32> to vector<16xf32>
      %parallel_loop3A_267 = arith.addf %parallel_loop3A_258, %parallel_loop3A_266 : vector<16xf32>
      %parallel_loop3A_268 = arith.constant 2 : i32
      %parallel_loop3A_269 = arith.muli %parallel_loop3A_268, %parallel_loop3A_211 : i32
      %parallel_loop3A_270 = arith.index_cast %parallel_loop3A_269 : i32 to index
      %parallel_loop3A_271 = arith.constant 48 : index
      %parallel_loop3A_272 = tpu.vector_load %arg6[%parallel_loop3A_270, %parallel_loop3A_271] {strides = array<i32>} : memref<100x128xf32, #tpu.memory_space<vmem>>, vector<1x16xf32>,
      %parallel_loop3A_273 = vector.shape_cast %parallel_loop3A_272 : vector<1x16xf32> to vector<16xf32>
      %parallel_loop3A_274 = arith.addf %parallel_loop3A_215, %parallel_loop3A_273 : vector<16xf32>
      %parallel_loop3A_275 = arith.constant 2 : i32
      %parallel_loop3A_276 = arith.muli %parallel_loop3A_275, %parallel_loop3A_211 : i32
      %parallel_loop3A_277 = arith.constant 1 : i32
      %parallel_loop3A_278 = arith.addi %parallel_loop3A_276, %parallel_loop3A_277 : i32
      %parallel_loop3A_279 = arith.index_cast %parallel_loop3A_278 : i32 to index
      %parallel_loop3A_280 = arith.constant 48 : index
      %parallel_loop3A_281 = tpu.vector_load %arg6[%parallel_loop3A_279, %parallel_loop3A_280] {strides = array<i32>} : memref<100x128xf32, #tpu.memory_space<vmem>>, vector<1x16xf32>,
      %parallel_loop3A_282 = vector.shape_cast %parallel_loop3A_281 : vector<1x16xf32> to vector<16xf32>
      %parallel_loop3A_283 = arith.addf %parallel_loop3A_274, %parallel_loop3A_282 : vector<16xf32>
      %parallel_loop3A_284 = arith.constant 2 : i32
      %parallel_loop3A_285 = arith.muli %parallel_loop3A_284, %parallel_loop3A_211 : i32
      %parallel_loop3A_286 = arith.index_cast %parallel_loop3A_285 : i32 to index
      %parallel_loop3A_287 = arith.constant 64 : index
      %parallel_loop3A_288 = tpu.vector_load %arg6[%parallel_loop3A_286, %parallel_loop3A_287] {strides = array<i32>} : memref<100x128xf32, #tpu.memory_space<vmem>>, vector<1x16xf32>,
      %parallel_loop3A_289 = vector.shape_cast %parallel_loop3A_288 : vector<1x16xf32> to vector<16xf32>
      %parallel_loop3A_290 = arith.addf %parallel_loop3A_216, %parallel_loop3A_289 : vector<16xf32>
      %parallel_loop3A_291 = arith.constant 2 : i32
      %parallel_loop3A_292 = arith.muli %parallel_loop3A_291, %parallel_loop3A_211 : i32
      %parallel_loop3A_293 = arith.constant 1 : i32
      %parallel_loop3A_294 = arith.addi %parallel_loop3A_292, %parallel_loop3A_293 : i32
      %parallel_loop3A_295 = arith.index_cast %parallel_loop3A_294 : i32 to index
      %parallel_loop3A_296 = arith.constant 64 : index
      %parallel_loop3A_297 = tpu.vector_load %arg6[%parallel_loop3A_295, %parallel_loop3A_296] {strides = array<i32>} : memref<100x128xf32, #tpu.memory_space<vmem>>, vector<1x16xf32>,
      %parallel_loop3A_298 = vector.shape_cast %parallel_loop3A_297 : vector<1x16xf32> to vector<16xf32>
      %parallel_loop3A_299 = arith.addf %parallel_loop3A_290, %parallel_loop3A_298 : vector<16xf32>
      %parallel_loop3A_300 = arith.constant 2 : i32
      %parallel_loop3A_301 = arith.muli %parallel_loop3A_300, %parallel_loop3A_211 : i32
      %parallel_loop3A_302 = arith.index_cast %parallel_loop3A_301 : i32 to index
      %parallel_loop3A_303 = arith.constant 80 : index
      %parallel_loop3A_304 = tpu.vector_load %arg6[%parallel_loop3A_302, %parallel_loop3A_303] {strides = array<i32>} : memref<100x128xf32, #tpu.memory_space<vmem>>, vector<1x16xf32>,
      %parallel_loop3A_305 = vector.shape_cast %parallel_loop3A_304 : vector<1x16xf32> to vector<16xf32>
      %parallel_loop3A_306 = arith.addf %parallel_loop3A_217, %parallel_loop3A_305 : vector<16xf32>
      %parallel_loop3A_307 = arith.constant 2 : i32
      %parallel_loop3A_308 = arith.muli %parallel_loop3A_307, %parallel_loop3A_211 : i32
      %parallel_loop3A_309 = arith.constant 1 : i32
      %parallel_loop3A_310 = arith.addi %parallel_loop3A_308, %parallel_loop3A_309 : i32
      %parallel_loop3A_311 = arith.index_cast %parallel_loop3A_310 : i32 to index
      %parallel_loop3A_312 = arith.constant 80 : index
      %parallel_loop3A_313 = tpu.vector_load %arg6[%parallel_loop3A_311, %parallel_loop3A_312] {strides = array<i32>} : memref<100x128xf32, #tpu.memory_space<vmem>>, vector<1x16xf32>,
      %parallel_loop3A_314 = vector.shape_cast %parallel_loop3A_313 : vector<1x16xf32> to vector<16xf32>
      %parallel_loop3A_315 = arith.addf %parallel_loop3A_306, %parallel_loop3A_314 : vector<16xf32>
      %parallel_loop3A_316 = arith.constant 2 : i32
      %parallel_loop3A_317 = arith.muli %parallel_loop3A_316, %parallel_loop3A_211 : i32
      %parallel_loop3A_318 = arith.index_cast %parallel_loop3A_317 : i32 to index
      %parallel_loop3A_319 = arith.constant 96 : index
      %parallel_loop3A_320 = tpu.vector_load %arg6[%parallel_loop3A_318, %parallel_loop3A_319] {strides = array<i32>} : memref<100x128xf32, #tpu.memory_space<vmem>>, vector<1x16xf32>,
      %parallel_loop3A_321 = vector.shape_cast %parallel_loop3A_320 : vector<1x16xf32> to vector<16xf32>
      %parallel_loop3A_322 = arith.addf %parallel_loop3A_218, %parallel_loop3A_321 : vector<16xf32>
      %parallel_loop3A_323 = arith.constant 2 : i32
      %parallel_loop3A_324 = arith.muli %parallel_loop3A_323, %parallel_loop3A_211 : i32
      %parallel_loop3A_325 = arith.constant 1 : i32
      %parallel_loop3A_326 = arith.addi %parallel_loop3A_324, %parallel_loop3A_325 : i32
      %parallel_loop3A_327 = arith.index_cast %parallel_loop3A_326 : i32 to index
      %parallel_loop3A_328 = arith.constant 96 : index
      %parallel_loop3A_329 = tpu.vector_load %arg6[%parallel_loop3A_327, %parallel_loop3A_328] {strides = array<i32>} : memref<100x128xf32, #tpu.memory_space<vmem>>, vector<1x16xf32>,
      %parallel_loop3A_330 = vector.shape_cast %parallel_loop3A_329 : vector<1x16xf32> to vector<16xf32>
      %parallel_loop3A_331 = arith.addf %parallel_loop3A_322, %parallel_loop3A_330 : vector<16xf32>
      %parallel_loop3A_332 = arith.constant 2 : i32
      %parallel_loop3A_333 = arith.muli %parallel_loop3A_332, %parallel_loop3A_211 : i32
      %parallel_loop3A_334 = arith.index_cast %parallel_loop3A_333 : i32 to index
      %parallel_loop3A_335 = arith.constant 112 : index
      %parallel_loop3A_336 = tpu.vector_load %arg6[%parallel_loop3A_334, %parallel_loop3A_335] {strides = array<i32>} : memref<100x128xf32, #tpu.memory_space<vmem>>, vector<1x16xf32>,
      %parallel_loop3A_337 = vector.shape_cast %parallel_loop3A_336 : vector<1x16xf32> to vector<16xf32>
      %parallel_loop3A_338 = arith.addf %parallel_loop3A_219, %parallel_loop3A_337 : vector<16xf32>
      %parallel_loop3A_339 = arith.constant 2 : i32
      %parallel_loop3A_340 = arith.muli %parallel_loop3A_339, %parallel_loop3A_211 : i32
      %parallel_loop3A_341 = arith.constant 1 : i32
      %parallel_loop3A_342 = arith.addi %parallel_loop3A_340, %parallel_loop3A_341 : i32
      %parallel_loop3A_343 = arith.index_cast %parallel_loop3A_342 : i32 to index
      %parallel_loop3A_344 = arith.constant 112 : index
      %parallel_loop3A_345 = tpu.vector_load %arg6[%parallel_loop3A_343, %parallel_loop3A_344] {strides = array<i32>} : memref<100x128xf32, #tpu.memory_space<vmem>>, vector<1x16xf32>,
      %parallel_loop3A_346 = vector.shape_cast %parallel_loop3A_345 : vector<1x16xf32> to vector<16xf32>
      %parallel_loop3A_347 = arith.addf %parallel_loop3A_338, %parallel_loop3A_346 : vector<16xf32>
      scf.yield %parallel_loop3A_235, %parallel_loop3A_251, %parallel_loop3A_267, %parallel_loop3A_283, %parallel_loop3A_299, %parallel_loop3A_315, %parallel_loop3A_331, %parallel_loop3A_347 : vector<16xf32>, vector<16xf32>, vector<16xf32>, vector<16xf32>, vector<16xf32>, vector<16xf32>, vector<16xf32>, vector<16xf32>
    } {sc.loop_unroll_factor = 4 : i64, sc.parallel_access}
    %dma_wait3A_80 = arith.constant 126 : i32
    %dma_wait3A_81 = arith.constant 1 : i32
    %dma_wait3A_82 = arith.constant 0 : i32
    %dma_wait3A_83 = tpu.memref_slice %arg5[%dma_wait3A_80, %dma_wait3A_81, %dma_wait3A_82] : memref<128x2x100xi32, #tpu.memory_space<vmem>> -> memref<1x1x100xi32, #tpu.memory_space<vmem>>
    %dma_wait3A_84 = tpu.memref_squeeze %dma_wait3A_83 : memref<1x1x100xi32, #tpu.memory_space<vmem>> -> memref<100xi32, #tpu.memory_space<vmem>>
    %dma_wait3A_85 = arith.constant 0 : i32
    %dma_wait3A_86 = arith.constant 0 : i32
    %dma_wait3A_87 = tpu.memref_slice %arg3[%dma_wait3A_85, %dma_wait3A_86] : memref<100000x128xf32, #tpu.memory_space<hbm>> -> memref<100000x128xf32, #tpu.memory_space<hbm>>
    tpu.wait_indirect_dma semaphore(%arg14 : memref<!tpu.dma_semaphore, #tpu.memory_space<semaphore_mem>>) src(%dma_wait3A_87 : memref<100000x128xf32, #tpu.memory_space<hbm>>) dst(%arg7 : memref<100x128xf32, #tpu.memory_space<vmem>>)
    %parallel_loop3A_88 = arith.constant 0 : i32
    %parallel_loop3A_89 = arith.constant 50 : i32
    %parallel_loop3A_90 = arith.constant 1 : i32
    %parallel_loop3A_91:8 = scf.for %parallel_loop3A_211 = %parallel_loop3A_88 to %parallel_loop3A_89 step %parallel_loop3A_90 iter_args(%parallel_loop3A_212 = %parallel_loop3A_79#0, %parallel_loop3A_213 = %parallel_loop3A_79#1, %parallel_loop3A_214 = %parallel_loop3A_79#2, %parallel_loop3A_215 = %parallel_loop3A_79#3, %parallel_loop3A_216 = %parallel_loop3A_79#4, %parallel_loop3A_217 = %parallel_loop3A_79#5, %parallel_loop3A_218 = %parallel_loop3A_79#6, %parallel_loop3A_219 = %parallel_loop3A_79#7) -> (vector<16xf32>, vector<16xf32>, vector<16xf32>, vector<16xf32>, vector<16xf32>, vector<16xf32>, vector<16xf32>, vector<16xf32>)  : i32 {
      %parallel_loop3A_220 = arith.constant 2 : i32
      %parallel_loop3A_221 = arith.muli %parallel_loop3A_220, %parallel_loop3A_211 : i32
      %parallel_loop3A_222 = arith.index_cast %parallel_loop3A_221 : i32 to index
      %parallel_loop3A_223 = arith.constant 0 : index
      %parallel_loop3A_224 = tpu.vector_load %arg7[%parallel_loop3A_222, %parallel_loop3A_223] {strides = array<i32>} : memref<100x128xf32, #tpu.memory_space<vmem>>, vector<1x16xf32>,
      %parallel_loop3A_225 = vector.shape_cast %parallel_loop3A_224 : vector<1x16xf32> to vector<16xf32>
      %parallel_loop3A_226 = arith.addf %parallel_loop3A_212, %parallel_loop3A_225 : vector<16xf32>
      %parallel_loop3A_227 = arith.constant 2 : i32
      %parallel_loop3A_228 = arith.muli %parallel_loop3A_227, %parallel_loop3A_211 : i32
      %parallel_loop3A_229 = arith.constant 1 : i32
      %parallel_loop3A_230 = arith.addi %parallel_loop3A_228, %parallel_loop3A_229 : i32
      %parallel_loop3A_231 = arith.index_cast %parallel_loop3A_230 : i32 to index
      %parallel_loop3A_232 = arith.constant 0 : index
      %parallel_loop3A_233 = tpu.vector_load %arg7[%parallel_loop3A_231, %parallel_loop3A_232] {strides = array<i32>} : memref<100x128xf32, #tpu.memory_space<vmem>>, vector<1x16xf32>,
      %parallel_loop3A_234 = vector.shape_cast %parallel_loop3A_233 : vector<1x16xf32> to vector<16xf32>
      %parallel_loop3A_235 = arith.addf %parallel_loop3A_226, %parallel_loop3A_234 : vector<16xf32>
      %parallel_loop3A_236 = arith.constant 2 : i32
      %parallel_loop3A_237 = arith.muli %parallel_loop3A_236, %parallel_loop3A_211 : i32
      %parallel_loop3A_238 = arith.index_cast %parallel_loop3A_237 : i32 to index
      %parallel_loop3A_239 = arith.constant 16 : index
      %parallel_loop3A_240 = tpu.vector_load %arg7[%parallel_loop3A_238, %parallel_loop3A_239] {strides = array<i32>} : memref<100x128xf32, #tpu.memory_space<vmem>>, vector<1x16xf32>,
      %parallel_loop3A_241 = vector.shape_cast %parallel_loop3A_240 : vector<1x16xf32> to vector<16xf32>
      %parallel_loop3A_242 = arith.addf %parallel_loop3A_213, %parallel_loop3A_241 : vector<16xf32>
      %parallel_loop3A_243 = arith.constant 2 : i32
      %parallel_loop3A_244 = arith.muli %parallel_loop3A_243, %parallel_loop3A_211 : i32
      %parallel_loop3A_245 = arith.constant 1 : i32
      %parallel_loop3A_246 = arith.addi %parallel_loop3A_244, %parallel_loop3A_245 : i32
      %parallel_loop3A_247 = arith.index_cast %parallel_loop3A_246 : i32 to index
      %parallel_loop3A_248 = arith.constant 16 : index
      %parallel_loop3A_249 = tpu.vector_load %arg7[%parallel_loop3A_247, %parallel_loop3A_248] {strides = array<i32>} : memref<100x128xf32, #tpu.memory_space<vmem>>, vector<1x16xf32>,
      %parallel_loop3A_250 = vector.shape_cast %parallel_loop3A_249 : vector<1x16xf32> to vector<16xf32>
      %parallel_loop3A_251 = arith.addf %parallel_loop3A_242, %parallel_loop3A_250 : vector<16xf32>
      %parallel_loop3A_252 = arith.constant 2 : i32
      %parallel_loop3A_253 = arith.muli %parallel_loop3A_252, %parallel_loop3A_211 : i32
      %parallel_loop3A_254 = arith.index_cast %parallel_loop3A_253 : i32 to index
      %parallel_loop3A_255 = arith.constant 32 : index
      %parallel_loop3A_256 = tpu.vector_load %arg7[%parallel_loop3A_254, %parallel_loop3A_255] {strides = array<i32>} : memref<100x128xf32, #tpu.memory_space<vmem>>, vector<1x16xf32>,
      %parallel_loop3A_257 = vector.shape_cast %parallel_loop3A_256 : vector<1x16xf32> to vector<16xf32>
      %parallel_loop3A_258 = arith.addf %parallel_loop3A_214, %parallel_loop3A_257 : vector<16xf32>
      %parallel_loop3A_259 = arith.constant 2 : i32
      %parallel_loop3A_260 = arith.muli %parallel_loop3A_259, %parallel_loop3A_211 : i32
      %parallel_loop3A_261 = arith.constant 1 : i32
      %parallel_loop3A_262 = arith.addi %parallel_loop3A_260, %parallel_loop3A_261 : i32
      %parallel_loop3A_263 = arith.index_cast %parallel_loop3A_262 : i32 to index
      %parallel_loop3A_264 = arith.constant 32 : index
      %parallel_loop3A_265 = tpu.vector_load %arg7[%parallel_loop3A_263, %parallel_loop3A_264] {strides = array<i32>} : memref<100x128xf32, #tpu.memory_space<vmem>>, vector<1x16xf32>,
      %parallel_loop3A_266 = vector.shape_cast %parallel_loop3A_265 : vector<1x16xf32> to vector<16xf32>
      %parallel_loop3A_267 = arith.addf %parallel_loop3A_258, %parallel_loop3A_266 : vector<16xf32>
      %parallel_loop3A_268 = arith.constant 2 : i32
      %parallel_loop3A_269 = arith.muli %parallel_loop3A_268, %parallel_loop3A_211 : i32
      %parallel_loop3A_270 = arith.index_cast %parallel_loop3A_269 : i32 to index
      %parallel_loop3A_271 = arith.constant 48 : index
      %parallel_loop3A_272 = tpu.vector_load %arg7[%parallel_loop3A_270, %parallel_loop3A_271] {strides = array<i32>} : memref<100x128xf32, #tpu.memory_space<vmem>>, vector<1x16xf32>,
      %parallel_loop3A_273 = vector.shape_cast %parallel_loop3A_272 : vector<1x16xf32> to vector<16xf32>
      %parallel_loop3A_274 = arith.addf %parallel_loop3A_215, %parallel_loop3A_273 : vector<16xf32>
      %parallel_loop3A_275 = arith.constant 2 : i32
      %parallel_loop3A_276 = arith.muli %parallel_loop3A_275, %parallel_loop3A_211 : i32
      %parallel_loop3A_277 = arith.constant 1 : i32
      %parallel_loop3A_278 = arith.addi %parallel_loop3A_276, %parallel_loop3A_277 : i32
      %parallel_loop3A_279 = arith.index_cast %parallel_loop3A_278 : i32 to index
      %parallel_loop3A_280 = arith.constant 48 : index
      %parallel_loop3A_281 = tpu.vector_load %arg7[%parallel_loop3A_279, %parallel_loop3A_280] {strides = array<i32>} : memref<100x128xf32, #tpu.memory_space<vmem>>, vector<1x16xf32>,
      %parallel_loop3A_282 = vector.shape_cast %parallel_loop3A_281 : vector<1x16xf32> to vector<16xf32>
      %parallel_loop3A_283 = arith.addf %parallel_loop3A_274, %parallel_loop3A_282 : vector<16xf32>
      %parallel_loop3A_284 = arith.constant 2 : i32
      %parallel_loop3A_285 = arith.muli %parallel_loop3A_284, %parallel_loop3A_211 : i32
      %parallel_loop3A_286 = arith.index_cast %parallel_loop3A_285 : i32 to index
      %parallel_loop3A_287 = arith.constant 64 : index
      %parallel_loop3A_288 = tpu.vector_load %arg7[%parallel_loop3A_286, %parallel_loop3A_287] {strides = array<i32>} : memref<100x128xf32, #tpu.memory_space<vmem>>, vector<1x16xf32>,
      %parallel_loop3A_289 = vector.shape_cast %parallel_loop3A_288 : vector<1x16xf32> to vector<16xf32>
      %parallel_loop3A_290 = arith.addf %parallel_loop3A_216, %parallel_loop3A_289 : vector<16xf32>
      %parallel_loop3A_291 = arith.constant 2 : i32
      %parallel_loop3A_292 = arith.muli %parallel_loop3A_291, %parallel_loop3A_211 : i32
      %parallel_loop3A_293 = arith.constant 1 : i32
      %parallel_loop3A_294 = arith.addi %parallel_loop3A_292, %parallel_loop3A_293 : i32
      %parallel_loop3A_295 = arith.index_cast %parallel_loop3A_294 : i32 to index
      %parallel_loop3A_296 = arith.constant 64 : index
      %parallel_loop3A_297 = tpu.vector_load %arg7[%parallel_loop3A_295, %parallel_loop3A_296] {strides = array<i32>} : memref<100x128xf32, #tpu.memory_space<vmem>>, vector<1x16xf32>,
      %parallel_loop3A_298 = vector.shape_cast %parallel_loop3A_297 : vector<1x16xf32> to vector<16xf32>
      %parallel_loop3A_299 = arith.addf %parallel_loop3A_290, %parallel_loop3A_298 : vector<16xf32>
      %parallel_loop3A_300 = arith.constant 2 : i32
      %parallel_loop3A_301 = arith.muli %parallel_loop3A_300, %parallel_loop3A_211 : i32
      %parallel_loop3A_302 = arith.index_cast %parallel_loop3A_301 : i32 to index
      %parallel_loop3A_303 = arith.constant 80 : index
      %parallel_loop3A_304 = tpu.vector_load %arg7[%parallel_loop3A_302, %parallel_loop3A_303] {strides = array<i32>} : memref<100x128xf32, #tpu.memory_space<vmem>>, vector<1x16xf32>,
      %parallel_loop3A_305 = vector.shape_cast %parallel_loop3A_304 : vector<1x16xf32> to vector<16xf32>
      %parallel_loop3A_306 = arith.addf %parallel_loop3A_217, %parallel_loop3A_305 : vector<16xf32>
      %parallel_loop3A_307 = arith.constant 2 : i32
      %parallel_loop3A_308 = arith.muli %parallel_loop3A_307, %parallel_loop3A_211 : i32
      %parallel_loop3A_309 = arith.constant 1 : i32
      %parallel_loop3A_310 = arith.addi %parallel_loop3A_308, %parallel_loop3A_309 : i32
      %parallel_loop3A_311 = arith.index_cast %parallel_loop3A_310 : i32 to index
      %parallel_loop3A_312 = arith.constant 80 : index
      %parallel_loop3A_313 = tpu.vector_load %arg7[%parallel_loop3A_311, %parallel_loop3A_312] {strides = array<i32>} : memref<100x128xf32, #tpu.memory_space<vmem>>, vector<1x16xf32>,
      %parallel_loop3A_314 = vector.shape_cast %parallel_loop3A_313 : vector<1x16xf32> to vector<16xf32>
      %parallel_loop3A_315 = arith.addf %parallel_loop3A_306, %parallel_loop3A_314 : vector<16xf32>
      %parallel_loop3A_316 = arith.constant 2 : i32
      %parallel_loop3A_317 = arith.muli %parallel_loop3A_316, %parallel_loop3A_211 : i32
      %parallel_loop3A_318 = arith.index_cast %parallel_loop3A_317 : i32 to index
      %parallel_loop3A_319 = arith.constant 96 : index
      %parallel_loop3A_320 = tpu.vector_load %arg7[%parallel_loop3A_318, %parallel_loop3A_319] {strides = array<i32>} : memref<100x128xf32, #tpu.memory_space<vmem>>, vector<1x16xf32>,
      %parallel_loop3A_321 = vector.shape_cast %parallel_loop3A_320 : vector<1x16xf32> to vector<16xf32>
      %parallel_loop3A_322 = arith.addf %parallel_loop3A_218, %parallel_loop3A_321 : vector<16xf32>
      %parallel_loop3A_323 = arith.constant 2 : i32
      %parallel_loop3A_324 = arith.muli %parallel_loop3A_323, %parallel_loop3A_211 : i32
      %parallel_loop3A_325 = arith.constant 1 : i32
      %parallel_loop3A_326 = arith.addi %parallel_loop3A_324, %parallel_loop3A_325 : i32
      %parallel_loop3A_327 = arith.index_cast %parallel_loop3A_326 : i32 to index
      %parallel_loop3A_328 = arith.constant 96 : index
      %parallel_loop3A_329 = tpu.vector_load %arg7[%parallel_loop3A_327, %parallel_loop3A_328] {strides = array<i32>} : memref<100x128xf32, #tpu.memory_space<vmem>>, vector<1x16xf32>,
      %parallel_loop3A_330 = vector.shape_cast %parallel_loop3A_329 : vector<1x16xf32> to vector<16xf32>
      %parallel_loop3A_331 = arith.addf %parallel_loop3A_322, %parallel_loop3A_330 : vector<16xf32>
      %parallel_loop3A_332 = arith.constant 2 : i32
      %parallel_loop3A_333 = arith.muli %parallel_loop3A_332, %parallel_loop3A_211 : i32
      %parallel_loop3A_334 = arith.index_cast %parallel_loop3A_333 : i32 to index
      %parallel_loop3A_335 = arith.constant 112 : index
      %parallel_loop3A_336 = tpu.vector_load %arg7[%parallel_loop3A_334, %parallel_loop3A_335] {strides = array<i32>} : memref<100x128xf32, #tpu.memory_space<vmem>>, vector<1x16xf32>,
      %parallel_loop3A_337 = vector.shape_cast %parallel_loop3A_336 : vector<1x16xf32> to vector<16xf32>
      %parallel_loop3A_338 = arith.addf %parallel_loop3A_219, %parallel_loop3A_337 : vector<16xf32>
      %parallel_loop3A_339 = arith.constant 2 : i32
      %parallel_loop3A_340 = arith.muli %parallel_loop3A_339, %parallel_loop3A_211 : i32
      %parallel_loop3A_341 = arith.constant 1 : i32
      %parallel_loop3A_342 = arith.addi %parallel_loop3A_340, %parallel_loop3A_341 : i32
      %parallel_loop3A_343 = arith.index_cast %parallel_loop3A_342 : i32 to index
      %parallel_loop3A_344 = arith.constant 112 : index
      %parallel_loop3A_345 = tpu.vector_load %arg7[%parallel_loop3A_343, %parallel_loop3A_344] {strides = array<i32>} : memref<100x128xf32, #tpu.memory_space<vmem>>, vector<1x16xf32>,
      %parallel_loop3A_346 = vector.shape_cast %parallel_loop3A_345 : vector<1x16xf32> to vector<16xf32>
      %parallel_loop3A_347 = arith.addf %parallel_loop3A_338, %parallel_loop3A_346 : vector<16xf32>
      scf.yield %parallel_loop3A_235, %parallel_loop3A_251, %parallel_loop3A_267, %parallel_loop3A_283, %parallel_loop3A_299, %parallel_loop3A_315, %parallel_loop3A_331, %parallel_loop3A_347 : vector<16xf32>, vector<16xf32>, vector<16xf32>, vector<16xf32>, vector<16xf32>, vector<16xf32>, vector<16xf32>, vector<16xf32>
    } {sc.loop_unroll_factor = 4 : i64, sc.parallel_access}
    %swap3A = arith.constant 126 : i32
    %swap3A_92 = arith.index_cast %swap3A : i32 to index
    %swap3A_93 = arith.constant 0 : index
    %swap3A_94 = tpu.vector_load %arg12[%swap3A_92, %swap3A_93] {strides = array<i32>} : memref<128x128xf32, #tpu.memory_space<vmem>>, vector<1x16xf32>,
    %swap3A_95 = vector.shape_cast %swap3A_94 : vector<1x16xf32> to vector<16xf32>
    %swap3A_96 = vector.shape_cast %parallel_loop3A_91#0 : vector<16xf32> to vector<1x16xf32>
    tpu.vector_store %arg12[%swap3A_92, %swap3A_93], %swap3A_96 {strides = array<i32>} : memref<128x128xf32, #tpu.memory_space<vmem>>, vector<1x16xf32>,
    %swap3A_97 = arith.constant 126 : i32
    %swap3A_98 = arith.index_cast %swap3A_97 : i32 to index
    %swap3A_99 = arith.constant 16 : index
    %swap3A_100 = tpu.vector_load %arg12[%swap3A_98, %swap3A_99] {strides = array<i32>} : memref<128x128xf32, #tpu.memory_space<vmem>>, vector<1x16xf32>,
    %swap3A_101 = vector.shape_cast %swap3A_100 : vector<1x16xf32> to vector<16xf32>
    %swap3A_102 = vector.shape_cast %parallel_loop3A_91#1 : vector<16xf32> to vector<1x16xf32>
    tpu.vector_store %arg12[%swap3A_98, %swap3A_99], %swap3A_102 {strides = array<i32>} : memref<128x128xf32, #tpu.memory_space<vmem>>, vector<1x16xf32>,
    %swap3A_103 = arith.constant 126 : i32
    %swap3A_104 = arith.index_cast %swap3A_103 : i32 to index
    %swap3A_105 = arith.constant 32 : index
    %swap3A_106 = tpu.vector_load %arg12[%swap3A_104, %swap3A_105] {strides = array<i32>} : memref<128x128xf32, #tpu.memory_space<vmem>>, vector<1x16xf32>,
    %swap3A_107 = vector.shape_cast %swap3A_106 : vector<1x16xf32> to vector<16xf32>
    %swap3A_108 = vector.shape_cast %parallel_loop3A_91#2 : vector<16xf32> to vector<1x16xf32>
    tpu.vector_store %arg12[%swap3A_104, %swap3A_105], %swap3A_108 {strides = array<i32>} : memref<128x128xf32, #tpu.memory_space<vmem>>, vector<1x16xf32>,
    %swap3A_109 = arith.constant 126 : i32
    %swap3A_110 = arith.index_cast %swap3A_109 : i32 to index
    %swap3A_111 = arith.constant 48 : index
    %swap3A_112 = tpu.vector_load %arg12[%swap3A_110, %swap3A_111] {strides = array<i32>} : memref<128x128xf32, #tpu.memory_space<vmem>>, vector<1x16xf32>,
    %swap3A_113 = vector.shape_cast %swap3A_112 : vector<1x16xf32> to vector<16xf32>
    %swap3A_114 = vector.shape_cast %parallel_loop3A_91#3 : vector<16xf32> to vector<1x16xf32>
    tpu.vector_store %arg12[%swap3A_110, %swap3A_111], %swap3A_114 {strides = array<i32>} : memref<128x128xf32, #tpu.memory_space<vmem>>, vector<1x16xf32>,
    %swap3A_115 = arith.constant 126 : i32
    %swap3A_116 = arith.index_cast %swap3A_115 : i32 to index
    %swap3A_117 = arith.constant 64 : index
    %swap3A_118 = tpu.vector_load %arg12[%swap3A_116, %swap3A_117] {strides = array<i32>} : memref<128x128xf32, #tpu.memory_space<vmem>>, vector<1x16xf32>,
    %swap3A_119 = vector.shape_cast %swap3A_118 : vector<1x16xf32> to vector<16xf32>
    %swap3A_120 = vector.shape_cast %parallel_loop3A_91#4 : vector<16xf32> to vector<1x16xf32>
    tpu.vector_store %arg12[%swap3A_116, %swap3A_117], %swap3A_120 {strides = array<i32>} : memref<128x128xf32, #tpu.memory_space<vmem>>, vector<1x16xf32>,
    %swap3A_121 = arith.constant 126 : i32
    %swap3A_122 = arith.index_cast %swap3A_121 : i32 to index
    %swap3A_123 = arith.constant 80 : index
    %swap3A_124 = tpu.vector_load %arg12[%swap3A_122, %swap3A_123] {strides = array<i32>} : memref<128x128xf32, #tpu.memory_space<vmem>>, vector<1x16xf32>,
    %swap3A_125 = vector.shape_cast %swap3A_124 : vector<1x16xf32> to vector<16xf32>
    %swap3A_126 = vector.shape_cast %parallel_loop3A_91#5 : vector<16xf32> to vector<1x16xf32>
    tpu.vector_store %arg12[%swap3A_122, %swap3A_123], %swap3A_126 {strides = array<i32>} : memref<128x128xf32, #tpu.memory_space<vmem>>, vector<1x16xf32>,
    %swap3A_127 = arith.constant 126 : i32
    %swap3A_128 = arith.index_cast %swap3A_127 : i32 to index
    %swap3A_129 = arith.constant 96 : index
    %swap3A_130 = tpu.vector_load %arg12[%swap3A_128, %swap3A_129] {strides = array<i32>} : memref<128x128xf32, #tpu.memory_space<vmem>>, vector<1x16xf32>,
    %swap3A_131 = vector.shape_cast %swap3A_130 : vector<1x16xf32> to vector<16xf32>
    %swap3A_132 = vector.shape_cast %parallel_loop3A_91#6 : vector<16xf32> to vector<1x16xf32>
    tpu.vector_store %arg12[%swap3A_128, %swap3A_129], %swap3A_132 {strides = array<i32>} : memref<128x128xf32, #tpu.memory_space<vmem>>, vector<1x16xf32>,
    %swap3A_133 = arith.constant 126 : i32
    %swap3A_134 = arith.index_cast %swap3A_133 : i32 to index
    %swap3A_135 = arith.constant 112 : index
    %swap3A_136 = tpu.vector_load %arg12[%swap3A_134, %swap3A_135] {strides = array<i32>} : memref<128x128xf32, #tpu.memory_space<vmem>>, vector<1x16xf32>,
    %swap3A_137 = vector.shape_cast %swap3A_136 : vector<1x16xf32> to vector<16xf32>
    %swap3A_138 = vector.shape_cast %parallel_loop3A_91#7 : vector<16xf32> to vector<1x16xf32>
    tpu.vector_store %arg12[%swap3A_134, %swap3A_135], %swap3A_138 {strides = array<i32>} : memref<128x128xf32, #tpu.memory_space<vmem>>, vector<1x16xf32>,
    %dma_wait3A_139 = arith.constant 127 : i32
    %dma_wait3A_140 = arith.constant 0 : i32
    %dma_wait3A_141 = arith.constant 0 : i32
    %dma_wait3A_142 = tpu.memref_slice %arg5[%dma_wait3A_139, %dma_wait3A_140, %dma_wait3A_141] : memref<128x2x100xi32, #tpu.memory_space<vmem>> -> memref<1x1x100xi32, #tpu.memory_space<vmem>>
    %dma_wait3A_143 = tpu.memref_squeeze %dma_wait3A_142 : memref<1x1x100xi32, #tpu.memory_space<vmem>> -> memref<100xi32, #tpu.memory_space<vmem>>
    %dma_wait3A_144 = arith.constant 0 : i32
    %dma_wait3A_145 = arith.constant 0 : i32
    %dma_wait3A_146 = tpu.memref_slice %arg3[%dma_wait3A_144, %dma_wait3A_145] : memref<100000x128xf32, #tpu.memory_space<hbm>> -> memref<100000x128xf32, #tpu.memory_space<hbm>>
    tpu.wait_indirect_dma semaphore(%arg15 : memref<!tpu.dma_semaphore, #tpu.memory_space<semaphore_mem>>) src(%dma_wait3A_146 : memref<100000x128xf32, #tpu.memory_space<hbm>>) dst(%arg8 : memref<100x128xf32, #tpu.memory_space<vmem>>)
    %parallel_loop3A_147 = arith.constant 0 : i32
    %parallel_loop3A_148 = arith.constant 50 : i32
    %parallel_loop3A_149 = arith.constant 1 : i32
    %parallel_loop3A_150:8 = scf.for %parallel_loop3A_211 = %parallel_loop3A_147 to %parallel_loop3A_148 step %parallel_loop3A_149 iter_args(%parallel_loop3A_212 = %broadcast_in_dim3A_50, %parallel_loop3A_213 = %broadcast_in_dim3A_52, %parallel_loop3A_214 = %broadcast_in_dim3A_54, %parallel_loop3A_215 = %broadcast_in_dim3A_56, %parallel_loop3A_216 = %broadcast_in_dim3A_58, %parallel_loop3A_217 = %broadcast_in_dim3A_60, %parallel_loop3A_218 = %broadcast_in_dim3A_62, %parallel_loop3A_219 = %broadcast_in_dim3A_64) -> (vector<16xf32>, vector<16xf32>, vector<16xf32>, vector<16xf32>, vector<16xf32>, vector<16xf32>, vector<16xf32>, vector<16xf32>)  : i32 {
      %parallel_loop3A_220 = arith.constant 2 : i32
      %parallel_loop3A_221 = arith.muli %parallel_loop3A_220, %parallel_loop3A_211 : i32
      %parallel_loop3A_222 = arith.index_cast %parallel_loop3A_221 : i32 to index
      %parallel_loop3A_223 = arith.constant 0 : index
      %parallel_loop3A_224 = tpu.vector_load %arg8[%parallel_loop3A_222, %parallel_loop3A_223] {strides = array<i32>} : memref<100x128xf32, #tpu.memory_space<vmem>>, vector<1x16xf32>,
      %parallel_loop3A_225 = vector.shape_cast %parallel_loop3A_224 : vector<1x16xf32> to vector<16xf32>
      %parallel_loop3A_226 = arith.addf %parallel_loop3A_212, %parallel_loop3A_225 : vector<16xf32>
      %parallel_loop3A_227 = arith.constant 2 : i32
      %parallel_loop3A_228 = arith.muli %parallel_loop3A_227, %parallel_loop3A_211 : i32
      %parallel_loop3A_229 = arith.constant 1 : i32
      %parallel_loop3A_230 = arith.addi %parallel_loop3A_228, %parallel_loop3A_229 : i32
      %parallel_loop3A_231 = arith.index_cast %parallel_loop3A_230 : i32 to index
      %parallel_loop3A_232 = arith.constant 0 : index
      %parallel_loop3A_233 = tpu.vector_load %arg8[%parallel_loop3A_231, %parallel_loop3A_232] {strides = array<i32>} : memref<100x128xf32, #tpu.memory_space<vmem>>, vector<1x16xf32>,
      %parallel_loop3A_234 = vector.shape_cast %parallel_loop3A_233 : vector<1x16xf32> to vector<16xf32>
      %parallel_loop3A_235 = arith.addf %parallel_loop3A_226, %parallel_loop3A_234 : vector<16xf32>
      %parallel_loop3A_236 = arith.constant 2 : i32
      %parallel_loop3A_237 = arith.muli %parallel_loop3A_236, %parallel_loop3A_211 : i32
      %parallel_loop3A_238 = arith.index_cast %parallel_loop3A_237 : i32 to index
      %parallel_loop3A_239 = arith.constant 16 : index
      %parallel_loop3A_240 = tpu.vector_load %arg8[%parallel_loop3A_238, %parallel_loop3A_239] {strides = array<i32>} : memref<100x128xf32, #tpu.memory_space<vmem>>, vector<1x16xf32>,
      %parallel_loop3A_241 = vector.shape_cast %parallel_loop3A_240 : vector<1x16xf32> to vector<16xf32>
      %parallel_loop3A_242 = arith.addf %parallel_loop3A_213, %parallel_loop3A_241 : vector<16xf32>
      %parallel_loop3A_243 = arith.constant 2 : i32
      %parallel_loop3A_244 = arith.muli %parallel_loop3A_243, %parallel_loop3A_211 : i32
      %parallel_loop3A_245 = arith.constant 1 : i32
      %parallel_loop3A_246 = arith.addi %parallel_loop3A_244, %parallel_loop3A_245 : i32
      %parallel_loop3A_247 = arith.index_cast %parallel_loop3A_246 : i32 to index
      %parallel_loop3A_248 = arith.constant 16 : index
      %parallel_loop3A_249 = tpu.vector_load %arg8[%parallel_loop3A_247, %parallel_loop3A_248] {strides = array<i32>} : memref<100x128xf32, #tpu.memory_space<vmem>>, vector<1x16xf32>,
      %parallel_loop3A_250 = vector.shape_cast %parallel_loop3A_249 : vector<1x16xf32> to vector<16xf32>
      %parallel_loop3A_251 = arith.addf %parallel_loop3A_242, %parallel_loop3A_250 : vector<16xf32>
      %parallel_loop3A_252 = arith.constant 2 : i32
      %parallel_loop3A_253 = arith.muli %parallel_loop3A_252, %parallel_loop3A_211 : i32
      %parallel_loop3A_254 = arith.index_cast %parallel_loop3A_253 : i32 to index
      %parallel_loop3A_255 = arith.constant 32 : index
      %parallel_loop3A_256 = tpu.vector_load %arg8[%parallel_loop3A_254, %parallel_loop3A_255] {strides = array<i32>} : memref<100x128xf32, #tpu.memory_space<vmem>>, vector<1x16xf32>,
      %parallel_loop3A_257 = vector.shape_cast %parallel_loop3A_256 : vector<1x16xf32> to vector<16xf32>
      %parallel_loop3A_258 = arith.addf %parallel_loop3A_214, %parallel_loop3A_257 : vector<16xf32>
      %parallel_loop3A_259 = arith.constant 2 : i32
      %parallel_loop3A_260 = arith.muli %parallel_loop3A_259, %parallel_loop3A_211 : i32
      %parallel_loop3A_261 = arith.constant 1 : i32
      %parallel_loop3A_262 = arith.addi %parallel_loop3A_260, %parallel_loop3A_261 : i32
      %parallel_loop3A_263 = arith.index_cast %parallel_loop3A_262 : i32 to index
      %parallel_loop3A_264 = arith.constant 32 : index
      %parallel_loop3A_265 = tpu.vector_load %arg8[%parallel_loop3A_263, %parallel_loop3A_264] {strides = array<i32>} : memref<100x128xf32, #tpu.memory_space<vmem>>, vector<1x16xf32>,
      %parallel_loop3A_266 = vector.shape_cast %parallel_loop3A_265 : vector<1x16xf32> to vector<16xf32>
      %parallel_loop3A_267 = arith.addf %parallel_loop3A_258, %parallel_loop3A_266 : vector<16xf32>
      %parallel_loop3A_268 = arith.constant 2 : i32
      %parallel_loop3A_269 = arith.muli %parallel_loop3A_268, %parallel_loop3A_211 : i32
      %parallel_loop3A_270 = arith.index_cast %parallel_loop3A_269 : i32 to index
      %parallel_loop3A_271 = arith.constant 48 : index
      %parallel_loop3A_272 = tpu.vector_load %arg8[%parallel_loop3A_270, %parallel_loop3A_271] {strides = array<i32>} : memref<100x128xf32, #tpu.memory_space<vmem>>, vector<1x16xf32>,
      %parallel_loop3A_273 = vector.shape_cast %parallel_loop3A_272 : vector<1x16xf32> to vector<16xf32>
      %parallel_loop3A_274 = arith.addf %parallel_loop3A_215, %parallel_loop3A_273 : vector<16xf32>
      %parallel_loop3A_275 = arith.constant 2 : i32
      %parallel_loop3A_276 = arith.muli %parallel_loop3A_275, %parallel_loop3A_211 : i32
      %parallel_loop3A_277 = arith.constant 1 : i32
      %parallel_loop3A_278 = arith.addi %parallel_loop3A_276, %parallel_loop3A_277 : i32
      %parallel_loop3A_279 = arith.index_cast %parallel_loop3A_278 : i32 to index
      %parallel_loop3A_280 = arith.constant 48 : index
      %parallel_loop3A_281 = tpu.vector_load %arg8[%parallel_loop3A_279, %parallel_loop3A_280] {strides = array<i32>} : memref<100x128xf32, #tpu.memory_space<vmem>>, vector<1x16xf32>,
      %parallel_loop3A_282 = vector.shape_cast %parallel_loop3A_281 : vector<1x16xf32> to vector<16xf32>
      %parallel_loop3A_283 = arith.addf %parallel_loop3A_274, %parallel_loop3A_282 : vector<16xf32>
      %parallel_loop3A_284 = arith.constant 2 : i32
      %parallel_loop3A_285 = arith.muli %parallel_loop3A_284, %parallel_loop3A_211 : i32
      %parallel_loop3A_286 = arith.index_cast %parallel_loop3A_285 : i32 to index
      %parallel_loop3A_287 = arith.constant 64 : index
      %parallel_loop3A_288 = tpu.vector_load %arg8[%parallel_loop3A_286, %parallel_loop3A_287] {strides = array<i32>} : memref<100x128xf32, #tpu.memory_space<vmem>>, vector<1x16xf32>,
      %parallel_loop3A_289 = vector.shape_cast %parallel_loop3A_288 : vector<1x16xf32> to vector<16xf32>
      %parallel_loop3A_290 = arith.addf %parallel_loop3A_216, %parallel_loop3A_289 : vector<16xf32>
      %parallel_loop3A_291 = arith.constant 2 : i32
      %parallel_loop3A_292 = arith.muli %parallel_loop3A_291, %parallel_loop3A_211 : i32
      %parallel_loop3A_293 = arith.constant 1 : i32
      %parallel_loop3A_294 = arith.addi %parallel_loop3A_292, %parallel_loop3A_293 : i32
      %parallel_loop3A_295 = arith.index_cast %parallel_loop3A_294 : i32 to index
      %parallel_loop3A_296 = arith.constant 64 : index
      %parallel_loop3A_297 = tpu.vector_load %arg8[%parallel_loop3A_295, %parallel_loop3A_296] {strides = array<i32>} : memref<100x128xf32, #tpu.memory_space<vmem>>, vector<1x16xf32>,
      %parallel_loop3A_298 = vector.shape_cast %parallel_loop3A_297 : vector<1x16xf32> to vector<16xf32>
      %parallel_loop3A_299 = arith.addf %parallel_loop3A_290, %parallel_loop3A_298 : vector<16xf32>
      %parallel_loop3A_300 = arith.constant 2 : i32
      %parallel_loop3A_301 = arith.muli %parallel_loop3A_300, %parallel_loop3A_211 : i32
      %parallel_loop3A_302 = arith.index_cast %parallel_loop3A_301 : i32 to index
      %parallel_loop3A_303 = arith.constant 80 : index
      %parallel_loop3A_304 = tpu.vector_load %arg8[%parallel_loop3A_302, %parallel_loop3A_303] {strides = array<i32>} : memref<100x128xf32, #tpu.memory_space<vmem>>, vector<1x16xf32>,
      %parallel_loop3A_305 = vector.shape_cast %parallel_loop3A_304 : vector<1x16xf32> to vector<16xf32>
      %parallel_loop3A_306 = arith.addf %parallel_loop3A_217, %parallel_loop3A_305 : vector<16xf32>
      %parallel_loop3A_307 = arith.constant 2 : i32
      %parallel_loop3A_308 = arith.muli %parallel_loop3A_307, %parallel_loop3A_211 : i32
      %parallel_loop3A_309 = arith.constant 1 : i32
      %parallel_loop3A_310 = arith.addi %parallel_loop3A_308, %parallel_loop3A_309 : i32
      %parallel_loop3A_311 = arith.index_cast %parallel_loop3A_310 : i32 to index
      %parallel_loop3A_312 = arith.constant 80 : index
      %parallel_loop3A_313 = tpu.vector_load %arg8[%parallel_loop3A_311, %parallel_loop3A_312] {strides = array<i32>} : memref<100x128xf32, #tpu.memory_space<vmem>>, vector<1x16xf32>,
      %parallel_loop3A_314 = vector.shape_cast %parallel_loop3A_313 : vector<1x16xf32> to vector<16xf32>
      %parallel_loop3A_315 = arith.addf %parallel_loop3A_306, %parallel_loop3A_314 : vector<16xf32>
      %parallel_loop3A_316 = arith.constant 2 : i32
      %parallel_loop3A_317 = arith.muli %parallel_loop3A_316, %parallel_loop3A_211 : i32
      %parallel_loop3A_318 = arith.index_cast %parallel_loop3A_317 : i32 to index
      %parallel_loop3A_319 = arith.constant 96 : index
      %parallel_loop3A_320 = tpu.vector_load %arg8[%parallel_loop3A_318, %parallel_loop3A_319] {strides = array<i32>} : memref<100x128xf32, #tpu.memory_space<vmem>>, vector<1x16xf32>,
      %parallel_loop3A_321 = vector.shape_cast %parallel_loop3A_320 : vector<1x16xf32> to vector<16xf32>
      %parallel_loop3A_322 = arith.addf %parallel_loop3A_218, %parallel_loop3A_321 : vector<16xf32>
      %parallel_loop3A_323 = arith.constant 2 : i32
      %parallel_loop3A_324 = arith.muli %parallel_loop3A_323, %parallel_loop3A_211 : i32
      %parallel_loop3A_325 = arith.constant 1 : i32
      %parallel_loop3A_326 = arith.addi %parallel_loop3A_324, %parallel_loop3A_325 : i32
      %parallel_loop3A_327 = arith.index_cast %parallel_loop3A_326 : i32 to index
      %parallel_loop3A_328 = arith.constant 96 : index
      %parallel_loop3A_329 = tpu.vector_load %arg8[%parallel_loop3A_327, %parallel_loop3A_328] {strides = array<i32>} : memref<100x128xf32, #tpu.memory_space<vmem>>, vector<1x16xf32>,
      %parallel_loop3A_330 = vector.shape_cast %parallel_loop3A_329 : vector<1x16xf32> to vector<16xf32>
      %parallel_loop3A_331 = arith.addf %parallel_loop3A_322, %parallel_loop3A_330 : vector<16xf32>
      %parallel_loop3A_332 = arith.constant 2 : i32
      %parallel_loop3A_333 = arith.muli %parallel_loop3A_332, %parallel_loop3A_211 : i32
      %parallel_loop3A_334 = arith.index_cast %parallel_loop3A_333 : i32 to index
      %parallel_loop3A_335 = arith.constant 112 : index
      %parallel_loop3A_336 = tpu.vector_load %arg8[%parallel_loop3A_334, %parallel_loop3A_335] {strides = array<i32>} : memref<100x128xf32, #tpu.memory_space<vmem>>, vector<1x16xf32>,
      %parallel_loop3A_337 = vector.shape_cast %parallel_loop3A_336 : vector<1x16xf32> to vector<16xf32>
      %parallel_loop3A_338 = arith.addf %parallel_loop3A_219, %parallel_loop3A_337 : vector<16xf32>
      %parallel_loop3A_339 = arith.constant 2 : i32
      %parallel_loop3A_340 = arith.muli %parallel_loop3A_339, %parallel_loop3A_211 : i32
      %parallel_loop3A_341 = arith.constant 1 : i32
      %parallel_loop3A_342 = arith.addi %parallel_loop3A_340, %parallel_loop3A_341 : i32
      %parallel_loop3A_343 = arith.index_cast %parallel_loop3A_342 : i32 to index
      %parallel_loop3A_344 = arith.constant 112 : index
      %parallel_loop3A_345 = tpu.vector_load %arg8[%parallel_loop3A_343, %parallel_loop3A_344] {strides = array<i32>} : memref<100x128xf32, #tpu.memory_space<vmem>>, vector<1x16xf32>,
      %parallel_loop3A_346 = vector.shape_cast %parallel_loop3A_345 : vector<1x16xf32> to vector<16xf32>
      %parallel_loop3A_347 = arith.addf %parallel_loop3A_338, %parallel_loop3A_346 : vector<16xf32>
      scf.yield %parallel_loop3A_235, %parallel_loop3A_251, %parallel_loop3A_267, %parallel_loop3A_283, %parallel_loop3A_299, %parallel_loop3A_315, %parallel_loop3A_331, %parallel_loop3A_347 : vector<16xf32>, vector<16xf32>, vector<16xf32>, vector<16xf32>, vector<16xf32>, vector<16xf32>, vector<16xf32>, vector<16xf32>
    } {sc.loop_unroll_factor = 4 : i64, sc.parallel_access}
    %dma_wait3A_151 = arith.constant 127 : i32
    %dma_wait3A_152 = arith.constant 1 : i32
    %dma_wait3A_153 = arith.constant 0 : i32
    %dma_wait3A_154 = tpu.memref_slice %arg5[%dma_wait3A_151, %dma_wait3A_152, %dma_wait3A_153] : memref<128x2x100xi32, #tpu.memory_space<vmem>> -> memref<1x1x100xi32, #tpu.memory_space<vmem>>
    %dma_wait3A_155 = tpu.memref_squeeze %dma_wait3A_154 : memref<1x1x100xi32, #tpu.memory_space<vmem>> -> memref<100xi32, #tpu.memory_space<vmem>>
    %dma_wait3A_156 = arith.constant 0 : i32
    %dma_wait3A_157 = arith.constant 0 : i32
    %dma_wait3A_158 = tpu.memref_slice %arg3[%dma_wait3A_156, %dma_wait3A_157] : memref<100000x128xf32, #tpu.memory_space<hbm>> -> memref<100000x128xf32, #tpu.memory_space<hbm>>
    tpu.wait_indirect_dma semaphore(%arg16 : memref<!tpu.dma_semaphore, #tpu.memory_space<semaphore_mem>>) src(%dma_wait3A_158 : memref<100000x128xf32, #tpu.memory_space<hbm>>) dst(%arg9 : memref<100x128xf32, #tpu.memory_space<vmem>>)
    %parallel_loop3A_159 = arith.constant 0 : i32
    %parallel_loop3A_160 = arith.constant 50 : i32
    %parallel_loop3A_161 = arith.constant 1 : i32
    %parallel_loop3A_162:8 = scf.for %parallel_loop3A_211 = %parallel_loop3A_159 to %parallel_loop3A_160 step %parallel_loop3A_161 iter_args(%parallel_loop3A_212 = %parallel_loop3A_150#0, %parallel_loop3A_213 = %parallel_loop3A_150#1, %parallel_loop3A_214 = %parallel_loop3A_150#2, %parallel_loop3A_215 = %parallel_loop3A_150#3, %parallel_loop3A_216 = %parallel_loop3A_150#4, %parallel_loop3A_217 = %parallel_loop3A_150#5, %parallel_loop3A_218 = %parallel_loop3A_150#6, %parallel_loop3A_219 = %parallel_loop3A_150#7) -> (vector<16xf32>, vector<16xf32>, vector<16xf32>, vector<16xf32>, vector<16xf32>, vector<16xf32>, vector<16xf32>, vector<16xf32>)  : i32 {
      %parallel_loop3A_220 = arith.constant 2 : i32
      %parallel_loop3A_221 = arith.muli %parallel_loop3A_220, %parallel_loop3A_211 : i32
      %parallel_loop3A_222 = arith.index_cast %parallel_loop3A_221 : i32 to index
      %parallel_loop3A_223 = arith.constant 0 : index
      %parallel_loop3A_224 = tpu.vector_load %arg9[%parallel_loop3A_222, %parallel_loop3A_223] {strides = array<i32>} : memref<100x128xf32, #tpu.memory_space<vmem>>, vector<1x16xf32>,
      %parallel_loop3A_225 = vector.shape_cast %parallel_loop3A_224 : vector<1x16xf32> to vector<16xf32>
      %parallel_loop3A_226 = arith.addf %parallel_loop3A_212, %parallel_loop3A_225 : vector<16xf32>
      %parallel_loop3A_227 = arith.constant 2 : i32
      %parallel_loop3A_228 = arith.muli %parallel_loop3A_227, %parallel_loop3A_211 : i32
      %parallel_loop3A_229 = arith.constant 1 : i32
      %parallel_loop3A_230 = arith.addi %parallel_loop3A_228, %parallel_loop3A_229 : i32
      %parallel_loop3A_231 = arith.index_cast %parallel_loop3A_230 : i32 to index
      %parallel_loop3A_232 = arith.constant 0 : index
      %parallel_loop3A_233 = tpu.vector_load %arg9[%parallel_loop3A_231, %parallel_loop3A_232] {strides = array<i32>} : memref<100x128xf32, #tpu.memory_space<vmem>>, vector<1x16xf32>,
      %parallel_loop3A_234 = vector.shape_cast %parallel_loop3A_233 : vector<1x16xf32> to vector<16xf32>
      %parallel_loop3A_235 = arith.addf %parallel_loop3A_226, %parallel_loop3A_234 : vector<16xf32>
      %parallel_loop3A_236 = arith.constant 2 : i32
      %parallel_loop3A_237 = arith.muli %parallel_loop3A_236, %parallel_loop3A_211 : i32
      %parallel_loop3A_238 = arith.index_cast %parallel_loop3A_237 : i32 to index
      %parallel_loop3A_239 = arith.constant 16 : index
      %parallel_loop3A_240 = tpu.vector_load %arg9[%parallel_loop3A_238, %parallel_loop3A_239] {strides = array<i32>} : memref<100x128xf32, #tpu.memory_space<vmem>>, vector<1x16xf32>,
      %parallel_loop3A_241 = vector.shape_cast %parallel_loop3A_240 : vector<1x16xf32> to vector<16xf32>
      %parallel_loop3A_242 = arith.addf %parallel_loop3A_213, %parallel_loop3A_241 : vector<16xf32>
      %parallel_loop3A_243 = arith.constant 2 : i32
      %parallel_loop3A_244 = arith.muli %parallel_loop3A_243, %parallel_loop3A_211 : i32
      %parallel_loop3A_245 = arith.constant 1 : i32
      %parallel_loop3A_246 = arith.addi %parallel_loop3A_244, %parallel_loop3A_245 : i32
      %parallel_loop3A_247 = arith.index_cast %parallel_loop3A_246 : i32 to index
      %parallel_loop3A_248 = arith.constant 16 : index
      %parallel_loop3A_249 = tpu.vector_load %arg9[%parallel_loop3A_247, %parallel_loop3A_248] {strides = array<i32>} : memref<100x128xf32, #tpu.memory_space<vmem>>, vector<1x16xf32>,
      %parallel_loop3A_250 = vector.shape_cast %parallel_loop3A_249 : vector<1x16xf32> to vector<16xf32>
      %parallel_loop3A_251 = arith.addf %parallel_loop3A_242, %parallel_loop3A_250 : vector<16xf32>
      %parallel_loop3A_252 = arith.constant 2 : i32
      %parallel_loop3A_253 = arith.muli %parallel_loop3A_252, %parallel_loop3A_211 : i32
      %parallel_loop3A_254 = arith.index_cast %parallel_loop3A_253 : i32 to index
      %parallel_loop3A_255 = arith.constant 32 : index
      %parallel_loop3A_256 = tpu.vector_load %arg9[%parallel_loop3A_254, %parallel_loop3A_255] {strides = array<i32>} : memref<100x128xf32, #tpu.memory_space<vmem>>, vector<1x16xf32>,
      %parallel_loop3A_257 = vector.shape_cast %parallel_loop3A_256 : vector<1x16xf32> to vector<16xf32>
      %parallel_loop3A_258 = arith.addf %parallel_loop3A_214, %parallel_loop3A_257 : vector<16xf32>
      %parallel_loop3A_259 = arith.constant 2 : i32
      %parallel_loop3A_260 = arith.muli %parallel_loop3A_259, %parallel_loop3A_211 : i32
      %parallel_loop3A_261 = arith.constant 1 : i32
      %parallel_loop3A_262 = arith.addi %parallel_loop3A_260, %parallel_loop3A_261 : i32
      %parallel_loop3A_263 = arith.index_cast %parallel_loop3A_262 : i32 to index
      %parallel_loop3A_264 = arith.constant 32 : index
      %parallel_loop3A_265 = tpu.vector_load %arg9[%parallel_loop3A_263, %parallel_loop3A_264] {strides = array<i32>} : memref<100x128xf32, #tpu.memory_space<vmem>>, vector<1x16xf32>,
      %parallel_loop3A_266 = vector.shape_cast %parallel_loop3A_265 : vector<1x16xf32> to vector<16xf32>
      %parallel_loop3A_267 = arith.addf %parallel_loop3A_258, %parallel_loop3A_266 : vector<16xf32>
      %parallel_loop3A_268 = arith.constant 2 : i32
      %parallel_loop3A_269 = arith.muli %parallel_loop3A_268, %parallel_loop3A_211 : i32
      %parallel_loop3A_270 = arith.index_cast %parallel_loop3A_269 : i32 to index
      %parallel_loop3A_271 = arith.constant 48 : index
      %parallel_loop3A_272 = tpu.vector_load %arg9[%parallel_loop3A_270, %parallel_loop3A_271] {strides = array<i32>} : memref<100x128xf32, #tpu.memory_space<vmem>>, vector<1x16xf32>,
      %parallel_loop3A_273 = vector.shape_cast %parallel_loop3A_272 : vector<1x16xf32> to vector<16xf32>
      %parallel_loop3A_274 = arith.addf %parallel_loop3A_215, %parallel_loop3A_273 : vector<16xf32>
      %parallel_loop3A_275 = arith.constant 2 : i32
      %parallel_loop3A_276 = arith.muli %parallel_loop3A_275, %parallel_loop3A_211 : i32
      %parallel_loop3A_277 = arith.constant 1 : i32
      %parallel_loop3A_278 = arith.addi %parallel_loop3A_276, %parallel_loop3A_277 : i32
      %parallel_loop3A_279 = arith.index_cast %parallel_loop3A_278 : i32 to index
      %parallel_loop3A_280 = arith.constant 48 : index
      %parallel_loop3A_281 = tpu.vector_load %arg9[%parallel_loop3A_279, %parallel_loop3A_280] {strides = array<i32>} : memref<100x128xf32, #tpu.memory_space<vmem>>, vector<1x16xf32>,
      %parallel_loop3A_282 = vector.shape_cast %parallel_loop3A_281 : vector<1x16xf32> to vector<16xf32>
      %parallel_loop3A_283 = arith.addf %parallel_loop3A_274, %parallel_loop3A_282 : vector<16xf32>
      %parallel_loop3A_284 = arith.constant 2 : i32
      %parallel_loop3A_285 = arith.muli %parallel_loop3A_284, %parallel_loop3A_211 : i32
      %parallel_loop3A_286 = arith.index_cast %parallel_loop3A_285 : i32 to index
      %parallel_loop3A_287 = arith.constant 64 : index
      %parallel_loop3A_288 = tpu.vector_load %arg9[%parallel_loop3A_286, %parallel_loop3A_287] {strides = array<i32>} : memref<100x128xf32, #tpu.memory_space<vmem>>, vector<1x16xf32>,
      %parallel_loop3A_289 = vector.shape_cast %parallel_loop3A_288 : vector<1x16xf32> to vector<16xf32>
      %parallel_loop3A_290 = arith.addf %parallel_loop3A_216, %parallel_loop3A_289 : vector<16xf32>
      %parallel_loop3A_291 = arith.constant 2 : i32
      %parallel_loop3A_292 = arith.muli %parallel_loop3A_291, %parallel_loop3A_211 : i32
      %parallel_loop3A_293 = arith.constant 1 : i32
      %parallel_loop3A_294 = arith.addi %parallel_loop3A_292, %parallel_loop3A_293 : i32
      %parallel_loop3A_295 = arith.index_cast %parallel_loop3A_294 : i32 to index
      %parallel_loop3A_296 = arith.constant 64 : index
      %parallel_loop3A_297 = tpu.vector_load %arg9[%parallel_loop3A_295, %parallel_loop3A_296] {strides = array<i32>} : memref<100x128xf32, #tpu.memory_space<vmem>>, vector<1x16xf32>,
      %parallel_loop3A_298 = vector.shape_cast %parallel_loop3A_297 : vector<1x16xf32> to vector<16xf32>
      %parallel_loop3A_299 = arith.addf %parallel_loop3A_290, %parallel_loop3A_298 : vector<16xf32>
      %parallel_loop3A_300 = arith.constant 2 : i32
      %parallel_loop3A_301 = arith.muli %parallel_loop3A_300, %parallel_loop3A_211 : i32
      %parallel_loop3A_302 = arith.index_cast %parallel_loop3A_301 : i32 to index
      %parallel_loop3A_303 = arith.constant 80 : index
      %parallel_loop3A_304 = tpu.vector_load %arg9[%parallel_loop3A_302, %parallel_loop3A_303] {strides = array<i32>} : memref<100x128xf32, #tpu.memory_space<vmem>>, vector<1x16xf32>,
      %parallel_loop3A_305 = vector.shape_cast %parallel_loop3A_304 : vector<1x16xf32> to vector<16xf32>
      %parallel_loop3A_306 = arith.addf %parallel_loop3A_217, %parallel_loop3A_305 : vector<16xf32>
      %parallel_loop3A_307 = arith.constant 2 : i32
      %parallel_loop3A_308 = arith.muli %parallel_loop3A_307, %parallel_loop3A_211 : i32
      %parallel_loop3A_309 = arith.constant 1 : i32
      %parallel_loop3A_310 = arith.addi %parallel_loop3A_308, %parallel_loop3A_309 : i32
      %parallel_loop3A_311 = arith.index_cast %parallel_loop3A_310 : i32 to index
      %parallel_loop3A_312 = arith.constant 80 : index
      %parallel_loop3A_313 = tpu.vector_load %arg9[%parallel_loop3A_311, %parallel_loop3A_312] {strides = array<i32>} : memref<100x128xf32, #tpu.memory_space<vmem>>, vector<1x16xf32>,
      %parallel_loop3A_314 = vector.shape_cast %parallel_loop3A_313 : vector<1x16xf32> to vector<16xf32>
      %parallel_loop3A_315 = arith.addf %parallel_loop3A_306, %parallel_loop3A_314 : vector<16xf32>
      %parallel_loop3A_316 = arith.constant 2 : i32
      %parallel_loop3A_317 = arith.muli %parallel_loop3A_316, %parallel_loop3A_211 : i32
      %parallel_loop3A_318 = arith.index_cast %parallel_loop3A_317 : i32 to index
      %parallel_loop3A_319 = arith.constant 96 : index
      %parallel_loop3A_320 = tpu.vector_load %arg9[%parallel_loop3A_318, %parallel_loop3A_319] {strides = array<i32>} : memref<100x128xf32, #tpu.memory_space<vmem>>, vector<1x16xf32>,
      %parallel_loop3A_321 = vector.shape_cast %parallel_loop3A_320 : vector<1x16xf32> to vector<16xf32>
      %parallel_loop3A_322 = arith.addf %parallel_loop3A_218, %parallel_loop3A_321 : vector<16xf32>
      %parallel_loop3A_323 = arith.constant 2 : i32
      %parallel_loop3A_324 = arith.muli %parallel_loop3A_323, %parallel_loop3A_211 : i32
      %parallel_loop3A_325 = arith.constant 1 : i32
      %parallel_loop3A_326 = arith.addi %parallel_loop3A_324, %parallel_loop3A_325 : i32
      %parallel_loop3A_327 = arith.index_cast %parallel_loop3A_326 : i32 to index
      %parallel_loop3A_328 = arith.constant 96 : index
      %parallel_loop3A_329 = tpu.vector_load %arg9[%parallel_loop3A_327, %parallel_loop3A_328] {strides = array<i32>} : memref<100x128xf32, #tpu.memory_space<vmem>>, vector<1x16xf32>,
      %parallel_loop3A_330 = vector.shape_cast %parallel_loop3A_329 : vector<1x16xf32> to vector<16xf32>
      %parallel_loop3A_331 = arith.addf %parallel_loop3A_322, %parallel_loop3A_330 : vector<16xf32>
      %parallel_loop3A_332 = arith.constant 2 : i32
      %parallel_loop3A_333 = arith.muli %parallel_loop3A_332, %parallel_loop3A_211 : i32
      %parallel_loop3A_334 = arith.index_cast %parallel_loop3A_333 : i32 to index
      %parallel_loop3A_335 = arith.constant 112 : index
      %parallel_loop3A_336 = tpu.vector_load %arg9[%parallel_loop3A_334, %parallel_loop3A_335] {strides = array<i32>} : memref<100x128xf32, #tpu.memory_space<vmem>>, vector<1x16xf32>,
      %parallel_loop3A_337 = vector.shape_cast %parallel_loop3A_336 : vector<1x16xf32> to vector<16xf32>
      %parallel_loop3A_338 = arith.addf %parallel_loop3A_219, %parallel_loop3A_337 : vector<16xf32>
      %parallel_loop3A_339 = arith.constant 2 : i32
      %parallel_loop3A_340 = arith.muli %parallel_loop3A_339, %parallel_loop3A_211 : i32
      %parallel_loop3A_341 = arith.constant 1 : i32
      %parallel_loop3A_342 = arith.addi %parallel_loop3A_340, %parallel_loop3A_341 : i32
      %parallel_loop3A_343 = arith.index_cast %parallel_loop3A_342 : i32 to index
      %parallel_loop3A_344 = arith.constant 112 : index
      %parallel_loop3A_345 = tpu.vector_load %arg9[%parallel_loop3A_343, %parallel_loop3A_344] {strides = array<i32>} : memref<100x128xf32, #tpu.memory_space<vmem>>, vector<1x16xf32>,
      %parallel_loop3A_346 = vector.shape_cast %parallel_loop3A_345 : vector<1x16xf32> to vector<16xf32>
      %parallel_loop3A_347 = arith.addf %parallel_loop3A_338, %parallel_loop3A_346 : vector<16xf32>
      scf.yield %parallel_loop3A_235, %parallel_loop3A_251, %parallel_loop3A_267, %parallel_loop3A_283, %parallel_loop3A_299, %parallel_loop3A_315, %parallel_loop3A_331, %parallel_loop3A_347 : vector<16xf32>, vector<16xf32>, vector<16xf32>, vector<16xf32>, vector<16xf32>, vector<16xf32>, vector<16xf32>, vector<16xf32>
    } {sc.loop_unroll_factor = 4 : i64, sc.parallel_access}
    %swap3A_163 = arith.constant 127 : i32
    %swap3A_164 = arith.index_cast %swap3A_163 : i32 to index
    %swap3A_165 = arith.constant 0 : index
    %swap3A_166 = tpu.vector_load %arg12[%swap3A_164, %swap3A_165] {strides = array<i32>} : memref<128x128xf32, #tpu.memory_space<vmem>>, vector<1x16xf32>,
    %swap3A_167 = vector.shape_cast %swap3A_166 : vector<1x16xf32> to vector<16xf32>
    %swap3A_168 = vector.shape_cast %parallel_loop3A_162#0 : vector<16xf32> to vector<1x16xf32>
    tpu.vector_store %arg12[%swap3A_164, %swap3A_165], %swap3A_168 {strides = array<i32>} : memref<128x128xf32, #tpu.memory_space<vmem>>, vector<1x16xf32>,
    %swap3A_169 = arith.constant 127 : i32
    %swap3A_170 = arith.index_cast %swap3A_169 : i32 to index
    %swap3A_171 = arith.constant 16 : index
    %swap3A_172 = tpu.vector_load %arg12[%swap3A_170, %swap3A_171] {strides = array<i32>} : memref<128x128xf32, #tpu.memory_space<vmem>>, vector<1x16xf32>,
    %swap3A_173 = vector.shape_cast %swap3A_172 : vector<1x16xf32> to vector<16xf32>
    %swap3A_174 = vector.shape_cast %parallel_loop3A_162#1 : vector<16xf32> to vector<1x16xf32>
    tpu.vector_store %arg12[%swap3A_170, %swap3A_171], %swap3A_174 {strides = array<i32>} : memref<128x128xf32, #tpu.memory_space<vmem>>, vector<1x16xf32>,
    %swap3A_175 = arith.constant 127 : i32
    %swap3A_176 = arith.index_cast %swap3A_175 : i32 to index
    %swap3A_177 = arith.constant 32 : index
    %swap3A_178 = tpu.vector_load %arg12[%swap3A_176, %swap3A_177] {strides = array<i32>} : memref<128x128xf32, #tpu.memory_space<vmem>>, vector<1x16xf32>,
    %swap3A_179 = vector.shape_cast %swap3A_178 : vector<1x16xf32> to vector<16xf32>
    %swap3A_180 = vector.shape_cast %parallel_loop3A_162#2 : vector<16xf32> to vector<1x16xf32>
    tpu.vector_store %arg12[%swap3A_176, %swap3A_177], %swap3A_180 {strides = array<i32>} : memref<128x128xf32, #tpu.memory_space<vmem>>, vector<1x16xf32>,
    %swap3A_181 = arith.constant 127 : i32
    %swap3A_182 = arith.index_cast %swap3A_181 : i32 to index
    %swap3A_183 = arith.constant 48 : index
    %swap3A_184 = tpu.vector_load %arg12[%swap3A_182, %swap3A_183] {strides = array<i32>} : memref<128x128xf32, #tpu.memory_space<vmem>>, vector<1x16xf32>,
    %swap3A_185 = vector.shape_cast %swap3A_184 : vector<1x16xf32> to vector<16xf32>
    %swap3A_186 = vector.shape_cast %parallel_loop3A_162#3 : vector<16xf32> to vector<1x16xf32>
    tpu.vector_store %arg12[%swap3A_182, %swap3A_183], %swap3A_186 {strides = array<i32>} : memref<128x128xf32, #tpu.memory_space<vmem>>, vector<1x16xf32>,
    %swap3A_187 = arith.constant 127 : i32
    %swap3A_188 = arith.index_cast %swap3A_187 : i32 to index
    %swap3A_189 = arith.constant 64 : index
    %swap3A_190 = tpu.vector_load %arg12[%swap3A_188, %swap3A_189] {strides = array<i32>} : memref<128x128xf32, #tpu.memory_space<vmem>>, vector<1x16xf32>,
    %swap3A_191 = vector.shape_cast %swap3A_190 : vector<1x16xf32> to vector<16xf32>
    %swap3A_192 = vector.shape_cast %parallel_loop3A_162#4 : vector<16xf32> to vector<1x16xf32>
    tpu.vector_store %arg12[%swap3A_188, %swap3A_189], %swap3A_192 {strides = array<i32>} : memref<128x128xf32, #tpu.memory_space<vmem>>, vector<1x16xf32>,
    %swap3A_193 = arith.constant 127 : i32
    %swap3A_194 = arith.index_cast %swap3A_193 : i32 to index
    %swap3A_195 = arith.constant 80 : index
    %swap3A_196 = tpu.vector_load %arg12[%swap3A_194, %swap3A_195] {strides = array<i32>} : memref<128x128xf32, #tpu.memory_space<vmem>>, vector<1x16xf32>,
    %swap3A_197 = vector.shape_cast %swap3A_196 : vector<1x16xf32> to vector<16xf32>
    %swap3A_198 = vector.shape_cast %parallel_loop3A_162#5 : vector<16xf32> to vector<1x16xf32>
    tpu.vector_store %arg12[%swap3A_194, %swap3A_195], %swap3A_198 {strides = array<i32>} : memref<128x128xf32, #tpu.memory_space<vmem>>, vector<1x16xf32>,
    %swap3A_199 = arith.constant 127 : i32
    %swap3A_200 = arith.index_cast %swap3A_199 : i32 to index
    %swap3A_201 = arith.constant 96 : index
    %swap3A_202 = tpu.vector_load %arg12[%swap3A_200, %swap3A_201] {strides = array<i32>} : memref<128x128xf32, #tpu.memory_space<vmem>>, vector<1x16xf32>,
    %swap3A_203 = vector.shape_cast %swap3A_202 : vector<1x16xf32> to vector<16xf32>
    %swap3A_204 = vector.shape_cast %parallel_loop3A_162#6 : vector<16xf32> to vector<1x16xf32>
    tpu.vector_store %arg12[%swap3A_200, %swap3A_201], %swap3A_204 {strides = array<i32>} : memref<128x128xf32, #tpu.memory_space<vmem>>, vector<1x16xf32>,
    %swap3A_205 = arith.constant 127 : i32
    %swap3A_206 = arith.index_cast %swap3A_205 : i32 to index
    %swap3A_207 = arith.constant 112 : index
    %swap3A_208 = tpu.vector_load %arg12[%swap3A_206, %swap3A_207] {strides = array<i32>} : memref<128x128xf32, #tpu.memory_space<vmem>>, vector<1x16xf32>,
    %swap3A_209 = vector.shape_cast %swap3A_208 : vector<1x16xf32> to vector<16xf32>
    %swap3A_210 = vector.shape_cast %parallel_loop3A_162#7 : vector<16xf32> to vector<1x16xf32>
    tpu.vector_store %arg12[%swap3A_206, %swap3A_207], %swap3A_210 {strides = array<i32>} : memref<128x128xf32, #tpu.memory_space<vmem>>, vector<1x16xf32>,
    "tpu.region"() ({
      %run_scoped3A = tpu.sem_alloc : memref<!tpu.dma_semaphore, #tpu.memory_space<semaphore_mem>>
      %dma_start3A_211 = arith.constant 0 : i32
      %dma_start3A_212 = tpu.memref_slice %arg4[%mul3A_2, %dma_start3A_211] : memref<4096x128xf32, #tpu.memory_space<hbm>> -> memref<128x128xf32, #tpu.memory_space<hbm>>
      %dma_start3A_213 = arith.constant 0 : i32
      %dma_start3A_214 = tpu.memref_slice %arg4[%mul3A_2, %dma_start3A_213] : memref<4096x128xf32, #tpu.memory_space<hbm>> -> memref<128x128xf32, #tpu.memory_space<hbm>>
      tpu.enqueue_dma source(%arg12 : memref<128x128xf32, #tpu.memory_space<vmem>>) target(%dma_start3A_214 : memref<128x128xf32, #tpu.memory_space<hbm>>) target_semaphore(%run_scoped3A : memref<!tpu.dma_semaphore, #tpu.memory_space<semaphore_mem>>)
      %dma_wait3A_215 = arith.constant 0 : i32
      %dma_wait3A_216 = tpu.memref_slice %arg4[%mul3A_2, %dma_wait3A_215] : memref<4096x128xf32, #tpu.memory_space<hbm>> -> memref<128x128xf32, #tpu.memory_space<hbm>>
      %dma_wait3A_217 = arith.constant 0 : i32
      %dma_wait3A_218 = tpu.memref_slice %arg4[%mul3A_2, %dma_wait3A_217] : memref<4096x128xf32, #tpu.memory_space<hbm>> -> memref<128x128xf32, #tpu.memory_space<hbm>>
      tpu.wait_dma2 semaphore(%run_scoped3A : memref<!tpu.dma_semaphore, #tpu.memory_space<semaphore_mem>>) src(%arg12 : memref<128x128xf32, #tpu.memory_space<vmem>>) dst(%dma_wait3A_218 : memref<128x128xf32, #tpu.memory_space<hbm>>)
      tpu.yield
    }) : () -> ()
    return
  }
}

module attributes {stable_mosaic.version = 14 : i64} {
  func.func @body(%arg0: memref<4096x200xi32, #tpu.memory_space<vmem>>, %arg1: memref<4096x128xf32, #tpu.memory_space<vmem>>, %arg2: memref<1x128xf32, #tpu.memory_space<vmem>>, %arg3: memref<200x128xf32, #tpu.memory_space<vmem>>, %arg4: memref<1x128xf32, #tpu.memory_space<vmem>>, %arg5: memref<1x128xf32, #tpu.memory_space<vmem>>, %arg6: memref<128x64xf32, #tpu.memory_space<vmem>>, %arg7: memref<1x64xf32, #tpu.memory_space<vmem>>, %arg8: memref<64x1xf32, #tpu.memory_space<vmem>>, %arg9: memref<1x1xf32, #tpu.memory_space<vmem>>, %arg10: memref<4096x1xf32, #tpu.memory_space<vmem>>) attributes {dimension_semantics = [], scalar_prefetch = 0 : i64, scratch_operands = 0 : i64, tpu.core_type = #tpu.core_type<tc>} {
    %get3A = arith.constant 0 : index
    %get3A_0 = arith.constant 0 : index
    %get3A_1 = vector.load %arg0[%get3A, %get3A_0] : memref<4096x200xi32, #tpu.memory_space<vmem>>, vector<4096x200xi32>
    %ne3A = arith.constant 0 : i32
    %ne3A_2 = vector.broadcast %ne3A : i32 to vector<4096x200xi32>
    %ne3A_3 = arith.cmpi ne, %get3A_1, %ne3A_2 : vector<4096x200xi32>
    %convert_element_type3A = arith.extui %ne3A_3 : vector<4096x200xi1> to vector<4096x200xi32>
    %convert_element_type3A_4 = arith.sitofp %convert_element_type3A : vector<4096x200xi32> to vector<4096x200xf32>
    %reduce_sum3A = arith.constant dense<0.000000e+00> : vector<4096xf32>
    %reduce_sum3A_5 = vector.multi_reduction <add>, %convert_element_type3A_4, %reduce_sum3A [1] : vector<4096x200xf32> to vector<4096xf32>
    %broadcast_in_dim3A = vector.shape_cast %reduce_sum3A_5 : vector<4096xf32> to vector<4096x1xf32>
    %get3A_6 = arith.constant 0 : index
    %get3A_7 = arith.constant 0 : index
    %get3A_8 = vector.load %arg1[%get3A_6, %get3A_7] : memref<4096x128xf32, #tpu.memory_space<vmem>>, vector<4096x128xf32>
    %sub3A = arith.constant 2.000000e+02 : f32
    %sub3A_9 = vector.broadcast %sub3A : f32 to vector<4096x1xf32>
    %sub3A_10 = arith.subf %sub3A_9, %broadcast_in_dim3A : vector<4096x1xf32>
    %get3A_11 = arith.constant 0 : index
    %get3A_12 = arith.constant 0 : index
    %get3A_13 = vector.load %arg2[%get3A_11, %get3A_12] : memref<1x128xf32, #tpu.memory_space<vmem>>, vector<1x128xf32>
    %mul3A = vector.broadcast %sub3A_10 : vector<4096x1xf32> to vector<4096x128xf32>
    %mul3A_14 = vector.broadcast %get3A_13 : vector<1x128xf32> to vector<4096x128xf32>
    %mul3A_15 = arith.mulf %mul3A, %mul3A_14 : vector<4096x128xf32>
    %sub3A_16 = arith.subf %get3A_8, %mul3A_15 : vector<4096x128xf32>
    %get3A_17 = arith.constant 0 : index
    %get3A_18 = arith.constant 0 : index
    %get3A_19 = vector.load %arg3[%get3A_17, %get3A_18] : memref<200x128xf32, #tpu.memory_space<vmem>>, vector<200x128xf32>
    %dot_general3A = arith.constant dense<0.000000e+00> : vector<4096x128xf32>
    %dot_general3A_20 = tpu.matmul %convert_element_type3A_4, %get3A_19, %dot_general3A {dimension_numbers = #tpu.dot_dimension_numbers<[1], [0], [0], [1], [0, 0, 1, 1], [], []>, transpose_lhs_hint = false} : vector<4096x200xf32>, vector<200x128xf32>, vector<4096x128xf32> -> vector<4096x128xf32>
    %add3A = arith.addf %sub3A_16, %dot_general3A_20 : vector<4096x128xf32>
    %max3A = arith.constant 1.000000e+00 : f32
    %max3A_21 = vector.broadcast %max3A : f32 to vector<4096x1xf32>
    %max3A_22 = arith.maximumf %broadcast_in_dim3A, %max3A_21 : vector<4096x1xf32>
    %div3A = vector.broadcast %max3A_22 : vector<4096x1xf32> to vector<4096x128xf32>
    %div3A_23 = arith.divf %add3A, %div3A : vector<4096x128xf32>
    %reduce_sum3A_24 = arith.constant dense<0.000000e+00> : vector<4096xf32>
    %reduce_sum3A_25 = vector.multi_reduction <add>, %div3A_23, %reduce_sum3A_24 [1] : vector<4096x128xf32> to vector<4096xf32>
    %broadcast_in_dim3A_26 = vector.shape_cast %reduce_sum3A_25 : vector<4096xf32> to vector<4096x1xf32>
    %div3A_27 = arith.constant 1.280000e+02 : f32
    %div3A_28 = vector.broadcast %div3A_27 : f32 to vector<4096x1xf32>
    %div3A_29 = arith.divf %broadcast_in_dim3A_26, %div3A_28 : vector<4096x1xf32>
    %sub3A_30 = vector.broadcast %div3A_29 : vector<4096x1xf32> to vector<4096x128xf32>
    %sub3A_31 = arith.subf %div3A_23, %sub3A_30 : vector<4096x128xf32>
    %integer_pow3A = arith.mulf %sub3A_31, %sub3A_31 : vector<4096x128xf32>
    %reduce_sum3A_32 = arith.constant dense<0.000000e+00> : vector<4096xf32>
    %reduce_sum3A_33 = vector.multi_reduction <add>, %integer_pow3A, %reduce_sum3A_32 [1] : vector<4096x128xf32> to vector<4096xf32>
    %broadcast_in_dim3A_34 = vector.shape_cast %reduce_sum3A_33 : vector<4096xf32> to vector<4096x1xf32>
    %div3A_35 = arith.constant 1.280000e+02 : f32
    %div3A_36 = vector.broadcast %div3A_35 : f32 to vector<4096x1xf32>
    %div3A_37 = arith.divf %broadcast_in_dim3A_34, %div3A_36 : vector<4096x1xf32>
    %sub3A_38 = vector.broadcast %div3A_29 : vector<4096x1xf32> to vector<4096x128xf32>
    %sub3A_39 = arith.subf %div3A_23, %sub3A_38 : vector<4096x128xf32>
    %add3A_40 = arith.constant 9.99999974E-6 : f32
    %add3A_41 = vector.broadcast %add3A_40 : f32 to vector<4096x1xf32>
    %add3A_42 = arith.addf %div3A_37, %add3A_41 : vector<4096x1xf32>
    %sqrt3A = math.sqrt %add3A_42 : vector<4096x1xf32>
    %div3A_43 = vector.broadcast %sqrt3A : vector<4096x1xf32> to vector<4096x128xf32>
    %div3A_44 = arith.divf %sub3A_39, %div3A_43 : vector<4096x128xf32>
    %get3A_45 = arith.constant 0 : index
    %get3A_46 = arith.constant 0 : index
    %get3A_47 = vector.load %arg4[%get3A_45, %get3A_46] : memref<1x128xf32, #tpu.memory_space<vmem>>, vector<1x128xf32>
    %mul3A_48 = vector.broadcast %get3A_47 : vector<1x128xf32> to vector<4096x128xf32>
    %mul3A_49 = arith.mulf %div3A_44, %mul3A_48 : vector<4096x128xf32>
    %get3A_50 = arith.constant 0 : index
    %get3A_51 = arith.constant 0 : index
    %get3A_52 = vector.load %arg5[%get3A_50, %get3A_51] : memref<1x128xf32, #tpu.memory_space<vmem>>, vector<1x128xf32>
    %add3A_53 = vector.broadcast %get3A_52 : vector<1x128xf32> to vector<4096x128xf32>
    %add3A_54 = arith.addf %mul3A_49, %add3A_53 : vector<4096x128xf32>
    %get3A_55 = arith.constant 0 : index
    %get3A_56 = arith.constant 0 : index
    %get3A_57 = vector.load %arg6[%get3A_55, %get3A_56] : memref<128x64xf32, #tpu.memory_space<vmem>>, vector<128x64xf32>
    %dot_general3A_58 = arith.constant dense<0.000000e+00> : vector<4096x64xf32>
    %dot_general3A_59 = tpu.matmul %add3A_54, %get3A_57, %dot_general3A_58 {dimension_numbers = #tpu.dot_dimension_numbers<[1], [0], [0], [1], [0, 0, 1, 1], [], []>, transpose_lhs_hint = false} : vector<4096x128xf32>, vector<128x64xf32>, vector<4096x64xf32> -> vector<4096x64xf32>
    %get3A_60 = arith.constant 0 : index
    %get3A_61 = arith.constant 0 : index
    %get3A_62 = vector.load %arg7[%get3A_60, %get3A_61] : memref<1x64xf32, #tpu.memory_space<vmem>>, vector<1x64xf32>
    %add3A_63 = vector.broadcast %get3A_62 : vector<1x64xf32> to vector<4096x64xf32>
    %add3A_64 = arith.addf %dot_general3A_59, %add3A_63 : vector<4096x64xf32>
    %mul3A_65 = arith.constant 5.000000e-01 : f32
    %mul3A_66 = vector.broadcast %mul3A_65 : f32 to vector<4096x64xf32>
    %mul3A_67 = arith.mulf %mul3A_66, %add3A_64 : vector<4096x64xf32>
    %mul3A_68 = arith.constant 0.707106769 : f32
    %mul3A_69 = vector.broadcast %mul3A_68 : f32 to vector<4096x64xf32>
    %mul3A_70 = arith.mulf %add3A_64, %mul3A_69 : vector<4096x64xf32>
    %erf3A = math.erf %mul3A_70 : vector<4096x64xf32>
    %add3A_71 = arith.constant 1.000000e+00 : f32
    %add3A_72 = vector.broadcast %add3A_71 : f32 to vector<4096x64xf32>
    %add3A_73 = arith.addf %add3A_72, %erf3A : vector<4096x64xf32>
    %mul3A_74 = arith.mulf %mul3A_67, %add3A_73 : vector<4096x64xf32>
    %get3A_75 = arith.constant 0 : index
    %get3A_76 = arith.constant 0 : index
    %get3A_77 = vector.load %arg8[%get3A_75, %get3A_76] : memref<64x1xf32, #tpu.memory_space<vmem>>, vector<64x1xf32>
    %dot_general3A_78 = arith.constant dense<0.000000e+00> : vector<4096x1xf32>
    %dot_general3A_79 = tpu.matmul %mul3A_74, %get3A_77, %dot_general3A_78 {dimension_numbers = #tpu.dot_dimension_numbers<[1], [0], [0], [1], [0, 0, 1, 1], [], []>, transpose_lhs_hint = false} : vector<4096x64xf32>, vector<64x1xf32>, vector<4096x1xf32> -> vector<4096x1xf32>
    %get3A_80 = arith.constant 0 : index
    %get3A_81 = arith.constant 0 : index
    %get3A_82 = vector.load %arg9[%get3A_80, %get3A_81] : memref<1x1xf32, #tpu.memory_space<vmem>>, vector<1x1xf32>
    %add3A_83 = vector.broadcast %get3A_82 : vector<1x1xf32> to vector<4096x1xf32>
    %add3A_84 = arith.addf %dot_general3A_79, %add3A_83 : vector<4096x1xf32>
    %reduce_sum3A_85 = vector.shape_cast %add3A_84 : vector<4096x1xf32> to vector<1x4096x1xf32>
    %reduce_sum3A_86 = arith.constant dense<0.000000e+00> : vector<1xf32>
    %reduce_sum3A_87 = vector.multi_reduction <add>, %reduce_sum3A_85, %reduce_sum3A_86 [1, 2] : vector<1x4096x1xf32> to vector<1xf32>
    %reduce_sum3A_88 = vector.shape_cast %reduce_sum3A_87 : vector<1xf32> to vector<1x1x1xf32>
    %reduce_sum3A_89 = vector.extract %reduce_sum3A_88[0, 0, 0] : f32 from vector<1x1x1xf32>
    %div3A_90 = arith.constant 4.096000e+03 : f32
    %div3A_91 = arith.divf %reduce_sum3A_89, %div3A_90 : f32
    %sub3A_92 = vector.broadcast %div3A_91 : f32 to vector<4096x1xf32>
    %sub3A_93 = arith.subf %add3A_84, %sub3A_92 : vector<4096x1xf32>
    %swap3A = arith.constant 0 : index
    %swap3A_94 = arith.constant 0 : index
    %swap3A_95 = vector.load %arg10[%swap3A, %swap3A_94] : memref<4096x1xf32, #tpu.memory_space<vmem>>, vector<4096x1xf32>
    tpu.vector_store %arg10[%swap3A, %swap3A_94], %sub3A_93 {strides = array<i32>} : memref<4096x1xf32, #tpu.memory_space<vmem>>, vector<4096x1xf32>,
    return
  }
}

</mosaic_0001>

<sc_bundles>
// kernel: kernel.4.cloned.1.call-start
scs
__scs_entry_jumppad:
0x0: {  	(pc) =	sbr.rel $0x88, $3  }
0x1: {  	(tag) =	ssettag $0x0;
	lr =	simm.s32 $0x1  }
0x2: {  	[smem:$0x3F98] =	sst lr;
	_ =	strace $0xD0000000  }
0x3: {  	_ = 	snop  }
0x4: {  	_ = 	snop  }
0x5: {  	_ = 	snop  }
0x6: {  	_ = 	snop  }
0x7: {  	_ = 	snop  }
__scs_overlays_trampoline_lowered:
0x8: {  	[smem:$0x3FA7] =	sst s0  }
0x9: {  	[smem:$0x3FA8] =	sst s1  }
0xa: {  	[smem:$0x3FA9] =	sst s2  }
0xb: {  	[smem:$0x3FAA] =	sst s3  }
0xc: {  	[smem:$0x3FAB] =	sst s4  }
0xd: {  	[smem:$0x3FAC] =	sst s5  }
0xe: {  	[smem:$0x3FAD] =	sst s6  }
0xf: {  	[smem:$0x3FAE] =	sst s7  }
0x10: {  	[smem:$0x3FAF] =	sst s8  }
0x11: {  	[smem:$0x3FB0] =	sst s9;
	s0 =	simm.s32 @!p0 $0x0  }
0x12: {  	s1 =	sld [smem:$0x3F96];
	s0 =	simm.s32 @p0 $0x1  }
0x13: {  	[smem:$0x3FB1] =	sst s0;
	s0 =	simm.s32 @!p1 $0x0  }
0x14: {  	s2 =	sld [smem:$0x3F95];
	s0 =	simm.s32 @p1 $0x1  }
0x15: {  	[smem:$0x3FB2] =	sst s0;
	s0 =	simm.s32 @!p2 $0x0  }
0x16: {  	s3 =	sld [smem:$0x3FDB];
	s0 =	simm.s32 @p2 $0x1  }
0x17: {  	s4 =	simm.s32 $0x1BF5;
	[smem:$0x3FB4] =	sst s0  }
0x18: {  	s0 =	sld [smem:$0x3F97];
	_ =	swait.ge [sflag:s4], $0x0  }
0x19: {  	s7 =	sld [smem:$0x3F98]  }
0x1a: {  	s8 =	sadd.s32 $0xFFFFE003, lr  }
0x1b: {  	s9 =	sadd.s32 $0xFFFFFEF7, lr;
	s5 =	simm.s32 $0xFFFFFFFF;
	p2 =	slt.u32 s8, $0xFFFFF086  }
0x1c: {  	p1 =	slt.u32 s9, $0xF7A;
	s5 =	simm.s32 @!p2 $0x0  }
0x1d: {  	s5 =	simm.s32 @p1 $0x1;
	p0 =	seq.s32 s7, s2  }
0x1e: {  	s7 =	smul.u32 @!p0 $0xF7A, s2;
	p2 =	seq.s32 @!p0 s5, $0x0  }
0x1f: {  	s9 =	smul.u32 $0xF7A, s1;
	s8 =	simm.s32 @!p0 $0x1BF5;
	p2 =	por !p2, p0  }
0x20: {  	[sflag:s8] =	ssyncset.s32 @!p0 $0xFFFFF086;
	s6 =	sadd.s32 @!p0 s3, s7;
	s7 =	simm.s32 @!p0 $0x108  }
0x21: {  	s3 =	sadd.s32 s3, s9;
	s6 =	sadd.s32 @!p0 $0x88, s6;
	s7 =	simm.s32 @p2 $0x1082  }
0x22: {  	[simem:s7], [sflag:s8] =	dma.local @!p0 [hbm:s6], $0xF7A  }
0x23: {  	s9 =	sor.u32 $0xD0000000, s2;
	s6 =	simm.s32 $0x108;
	_ =	swait.ge @!p0 [sflag:s8], $0x0  }
0x24: {  	s3 =	sadd.s32 $0x88, s3;
	s6 =	simm.s32 @!p1 $0x1082;
	[sflag:s4] =	ssyncset.s32 $0xFFFFF086  }
0x25: {  	[simem:s6], [sflag:s4] =	dma.local [hbm:s3], $0xF7A  }
0x26: {  	[smem:$0x3F98] =	sst s1;
	(tag) =	ssettag s2;
	_ =	strace s9  }
0x27: {  	s1 =	sld [smem:$0x3FA8]  }
0x28: {  	s2 =	sld [smem:$0x3FA9]  }
0x29: {  	s4 =	sld [smem:$0x3FAB]  }
0x2a: {  	p0 =	seq.s32 s5, $0x0;
	s5 =	sld [smem:$0x3FAC]  }
0x2b: {  	s6 =	sld [smem:$0x3FAD]  }
0x2c: {  	s7 =	sld [smem:$0x3FAE]  }
0x2d: {  	s3 =	simm.s32 $0x108;
	s8 =	sld [smem:$0x3FAF]  }
0x2e: {  	s3 =	simm.s32 @!p0 $0x1082;
	s9 =	sld [smem:$0x3FB0]  }
0x2f: {  	lr =	sadd.s32 s0, s3;
	s0 =	sld [smem:$0x3FA7]  }
0x30: {  	s3 =	sld [smem:$0x3FAA]  }
0x31: {  	[smem:$0x3FB3] =	sst s10  }
0x32: {  	s10 =	sld [smem:$0x3FB1];
	_ =	sdelay $0x3  }
0x33: {  	p0 =	seq.s32 s10, $0x1;
	s10 =	sld [smem:$0x3FB3];
	_ =	sdelay $0x3  }
0x34: {  	[smem:$0x3FB3] =	sst s10  }
0x35: {  	s10 =	sld [smem:$0x3FB2];
	_ =	sdelay $0x3  }
0x36: {  	p1 =	seq.s32 s10, $0x1;
	s10 =	sld [smem:$0x3FB3];
	_ =	sdelay $0x3  }
0x37: {  	[smem:$0x3FB3] =	sst s10  }
0x38: {  	s10 =	sld [smem:$0x3FB4]  }
0x39: {  	_ = 	snop;
	(pc) =	sbr.ind lr, $3  }
0x3a: {  	_ = 	snop  }
0x3b: {  	_ = 	snop  }
0x3c: {  	p2 =	seq.s32 s10, $0x1;
	s10 =	sld [smem:$0x3FB3]  }
0x3d: {  	_ =	shalt  }
0x3e: {  	_ =	shalt  }
0x3f: {  	_ =	shalt  }
0x40: {  	_ =	shalt  }
0x41: {  	_ =	shalt  }
0x42: {  	_ =	shalt  }
0x43: {  	_ =	shalt  }
0x44: {  	_ =	shalt  }
0x45: {  	_ =	shalt  }
0x46: {  	_ =	shalt  }
0x47: {  	_ =	shalt  }
0x48: {  	_ =	shalt  }
0x49: {  	_ =	shalt  }
0x4a: {  	_ =	shalt  }
0x4b: {  	_ =	shalt  }
0x4c: {  	_ =	shalt  }
0x4d: {  	_ =	shalt  }
0x4e: {  	_ =	shalt  }
0x4f: {  	_ =	shalt  }
0x50: {  	_ =	shalt  }
0x51: {  	_ =	shalt  }
0x52: {  	_ =	shalt  }
0x53: {  	_ =	shalt  }
0x54: {  	_ =	shalt  }
0x55: {  	_ =	shalt  }
0x56: {  	_ =	shalt  }
0x57: {  	_ =	shalt  }
0x58: {  	_ =	shalt  }
0x59: {  	_ =	shalt  }
0x5a: {  	_ =	shalt  }
0x5b: {  	_ =	shalt  }
0x5c: {  	_ =	shalt  }
0x5d: {  	_ =	shalt  }
0x5e: {  	_ =	shalt  }
0x5f: {  	_ =	shalt  }
0x60: {  	_ =	shalt  }
0x61: {  	_ =	shalt  }
0x62: {  	_ =	shalt  }
0x63: {  	_ =	shalt  }
0x64: {  	_ =	shalt  }
0x65: {  	_ =	shalt  }
0x66: {  	_ =	shalt  }
0x67: {  	_ =	shalt  }
0x68: {  	_ =	shalt  }
0x69: {  	_ =	shalt  }
0x6a: {  	_ =	shalt  }
0x6b: {  	_ =	shalt  }
0x6c: {  	_ =	shalt  }
0x6d: {  	_ =	shalt  }
0x6e: {  	_ =	shalt  }
0x6f: {  	_ =	shalt  }
0x70: {  	_ =	shalt  }
0x71: {  	_ =	shalt  }
0x72: {  	_ =	shalt  }
0x73: {  	_ =	shalt  }
0x74: {  	_ =	shalt  }
0x75: {  	_ =	shalt  }
0x76: {  	_ =	shalt  }
0x77: {  	_ =	shalt  }
0x78: {  	_ =	shalt  }
0x79: {  	_ =	shalt  }
0x7a: {  	_ =	shalt  }
0x7b: {  	_ =	shalt  }
0x7c: {  	_ =	shalt  }
0x7d: {  	_ =	shalt  }
0x7e: {  	_ =	shalt  }
0x7f: {  	_ =	shalt  }
0x80: {  	_ =	shalt  }
0x81: {  	_ =	shalt  }
0x82: {  	_ =	shalt  }
0x83: {  	_ =	shalt  }
0x84: {  	_ =	shalt  }
0x85: {  	_ =	shalt  }
0x86: {  	_ =	shalt  }
0x87: {  	_ =	shalt  }
.Lfunc_end0:
.L_simem_size_0:
called_computation_lowered:
.L_overlay_start_0:
0x88: {  	s2 =	sld [smem:$0x3FD9]  }
0x89: {  	s3 =	sld [smem:$0x3FFE];
	_ =	sdelay $0x1  }
0x8a: {  	s1 =	srdreg.scid  }
0x8b: {  	s0 =	sand.u32 $0x1, s1  }
0x8c: {  	s17 =	sshll.u32 s0, $0xA;
	s2 =	sadd.s32 s3, s2  }
0x8d: {  	s2 =	sadd.s32 s2, s17  }
0x8e: {  	[smem:$0x3FBF] =	sst s2  }
0x8f: {  	_ = 	snop  }
0x90: {  	s2 =	sld [smem:$0x3FC8];
	(tm) =	ssettm $0x1  }
0x91: {  	s18 =	sld [smem:$0x3FFB];
	_ =	sdelay $0x3  }
0x92: {  	_ =	strace s18  }
0x93: {  	s3 =	sld [smem:$0x3FFC];
	_ =	sdelay $0x3  }
0x94: {  	_ =	strace s3  }
0x95: {  	s3 =	sld [smem:$0x3FFD];
	_ =	sdelay $0x3  }
0x96: {  	_ =	strace s3  }
0x97: {  	_ =	strace $0x8FFFFFFF  }
0x98: {  	s19 =	sld [smem:$0x3FDB];
	_ =	sdelay $0x1  }
0x99: {  	s4 =	simm.s32 $_scs_section_size  }
0x9a: {  	s5 =	simm.s32 $_size__tile_overlayer_lowered;
	s6 =	simm.s32 $_tile_overlayer_lowered  }
0x9b: {  	s22 =	simm.s32 $0x1BFF;
	s21 =	sshll.u32 s6, $0x1;
	s3 =	sadd.s32 s4, s19  }
0x9c: {  	s7 =	simm.s32 $0x0;
	s20 =	sshll.u32 s5, $0x1;
	s5 =	sadd.s32 s21, s3  }
0x9d: {  	[timem:s7], [sflag:s22] =	dma.local [hbm:s5], s20  }
0x9e: {  	_ =	swait.ge [sflag:s22], s20  }
0x9f: {  	s4 =	ssub.s32 $0x0, s20;
	[sflag:s22] =	ssyncset.done $0x0  }
0xa0: {  	[sflag:s22] =	ssyncadd.s32 s4;
	_ =	sdelay $0x1  }
0xa1: {  	s23 =	simm.s32 $0x1B8B  }
0xa2: {  	_ =	swait.ge [sflag:s23], $0x1  }
0xa3: {  	[sflag:s23] =	ssyncset.done $0x0  }
0xa4: {  	s25 =	simm.s32 $0x1B8E;
	s24 =	sld [smem:$0x3FFE];
	[sflag:s23] =	ssyncadd.s32 $0xFFFFFFFF  }
0xa5: {  	s26 =	simm.s32 $execute0_lowered;
	[smem:$0x3FD2] =	sst s25  }
0xa6: {  	s5 =	sshll.u32 s26, $0x1;
	_ =	strace $0x80000046;
	[dreg:$0x1] =	wrdreg $0xFFFFFFFF  }
0xa7: {  	s28 =	simm.s32 $_size_execute0_lowered;
	s3 =	sadd.s32 s3, s5;
	[dreg:$0x0] =	wrdreg $0x0  }
0xa8: {  	s5 =	sshll.u32 s28, $0x1;
	[dreg:$0x2] =	wrdreg s3  }
0xa9: {  	[dreg:$0x3] =	wrdreg s5  }
0xaa: {  	[dreg:$0x4] =	wrdreg $0xC0  }
0xab: {  	_ =	task [dreg:s7], $0x5FFFF  }
0xac: {  	[dreg:$0x1] =	wrdreg $0xFFFFFFFF  }
0xad: {  	[dreg:$0x0] =	wrdreg $0x60  }
0xae: {  	[dreg:$0x2] =	wrdreg s24  }
0xaf: {  	[dreg:$0x3] =	wrdreg s2  }
0xb0: {  	[dreg:$0x4] =	wrdreg $0x9  }
0xb1: {  	_ =	task.clear_ibuf [dreg:s7], $0x5FFFF;
	_ =	strace $0x90000046  }
0xb2: {  	s29 =	simm.s32 $0x9;
	_ =	strace $0x80000048  }
0xb3: {  	_ =	swait.ge [sflag:s29], $0x1  }
0xb4: {  	[sflag:s29] =	ssyncadd.s32 $0xFFFFFFFF  }
0xb5: {  	_ =	strace $0x90000048  }
0xb6: {  	_ =	sfence  }
0xb7: {  	s30 =	sld [smem:$0x0];
	_ =	sdelay $0x2  }
0xb8: {  	s31 =	sshll.u32 s1, $0xD;
	s1 =	sshrl.u32 s1, $0x2  }
0xb9: {  	s3 =	sand.u32 $0x4000, s31;
	s1 =	sadd.s32 s1, s30  }
0xba: {  	s0 =	sor.u32 s3, s0;
	s1 =	sshll.u32 s1, $0x11  }
0xbb: {  	s0 =	sor.u32 s1, s0  }
0xbc: {  	s0 =	sadd.s32 $0x8F2B, s0  }
0xbd: {  	[sflag:s0] =	ssyncadd.remote.s32 $0x1  }
0xbe: {  	_ =	sfence.sel $0xFFFF  }
0xbf: {  	[dreg:$0x0] =	wrdreg $0xFFFFFFFF;
	(pc) =	sbr.abs _section_cstart, $3  }
0xc0: {  	[dreg:$0x1] =	wrdreg $0xFFFFFFFF  }
0xc1: {  	_ =	task.clear_ibuf [dreg:s7], $0x2FFFF;
	_ =	strace $0x9FFFFFFF  }
0xc2: {  	(tm) =	ssettm $0x7FFFFFFF  }
0xc3: {  	_ =	shalt  }
tec
execute0_lowered:
.L_overlay_start_1:
0x0: {  	(tag) =	ssettag $0x1  }
0x1: {  	s0 =	rddreg [dreg:$0x0]  }
0x2: {  	s2 =	rddreg [dreg:$0x1];
	s1 =	srdreg.scid  }
0x3: {  	s3 =	simm.s32 $0x0;
	s4 =	stileid.u32;
	s7 =	simm.s32 $0x7  }
0x4: {  	s8 =	simm.s32 $0x64;
	s9 =	simm.s32 $0x8000;
	s10 =	simm.s32 $0x80  }
0x5: {  	s11 =	simm.s32 $0xB400;
	s12 =	simm.s32 $0x100;
	s13 =	simm.s32 $0xE800  }
0x6: {  	s14 =	simm.s32 $0x180;
	s15 =	simm.s32 $0x11C00;
	s16 =	simm.s32 $0x200  }
0x7: {  	s17 =	simm.s32 $0x15000;
	s18 =	simm.s32 $0x280;
	s19 =	simm.s32 $0x18400  }
0x8: {  	s20 =	simm.s32 $0x1;
	s21 =	simm.s32 $0x2;
	s22 =	simm.s32 $0x3  }
0x9: {  	s23 =	simm.s32 $0x4;
	s24 =	simm.s32 $0x5;
	s25 =	simm.s32 $0x6  }
0xa: {  	s26 =	simm.s32 $0x1B800;
	s28 =	simm.s32 $0x0;
	s1 =	sand.u32 $0x1, s1  }
0xb: {  	[smem:$0x7FF] =	sst s3;
	s4 =	sshll.u32 s4, $0x8;
	s5 =	sshll.u32 s1, $0x7  }
0xc: {  	_ =	strace $0x80000047;
	s1 =	ssub.s32 $0x2, s1;
	s4 =	sor.u32 s5, s4  }
0xd: {  	s6 =	sshrl.u32 s1, $0x1;
	s5 =	sshll.u32 s4, $0x5;
	s4 =	sshll.u32 s4, $0x4  }
0xe: {  	s1 =	ssub.s32 s1, s6;
	s5 =	sadd.s32 s5, s0;
	s0 =	sadd.s32 s4, s0  }
0xf: {  	s6 =	smax.u32 s1, $0x1;
	s4 =	sadd.s32 $0x1000, s5;
	s5 =	sadd.s32 $0x21000, s0  }
.LBB2_1:
0x10: {  	[tilespmem:s3], [sflag:$0x7] =	stream.linear.gather [hbm4b:s4+s3], $0x8000, $0x38;
	[tilespmem:$0x1F800] =	vst v63  }
0x11: {  	_ =	swait.ge [sflag:s7], $0x8000  }
0x12: {  	[sflag:s7] =	ssyncset.done $0x0  }
0x13: {  	[sflag:s7] =	ssyncadd.s32 $0xFFFF8000  }
0x14: {  	[tilespmem:s9], [sflag:$0x1] =	stream.indirect.gather [hbm4b:s2+s8], $0x80, s3, s8, $0xb8;
	[tilespmem:$0x1F800] =	vst v63  }
0x15: {  	_ = 	snop  }
0x16: {  	[tilespmem:s11], [sflag:$0x2] =	stream.indirect.gather [hbm4b:s2+s8], $0x80, s10, s8, $0xb8;
	[tilespmem:$0x1F800] =	vst v63  }
0x17: {  	_ = 	snop  }
0x18: {  	[tilespmem:s13], [sflag:$0x3] =	stream.indirect.gather [hbm4b:s2+s8], $0x80, s12, s8, $0xb8;
	[tilespmem:$0x1F800] =	vst v63  }
0x19: {  	_ = 	snop  }
0x1a: {  	[tilespmem:s15], [sflag:$0x4] =	stream.indirect.gather [hbm4b:s2+s8], $0x80, s14, s8, $0xb8;
	[tilespmem:$0x1F800] =	vst v63  }
0x1b: {  	_ = 	snop  }
0x1c: {  	[tilespmem:s17], [sflag:$0x5] =	stream.indirect.gather [hbm4b:s2+s8], $0x80, s16, s8, $0xb8;
	[tilespmem:$0x1F800] =	vst v63  }
0x1d: {  	s29 =	simm.s32 $0x0  }
0x1e: {  	[tilespmem:s19], [sflag:$0x6] =	stream.indirect.gather [hbm4b:s2+s8], $0x80, s18, s8, $0xb8;
	[tilespmem:$0x1F800] =	vst v63  }
.LBB2_2:
0x1f: {  	_ =	swait.ge [sflag:s20], $0x3200  }
0x20: {  	[sflag:s20] =	ssyncset.done $0x0  }
0x21: {  	s0 =	simm.s32 $0x0;
	[sflag:s20] =	ssyncadd.s32 $0xFFFFCE00  }
0x22: {  	v4 =	vld [tilespmem:s0+$0x8080]  }
0x23: {  	v6 =	vld [tilespmem:s0+$0x8090]  }
0x24: {  	v5 =	vld [tilespmem:s0+$0x80A0]  }
0x25: {  	v7 =	vld [tilespmem:s0+$0x80B0]  }
0x26: {  	v0 =	vld [tilespmem:s0+$0x80C0]  }
0x27: {  	v1 =	vld [tilespmem:s0+$0x80D0]  }
0x28: {  	v23 =	vld [tilespmem:s0+$0x8000]  }
0x29: {  	v25 =	vld [tilespmem:s0+$0x8010]  }
0x2a: {  	v22 =	vld [tilespmem:s0+$0x8020]  }
0x2b: {  	v24 =	vld [tilespmem:s0+$0x8030]  }
0x2c: {  	v3 =	vimm.f32 $0.0e+00;
	v16 =	vimm.f32 $0.0e+00;
	v19 =	vld [tilespmem:s0+$0x8040]  }
0x2d: {  	v17 =	vimm.f32 $0.0e+00;
	v18 =	vimm.f32 $0.0e+00;
	v12 =	vimm.f32 $0.0e+00;
	v20 =	vld [tilespmem:s0+$0x8050]  }
0x2e: {  	s30 =	simm.s32 $0x400;
	v15 =	vimm.f32 $0.0e+00;
	v13 =	vimm.f32 $0.0e+00;
	v14 =	vimm.f32 $0.0e+00;
	v21 =	vld [tilespmem:s0+$0x8060]  }
.LBB2_3:
0x2f: {  	p0 =	sne.s32 s30, $0xC400;
	v2 =	vadd.f32 v23, v3;
	v8 =	vadd.f32 v25, v16;
	v9 =	vld [tilespmem:s0+$0x8070]  }
0x30: {  	v10 =	vadd.f32 v22, v17;
	v11 =	vadd.f32 v24, v18;
	v22 =	vld [tilespmem:s0+$0x80E0]  }
0x31: {  	v3 =	vadd.f32 v4, v2;
	v16 =	vadd.f32 v6, v8;
	v2 =	vld [tilespmem:s0+$0x80F0];
	s0 =	sshra.s32 s30, $0x2  }
0x32: {  	v17 =	vadd.f32 v5, v10;
	v4 =	vld [tilespmem:s0+$0x8080];
	v18 =	vadd.f32 v7, v11  }
0x33: {  	v8 =	vadd.f32 v19, v12;
	v10 =	vadd.f32 v20, v15;
	v6 =	vld [tilespmem:s0+$0x8090]  }
0x34: {  	v11 =	vadd.f32 v21, v13;
	v5 =	vld [tilespmem:s0+$0x80A0];
	v9 =	vadd.f32 v9, v14  }
0x35: {  	v12 =	vadd.f32 v0, v8;
	v15 =	vadd.f32 v1, v10;
	v7 =	vld [tilespmem:s0+$0x80B0]  }
0x36: {  	v13 =	vadd.f32 v22, v11;
	v0 =	vld [tilespmem:s0+$0x80C0];
	v14 =	vadd.f32 v2, v9  }
0x37: {  	v1 =	vld [tilespmem:s0+$0x80D0]  }
0x38: {  	v23 =	vld [tilespmem:s0+$0x8000]  }
0x39: {  	v25 =	vld [tilespmem:s0+$0x8010]  }
.Ltmp0:
0x3a: {  	v22 =	vld [tilespmem:s0+$0x8020];
	(pc) =	sbr.rel @p0 .LBB2_3-.Ltmp0, $4  }
0x3b: {  	v24 =	vld [tilespmem:s0+$0x8030]  }
0x3c: {  	v19 =	vld [tilespmem:s0+$0x8040]  }
0x3d: {  	v20 =	vld [tilespmem:s0+$0x8050]  }
0x3e: {  	s30 =	sadd.s32 $0x400, s30;
	v21 =	vld [tilespmem:s0+$0x8060]  }
0x3f: {  	s1 =	smul.u32 $0xC00, s29;
	_ =	sdelay $0x1  }
0x40: {  	v26 =	vld [tilespmem:s0+$0x8070];
	s31 =	sshra.s32 s1, $0x2  }
0x41: {  	v27 =	vld [tilespmem:s0+$0x80E0];
	s30 =	sadd.s32 $0x300, s31  }
0x42: {  	v28 =	vld [tilespmem:s0+$0x80F0];
	[tilespmem:s9], [sflag:$0x1] =	stream.indirect.gather [hbm4b:s2+s8], $0x80, s30, s8, $0xb8  }
0x43: {  	_ =	swait.ge [sflag:s21], $0x3200  }
0x44: {  	[sflag:s21] =	ssyncset.done $0x0  }
0x45: {  	s0 =	simm.s32 $0x0;
	[sflag:s21] =	ssyncadd.s32 $0xFFFFCE00  }
0x46: {  	v9 =	vld [tilespmem:s0+$0xB480]  }
0x47: {  	v11 =	vld [tilespmem:s0+$0xB490]  }
0x48: {  	v8 =	vld [tilespmem:s0+$0xB4A0]  }
0x49: {  	v10 =	vld [tilespmem:s0+$0xB4B0]  }
0x4a: {  	v2 =	vld [tilespmem:s0+$0xB4C0]  }
0x4b: {  	v23 =	vadd.f32 v23, v3;
	v16 =	vadd.f32 v25, v16;
	v3 =	vld [tilespmem:s0+$0xB4D0]  }
0x4c: {  	v22 =	vadd.f32 v22, v17;
	v24 =	vadd.f32 v24, v18;
	v18 =	vld [tilespmem:s0+$0xB400]  }
0x4d: {  	v17 =	vadd.f32 v4, v23;
	v6 =	vadd.f32 v6, v16;
	v23 =	vld [tilespmem:s0+$0xB410]  }
0x4e: {  	v16 =	vadd.f32 v5, v22;
	v5 =	vadd.f32 v19, v12;
	v22 =	vld [tilespmem:s0+$0xB420]  }
0x4f: {  	v4 =	vadd.f32 v7, v24;
	v19 =	vadd.f32 v20, v15;
	v15 =	vld [tilespmem:s0+$0xB430]  }
0x50: {  	v20 =	vadd.f32 v21, v13;
	v14 =	vadd.f32 v26, v14;
	v12 =	vld [tilespmem:s0+$0xB440]  }
0x51: {  	v7 =	vadd.f32 v0, v5;
	v1 =	vadd.f32 v1, v19;
	v13 =	vld [tilespmem:s0+$0xB450]  }
0x52: {  	s1 =	simm.s32 $0x400;
	v5 =	vadd.f32 v27, v20;
	v0 =	vadd.f32 v28, v14;
	v14 =	vld [tilespmem:s0+$0xB460]  }
.LBB2_5:
0x53: {  	p0 =	sne.s32 s1, $0xC400;
	v17 =	vadd.f32 v18, v17;
	v6 =	vadd.f32 v23, v6;
	v18 =	vld [tilespmem:s0+$0xB470]  }
0x54: {  	v16 =	vadd.f32 v22, v16;
	v4 =	vadd.f32 v15, v4;
	v15 =	vld [tilespmem:s0+$0xB4E0]  }
0x55: {  	v17 =	vadd.f32 v9, v17;
	v6 =	vadd.f32 v11, v6;
	v19 =	vld [tilespmem:s0+$0xB4F0];
	s0 =	sshra.s32 s1, $0x2  }
0x56: {  	v16 =	vadd.f32 v8, v16;
	v9 =	vld [tilespmem:s0+$0xB480];
	v4 =	vadd.f32 v10, v4  }
0x57: {  	v7 =	vadd.f32 v12, v7;
	v1 =	vadd.f32 v13, v1;
	v11 =	vld [tilespmem:s0+$0xB490]  }
0x58: {  	v5 =	vadd.f32 v14, v5;
	v8 =	vld [tilespmem:s0+$0xB4A0];
	v0 =	vadd.f32 v18, v0  }
0x59: {  	v7 =	vadd.f32 v2, v7;
	v1 =	vadd.f32 v3, v1;
	v10 =	vld [tilespmem:s0+$0xB4B0]  }
0x5a: {  	v5 =	vadd.f32 v15, v5;
	v2 =	vld [tilespmem:s0+$0xB4C0];
	v0 =	vadd.f32 v19, v0  }
0x5b: {  	v3 =	vld [tilespmem:s0+$0xB4D0]  }
0x5c: {  	v18 =	vld [tilespmem:s0+$0xB400]  }
0x5d: {  	v23 =	vld [tilespmem:s0+$0xB410]  }
.Ltmp1:
0x5e: {  	v22 =	vld [tilespmem:s0+$0xB420];
	(pc) =	sbr.rel @p0 .LBB2_5-.Ltmp1, $4  }
0x5f: {  	v15 =	vld [tilespmem:s0+$0xB430]  }
0x60: {  	v12 =	vld [tilespmem:s0+$0xB440]  }
0x61: {  	v13 =	vld [tilespmem:s0+$0xB450]  }
0x62: {  	s1 =	sadd.s32 $0x400, s1;
	v14 =	vld [tilespmem:s0+$0xB460]  }
0x63: {  	v19 =	vld [tilespmem:s0+$0xB470]  }
0x64: {  	v17 =	vadd.f32 v18, v17;
	v18 =	vld [tilespmem:s0+$0xB4E0]  }
0x65: {  	v6 =	vadd.f32 v23, v6;
	v20 =	vld [tilespmem:s0+$0xB4F0];
	s0 =	sadd.s32 $0x380, s31;
	s1 =	smul.u32 $0x600, s29  }
0x66: {  	v16 =	vadd.f32 v22, v16;
	[tilespmem:s11], [sflag:$0x2] =	stream.indirect.gather [hbm4b:s2+s8], $0x80, s0, s8, $0xb8;
	v9 =	vadd.f32 v9, v17;
	[tilespmem:$0x1F800] =	vst v63  }
0x67: {  	v4 =	vadd.f32 v15, v4;
	v6 =	vadd.f32 v11, v6;
	s30 =	sshra.s32 s1, $0x2  }
0x68: {  	v8 =	vadd.f32 v8, v16;
	v7 =	vadd.f32 v12, v7;
	[tilespmem:s30+$0x1B800] =	vst v9  }
0x69: {  	v4 =	vadd.f32 v10, v4;
	v1 =	vadd.f32 v13, v1;
	[tilespmem:s30+$0x1B810] =	vst v6  }
0x6a: {  	v5 =	vadd.f32 v14, v5;
	v2 =	vadd.f32 v2, v7;
	[tilespmem:s30+$0x1B820] =	vst v8  }
0x6b: {  	v0 =	vadd.f32 v19, v0;
	v1 =	vadd.f32 v3, v1;
	[tilespmem:s30+$0x1B830] =	vst v4  }
0x6c: {  	v3 =	vadd.f32 v18, v5;
	[tilespmem:s30+$0x1B840] =	vst v2  }
0x6d: {  	v0 =	vadd.f32 v20, v0;
	[tilespmem:s30+$0x1B850] =	vst v1  }
0x6e: {  	[tilespmem:s30+$0x1B860] =	vst v3  }
0x6f: {  	[tilespmem:s30+$0x1B870] =	vst v0  }
0x70: {  	_ =	swait.ge [sflag:s22], $0x3200  }
0x71: {  	[sflag:s22] =	ssyncset.done $0x0  }
0x72: {  	s0 =	simm.s32 $0x0;
	[sflag:s22] =	ssyncadd.s32 $0xFFFFCE00  }
0x73: {  	v4 =	vld [tilespmem:s0+$0xE880]  }
0x74: {  	v6 =	vld [tilespmem:s0+$0xE890]  }
0x75: {  	v5 =	vld [tilespmem:s0+$0xE8A0]  }
0x76: {  	v7 =	vld [tilespmem:s0+$0xE8B0]  }
0x77: {  	v0 =	vld [tilespmem:s0+$0xE8C0]  }
0x78: {  	v1 =	vld [tilespmem:s0+$0xE8D0]  }
0x79: {  	v23 =	vld [tilespmem:s0+$0xE800]  }
0x7a: {  	v25 =	vld [tilespmem:s0+$0xE810]  }
0x7b: {  	v22 =	vld [tilespmem:s0+$0xE820]  }
0x7c: {  	v24 =	vld [tilespmem:s0+$0xE830]  }
0x7d: {  	v15 =	vimm.f32 $0.0e+00;
	v16 =	vimm.f32 $0.0e+00;
	v19 =	vld [tilespmem:s0+$0xE840]  }
0x7e: {  	v17 =	vimm.f32 $0.0e+00;
	v12 =	vimm.f32 $0.0e+00;
	v13 =	vimm.f32 $0.0e+00;
	v20 =	vld [tilespmem:s0+$0xE850]  }
0x7f: {  	s1 =	simm.s32 $0x400;
	v14 =	vimm.f32 $0.0e+00;
	v18 =	vimm.f32 $0.0e+00;
	v3 =	vimm.f32 $0.0e+00;
	v21 =	vld [tilespmem:s0+$0xE860]  }
.LBB2_7:
0x80: {  	p0 =	sne.s32 s1, $0xC400;
	v2 =	vadd.f32 v23, v3;
	v8 =	vadd.f32 v25, v16;
	v9 =	vld [tilespmem:s0+$0xE870]  }
0x81: {  	v10 =	vadd.f32 v22, v17;
	v11 =	vadd.f32 v24, v18;
	v22 =	vld [tilespmem:s0+$0xE8E0]  }
0x82: {  	v3 =	vadd.f32 v4, v2;
	v16 =	vadd.f32 v6, v8;
	v2 =	vld [tilespmem:s0+$0xE8F0];
	s0 =	sshra.s32 s1, $0x2  }
0x83: {  	v17 =	vadd.f32 v5, v10;
	v4 =	vld [tilespmem:s0+$0xE880];
	v18 =	vadd.f32 v7, v11  }
0x84: {  	v8 =	vadd.f32 v19, v12;
	v10 =	vadd.f32 v20, v15;
	v6 =	vld [tilespmem:s0+$0xE890]  }
0x85: {  	v11 =	vadd.f32 v21, v13;
	v5 =	vld [tilespmem:s0+$0xE8A0];
	v9 =	vadd.f32 v9, v14  }
0x86: {  	v12 =	vadd.f32 v0, v8;
	v15 =	vadd.f32 v1, v10;
	v7 =	vld [tilespmem:s0+$0xE8B0]  }
0x87: {  	v13 =	vadd.f32 v22, v11;
	v0 =	vld [tilespmem:s0+$0xE8C0];
	v14 =	vadd.f32 v2, v9  }
0x88: {  	v1 =	vld [tilespmem:s0+$0xE8D0]  }
0x89: {  	v23 =	vld [tilespmem:s0+$0xE800]  }
0x8a: {  	v25 =	vld [tilespmem:s0+$0xE810]  }
.Ltmp2:
0x8b: {  	v22 =	vld [tilespmem:s0+$0xE820];
	(pc) =	sbr.rel @p0 .LBB2_7-.Ltmp2, $4  }
0x8c: {  	v24 =	vld [tilespmem:s0+$0xE830]  }
0x8d: {  	v19 =	vld [tilespmem:s0+$0xE840]  }
0x8e: {  	v20 =	vld [tilespmem:s0+$0xE850]  }
0x8f: {  	s1 =	sadd.s32 $0x400, s1;
	v21 =	vld [tilespmem:s0+$0xE860]  }
0x90: {  	v26 =	vld [tilespmem:s0+$0xE870]  }
0x91: {  	v27 =	vld [tilespmem:s0+$0xE8E0];
	s1 =	sadd.s32 $0x400, s31  }
0x92: {  	v28 =	vld [tilespmem:s0+$0xE8F0];
	[tilespmem:s13], [sflag:$0x3] =	stream.indirect.gather [hbm4b:s2+s8], $0x80, s1, s8, $0xb8  }
0x93: {  	_ =	swait.ge [sflag:s23], $0x3200  }
0x94: {  	[sflag:s23] =	ssyncset.done $0x0  }
0x95: {  	s0 =	simm.s32 $0x0;
	[sflag:s23] =	ssyncadd.s32 $0xFFFFCE00  }
0x96: {  	v10 =	vld [tilespmem:s0+$0x11C80]  }
0x97: {  	v11 =	vld [tilespmem:s0+$0x11C90]  }
0x98: {  	v8 =	vld [tilespmem:s0+$0x11CA0]  }
0x99: {  	v9 =	vld [tilespmem:s0+$0x11CB0]  }
0x9a: {  	v2 =	vld [tilespmem:s0+$0x11CC0]  }
0x9b: {  	v23 =	vadd.f32 v23, v3;
	v25 =	vadd.f32 v25, v16;
	v3 =	vld [tilespmem:s0+$0x11CD0]  }
0x9c: {  	v17 =	vadd.f32 v22, v17;
	v24 =	vadd.f32 v24, v18;
	v18 =	vld [tilespmem:s0+$0x11C00]  }
0x9d: {  	v16 =	vadd.f32 v4, v23;
	v6 =	vadd.f32 v6, v25;
	v22 =	vld [tilespmem:s0+$0x11C10]  }
0x9e: {  	v17 =	vadd.f32 v5, v17;
	v5 =	vadd.f32 v19, v12;
	v23 =	vld [tilespmem:s0+$0x11C20]  }
0x9f: {  	v4 =	vadd.f32 v7, v24;
	v19 =	vadd.f32 v20, v15;
	v15 =	vld [tilespmem:s0+$0x11C30]  }
0xa0: {  	v20 =	vadd.f32 v21, v13;
	v14 =	vadd.f32 v26, v14;
	v12 =	vld [tilespmem:s0+$0x11C40]  }
0xa1: {  	v7 =	vadd.f32 v0, v5;
	v1 =	vadd.f32 v1, v19;
	v13 =	vld [tilespmem:s0+$0x11C50]  }
0xa2: {  	s1 =	simm.s32 $0x400;
	v5 =	vadd.f32 v27, v20;
	v0 =	vadd.f32 v28, v14;
	v14 =	vld [tilespmem:s0+$0x11C60]  }
.LBB2_9:
0xa3: {  	p0 =	sne.s32 s1, $0xC400;
	v16 =	vadd.f32 v18, v16;
	v6 =	vadd.f32 v22, v6;
	v18 =	vld [tilespmem:s0+$0x11C70]  }
0xa4: {  	v17 =	vadd.f32 v23, v17;
	v4 =	vadd.f32 v15, v4;
	v15 =	vld [tilespmem:s0+$0x11CE0]  }
0xa5: {  	v16 =	vadd.f32 v10, v16;
	v6 =	vadd.f32 v11, v6;
	v19 =	vld [tilespmem:s0+$0x11CF0];
	s0 =	sshra.s32 s1, $0x2  }
0xa6: {  	v17 =	vadd.f32 v8, v17;
	v10 =	vld [tilespmem:s0+$0x11C80];
	v4 =	vadd.f32 v9, v4  }
0xa7: {  	v7 =	vadd.f32 v12, v7;
	v1 =	vadd.f32 v13, v1;
	v11 =	vld [tilespmem:s0+$0x11C90]  }
0xa8: {  	v5 =	vadd.f32 v14, v5;
	v8 =	vld [tilespmem:s0+$0x11CA0];
	v0 =	vadd.f32 v18, v0  }
0xa9: {  	v7 =	vadd.f32 v2, v7;
	v1 =	vadd.f32 v3, v1;
	v9 =	vld [tilespmem:s0+$0x11CB0]  }
0xaa: {  	v5 =	vadd.f32 v15, v5;
	v2 =	vld [tilespmem:s0+$0x11CC0];
	v0 =	vadd.f32 v19, v0  }
0xab: {  	v3 =	vld [tilespmem:s0+$0x11CD0]  }
0xac: {  	v18 =	vld [tilespmem:s0+$0x11C00]  }
0xad: {  	v22 =	vld [tilespmem:s0+$0x11C10]  }
.Ltmp3:
0xae: {  	v23 =	vld [tilespmem:s0+$0x11C20];
	(pc) =	sbr.rel @p0 .LBB2_9-.Ltmp3, $4  }
0xaf: {  	v15 =	vld [tilespmem:s0+$0x11C30]  }
0xb0: {  	v12 =	vld [tilespmem:s0+$0x11C40]  }
0xb1: {  	v13 =	vld [tilespmem:s0+$0x11C50]  }
0xb2: {  	s1 =	sadd.s32 $0x400, s1;
	v14 =	vld [tilespmem:s0+$0x11C60]  }
0xb3: {  	v16 =	vadd.f32 v18, v16  }
0xb4: {  	v18 =	vld [tilespmem:s0+$0x11C70];
	v6 =	vadd.f32 v22, v6  }
0xb5: {  	v19 =	vld [tilespmem:s0+$0x11CE0];
	v17 =	vadd.f32 v23, v17;
	s31 =	sadd.s32 $0x480, s31;
	v10 =	vadd.f32 v10, v16  }
0xb6: {  	v4 =	vadd.f32 v15, v4;
	v16 =	vld [tilespmem:s0+$0x11CF0];
	v6 =	vadd.f32 v11, v6;
	[tilespmem:s15], [sflag:$0x4] =	stream.indirect.gather [hbm4b:s2+s8], $0x80, s31, s8, $0xb8  }
0xb7: {  	v8 =	vadd.f32 v8, v17;
	v7 =	vadd.f32 v12, v7;
	[tilespmem:s30+$0x1B880] =	vst v10  }
0xb8: {  	v4 =	vadd.f32 v9, v4;
	v1 =	vadd.f32 v13, v1;
	[tilespmem:s30+$0x1B890] =	vst v6  }
0xb9: {  	v5 =	vadd.f32 v14, v5;
	v2 =	vadd.f32 v2, v7;
	[tilespmem:s30+$0x1B8A0] =	vst v8  }
0xba: {  	v0 =	vadd.f32 v18, v0;
	v1 =	vadd.f32 v3, v1;
	[tilespmem:s30+$0x1B8B0] =	vst v4  }
0xbb: {  	v3 =	vadd.f32 v19, v5;
	[tilespmem:s30+$0x1B8C0] =	vst v2  }
0xbc: {  	v0 =	vadd.f32 v16, v0;
	[tilespmem:s30+$0x1B8D0] =	vst v1  }
0xbd: {  	[tilespmem:s30+$0x1B8E0] =	vst v3  }
0xbe: {  	[tilespmem:s30+$0x1B8F0] =	vst v0  }
0xbf: {  	_ =	swait.ge [sflag:s24], $0x3200  }
0xc0: {  	[sflag:s24] =	ssyncset.done $0x0  }
0xc1: {  	s0 =	simm.s32 $0x0;
	[sflag:s24] =	ssyncadd.s32 $0xFFFFCE00  }
0xc2: {  	v2 =	vld [tilespmem:s0+$0x15080]  }
0xc3: {  	v5 =	vld [tilespmem:s0+$0x15090]  }
0xc4: {  	v4 =	vld [tilespmem:s0+$0x150A0]  }
0xc5: {  	v7 =	vld [tilespmem:s0+$0x150B0]  }
0xc6: {  	v0 =	vld [tilespmem:s0+$0x150C0]  }
0xc7: {  	v1 =	vld [tilespmem:s0+$0x150D0]  }
0xc8: {  	v23 =	vld [tilespmem:s0+$0x15000]  }
0xc9: {  	v25 =	vld [tilespmem:s0+$0x15010]  }
0xca: {  	v22 =	vld [tilespmem:s0+$0x15020]  }
0xcb: {  	v24 =	vld [tilespmem:s0+$0x15030]  }
0xcc: {  	v15 =	vimm.f32 $0.0e+00;
	v17 =	vimm.f32 $0.0e+00;
	v19 =	vld [tilespmem:s0+$0x15040]  }
0xcd: {  	v11 =	vimm.f32 $0.0e+00;
	v13 =	vimm.f32 $0.0e+00;
	v6 =	vimm.f32 $0.0e+00;
	v20 =	vld [tilespmem:s0+$0x15050]  }
0xce: {  	s1 =	simm.s32 $0x400;
	v14 =	vimm.f32 $0.0e+00;
	v18 =	vimm.f32 $0.0e+00;
	v16 =	vimm.f32 $0.0e+00;
	v21 =	vld [tilespmem:s0+$0x15060]  }
.LBB2_11:
0xcf: {  	p0 =	sne.s32 s1, $0xC400;
	v3 =	vadd.f32 v23, v6;
	v8 =	vadd.f32 v25, v16;
	v9 =	vld [tilespmem:s0+$0x15070]  }
0xd0: {  	v10 =	vadd.f32 v22, v17;
	v12 =	vadd.f32 v24, v18;
	v22 =	vld [tilespmem:s0+$0x150E0]  }
0xd1: {  	v6 =	vadd.f32 v2, v3;
	v16 =	vadd.f32 v5, v8;
	v3 =	vld [tilespmem:s0+$0x150F0];
	s0 =	sshra.s32 s1, $0x2  }
0xd2: {  	v17 =	vadd.f32 v4, v10;
	v2 =	vld [tilespmem:s0+$0x15080];
	v18 =	vadd.f32 v7, v12  }
0xd3: {  	v8 =	vadd.f32 v19, v11;
	v10 =	vadd.f32 v20, v15;
	v5 =	vld [tilespmem:s0+$0x15090]  }
0xd4: {  	v12 =	vadd.f32 v21, v13;
	v4 =	vld [tilespmem:s0+$0x150A0];
	v9 =	vadd.f32 v9, v14  }
0xd5: {  	v11 =	vadd.f32 v0, v8;
	v15 =	vadd.f32 v1, v10;
	v7 =	vld [tilespmem:s0+$0x150B0]  }
0xd6: {  	v13 =	vadd.f32 v22, v12;
	v0 =	vld [tilespmem:s0+$0x150C0];
	v14 =	vadd.f32 v3, v9  }
0xd7: {  	v1 =	vld [tilespmem:s0+$0x150D0]  }
0xd8: {  	v23 =	vld [tilespmem:s0+$0x15000]  }
0xd9: {  	v25 =	vld [tilespmem:s0+$0x15010]  }
.Ltmp4:
0xda: {  	v22 =	vld [tilespmem:s0+$0x15020];
	(pc) =	sbr.rel @p0 .LBB2_11-.Ltmp4, $4  }
0xdb: {  	v24 =	vld [tilespmem:s0+$0x15030]  }
0xdc: {  	v19 =	vld [tilespmem:s0+$0x15040]  }
0xdd: {  	v20 =	vld [tilespmem:s0+$0x15050]  }
0xde: {  	s1 =	sadd.s32 $0x400, s1;
	v21 =	vld [tilespmem:s0+$0x15060]  }
0xdf: {  	s1 =	smul.u32 $0x3, s29;
	_ =	sdelay $0x1  }
0xe0: {  	v26 =	vld [tilespmem:s0+$0x15070];
	p0 =	seq.s32 s29, $0x29;
	s1 =	sadd.s32 $0x5, s1  }
0xe1: {  	v27 =	vld [tilespmem:s0+$0x150E0];
	s1 =	sshll.u32 @!p0 s1, $0x8  }
0xe2: {  	v28 =	vld [tilespmem:s0+$0x150F0];
	s0 =	simm.s32 @!p0 $0x64;
	s31 =	sand.u32 @!p0 $0x3FFFFF00, s1;
	s1 =	simm.s32 @!p0 $0x15000  }
0xe3: {  	[tilespmem:s1], [sflag:$0x5] =	stream.indirect.gather @!p0 [hbm4b:s2+s0], $0x80, s31, s0, $0xb8;
	[tilespmem:$0x1F800] =	vst v63  }
0xe4: {  	_ =	swait.ge [sflag:s25], $0x3200  }
0xe5: {  	[sflag:s25] =	ssyncset.done $0x0  }
0xe6: {  	s0 =	simm.s32 $0x0;
	[sflag:s25] =	ssyncadd.s32 $0xFFFFCE00  }
0xe7: {  	v12 =	vld [tilespmem:s0+$0x18480]  }
0xe8: {  	v10 =	vld [tilespmem:s0+$0x18490]  }
0xe9: {  	v8 =	vld [tilespmem:s0+$0x184A0]  }
0xea: {  	v9 =	vld [tilespmem:s0+$0x184B0]  }
0xeb: {  	v3 =	vld [tilespmem:s0+$0x184C0]  }
0xec: {  	v23 =	vadd.f32 v23, v6;
	v16 =	vadd.f32 v25, v16;
	v6 =	vld [tilespmem:s0+$0x184D0]  }
0xed: {  	v25 =	vadd.f32 v22, v17;
	v24 =	vadd.f32 v24, v18;
	v22 =	vld [tilespmem:s0+$0x18400]  }
0xee: {  	v17 =	vadd.f32 v2, v23;
	v16 =	vadd.f32 v5, v16;
	v23 =	vld [tilespmem:s0+$0x18410]  }
0xef: {  	v18 =	vadd.f32 v4, v25;
	v2 =	vadd.f32 v7, v24;
	v24 =	vld [tilespmem:s0+$0x18420]  }
0xf0: {  	v4 =	vadd.f32 v19, v11;
	v11 =	vadd.f32 v20, v15;
	v15 =	vld [tilespmem:s0+$0x18430]  }
0xf1: {  	v13 =	vadd.f32 v21, v13;
	v14 =	vadd.f32 v26, v14;
	v7 =	vld [tilespmem:s0+$0x18440]  }
0xf2: {  	v5 =	vadd.f32 v0, v4;
	v1 =	vadd.f32 v1, v11;
	v11 =	vld [tilespmem:s0+$0x18450]  }
0xf3: {  	s1 =	simm.s32 $0x400;
	v4 =	vadd.f32 v27, v13;
	v0 =	vadd.f32 v28, v14;
	v13 =	vld [tilespmem:s0+$0x18460]  }
.LBB2_13:
0xf4: {  	p1 =	sne.s32 s1, $0xC400;
	v14 =	vadd.f32 v22, v17;
	v16 =	vadd.f32 v23, v16;
	v19 =	vld [tilespmem:s0+$0x18470]  }
0xf5: {  	v18 =	vadd.f32 v24, v18;
	v2 =	vadd.f32 v15, v2;
	v15 =	vld [tilespmem:s0+$0x184E0]  }
0xf6: {  	v17 =	vadd.f32 v12, v14;
	v16 =	vadd.f32 v10, v16;
	v14 =	vld [tilespmem:s0+$0x184F0];
	s0 =	sshra.s32 s1, $0x2  }
0xf7: {  	v18 =	vadd.f32 v8, v18;
	v12 =	vld [tilespmem:s0+$0x18480];
	v2 =	vadd.f32 v9, v2  }
0xf8: {  	v5 =	vadd.f32 v7, v5;
	v1 =	vadd.f32 v11, v1;
	v10 =	vld [tilespmem:s0+$0x18490]  }
0xf9: {  	v4 =	vadd.f32 v13, v4;
	v8 =	vld [tilespmem:s0+$0x184A0];
	v0 =	vadd.f32 v19, v0  }
0xfa: {  	v5 =	vadd.f32 v3, v5;
	v1 =	vadd.f32 v6, v1;
	v9 =	vld [tilespmem:s0+$0x184B0]  }
0xfb: {  	v4 =	vadd.f32 v15, v4;
	v3 =	vld [tilespmem:s0+$0x184C0];
	v0 =	vadd.f32 v14, v0  }
0xfc: {  	v6 =	vld [tilespmem:s0+$0x184D0]  }
0xfd: {  	v22 =	vld [tilespmem:s0+$0x18400]  }
0xfe: {  	v23 =	vld [tilespmem:s0+$0x18410]  }
.Ltmp5:
0xff: {  	v24 =	vld [tilespmem:s0+$0x18420];
	(pc) =	sbr.rel @p1 .LBB2_13-.Ltmp5, $4  }
0x100: {  	v15 =	vld [tilespmem:s0+$0x18430]  }
0x101: {  	v7 =	vld [tilespmem:s0+$0x18440]  }
0x102: {  	v11 =	vld [tilespmem:s0+$0x18450]  }
0x103: {  	s1 =	sadd.s32 $0x400, s1;
	v13 =	vld [tilespmem:s0+$0x18460]  }
0x104: {  	v14 =	vadd.f32 v22, v17;
	v61 =	vld [tilespmem:s0+$0x18470]  }
0x105: {  	v16 =	vadd.f32 v23, v16;
	v19 =	vld [tilespmem:s0+$0x184E0]  }
0x106: {  	v18 =	vadd.f32 v24, v18;
	v62 =	vld [tilespmem:s0+$0x184F0];
	s0 =	sor.u32 @!p0 $0x80, s31;
	s1 =	simm.s32 @!p0 $0x64;
	s31 =	simm.s32 @!p0 $0x18400;
	v12 =	vadd.f32 v12, v14  }
0x107: {  	v2 =	vadd.f32 v15, v2;
	[tilespmem:s31], [sflag:$0x6] =	stream.indirect.gather @!p0 [hbm4b:s2+s1], $0x80, s0, s1, $0xb8;
	v10 =	vadd.f32 v10, v16;
	[tilespmem:$0x1F800] =	vst v63  }
0x108: {  	v8 =	vadd.f32 v8, v18;
	v5 =	vadd.f32 v7, v5;
	[tilespmem:s30+$0x1B900] =	vst v12  }
0x109: {  	s29 =	sadd.s32 $0x1, s29;
	v2 =	vadd.f32 v9, v2;
	v1 =	vadd.f32 v11, v1;
	[tilespmem:s30+$0x1B910] =	vst v10  }
0x10a: {  	p0 =	sne.s32 s29, $0x2A;
	v4 =	vadd.f32 v13, v4;
	v3 =	vadd.f32 v3, v5;
	[tilespmem:s30+$0x1B920] =	vst v8  }
.Ltmp6:
0x10b: {  	v0 =	vadd.f32 v61, v0;
	v1 =	vadd.f32 v6, v1;
	[tilespmem:s30+$0x1B930] =	vst v2;
	(pc) =	sbr.rel @p0 .LBB2_2-.Ltmp6, $4  }
0x10c: {  	v63 =	vadd.f32 v19, v4;
	[tilespmem:s30+$0x1B940] =	vst v3  }
0x10d: {  	v0 =	vadd.f32 v62, v0;
	[tilespmem:s30+$0x1B950] =	vst v1  }
0x10e: {  	[tilespmem:s30+$0x1B960] =	vst v63  }
0x10f: {  	[tilespmem:s30+$0x1B970] =	vst v0  }
0x110: {  	_ =	swait.ge [sflag:s20], $0x3200  }
0x111: {  	[sflag:s20] =	ssyncset.done $0x0  }
0x112: {  	s0 =	simm.s32 $0x0;
	[sflag:s20] =	ssyncadd.s32 $0xFFFFCE00  }
0x113: {  	v4 =	vld [tilespmem:s0+$0x8080]  }
0x114: {  	v6 =	vld [tilespmem:s0+$0x8090]  }
0x115: {  	v5 =	vld [tilespmem:s0+$0x80A0]  }
0x116: {  	v7 =	vld [tilespmem:s0+$0x80B0]  }
0x117: {  	v0 =	vld [tilespmem:s0+$0x80C0]  }
0x118: {  	v1 =	vld [tilespmem:s0+$0x80D0]  }
0x119: {  	v23 =	vld [tilespmem:s0+$0x8000]  }
0x11a: {  	v25 =	vld [tilespmem:s0+$0x8010]  }
0x11b: {  	v22 =	vld [tilespmem:s0+$0x8020]  }
0x11c: {  	v24 =	vld [tilespmem:s0+$0x8030]  }
0x11d: {  	v3 =	vimm.f32 $0.0e+00;
	v16 =	vimm.f32 $0.0e+00;
	v19 =	vld [tilespmem:s0+$0x8040]  }
0x11e: {  	v17 =	vimm.f32 $0.0e+00;
	v18 =	vimm.f32 $0.0e+00;
	v12 =	vimm.f32 $0.0e+00;
	v20 =	vld [tilespmem:s0+$0x8050]  }
0x11f: {  	s1 =	simm.s32 $0x400;
	v15 =	vimm.f32 $0.0e+00;
	v13 =	vimm.f32 $0.0e+00;
	v14 =	vimm.f32 $0.0e+00;
	v21 =	vld [tilespmem:s0+$0x8060]  }
.LBB2_16:
0x120: {  	p0 =	sne.s32 s1, $0xC400;
	v2 =	vadd.f32 v23, v3;
	v8 =	vadd.f32 v25, v16;
	v9 =	vld [tilespmem:s0+$0x8070]  }
0x121: {  	v10 =	vadd.f32 v22, v17;
	v11 =	vadd.f32 v24, v18;
	v22 =	vld [tilespmem:s0+$0x80E0]  }
0x122: {  	v3 =	vadd.f32 v4, v2;
	v16 =	vadd.f32 v6, v8;
	v2 =	vld [tilespmem:s0+$0x80F0];
	s0 =	sshra.s32 s1, $0x2  }
0x123: {  	v17 =	vadd.f32 v5, v10;
	v4 =	vld [tilespmem:s0+$0x8080];
	v18 =	vadd.f32 v7, v11  }
0x124: {  	v8 =	vadd.f32 v19, v12;
	v10 =	vadd.f32 v20, v15;
	v6 =	vld [tilespmem:s0+$0x8090]  }
0x125: {  	v11 =	vadd.f32 v21, v13;
	v5 =	vld [tilespmem:s0+$0x80A0];
	v9 =	vadd.f32 v9, v14  }
0x126: {  	v12 =	vadd.f32 v0, v8;
	v15 =	vadd.f32 v1, v10;
	v7 =	vld [tilespmem:s0+$0x80B0]  }
0x127: {  	v13 =	vadd.f32 v22, v11;
	v0 =	vld [tilespmem:s0+$0x80C0];
	v14 =	vadd.f32 v2, v9  }
0x128: {  	v1 =	vld [tilespmem:s0+$0x80D0]  }
0x129: {  	v23 =	vld [tilespmem:s0+$0x8000]  }
0x12a: {  	v25 =	vld [tilespmem:s0+$0x8010]  }
.Ltmp7:
0x12b: {  	v22 =	vld [tilespmem:s0+$0x8020];
	(pc) =	sbr.rel @p0 .LBB2_16-.Ltmp7, $4  }
0x12c: {  	v24 =	vld [tilespmem:s0+$0x8030]  }
0x12d: {  	v19 =	vld [tilespmem:s0+$0x8040]  }
0x12e: {  	v20 =	vld [tilespmem:s0+$0x8050]  }
0x12f: {  	s1 =	sadd.s32 $0x400, s1;
	v21 =	vld [tilespmem:s0+$0x8060]  }
0x130: {  	v26 =	vld [tilespmem:s0+$0x8070]  }
0x131: {  	v27 =	vld [tilespmem:s0+$0x80E0]  }
0x132: {  	v28 =	vld [tilespmem:s0+$0x80F0];
	_ =	swait.ge [sflag:s21], $0x3200  }
0x133: {  	[sflag:s21] =	ssyncset.done $0x0  }
0x134: {  	s29 =	simm.s32 $0x0;
	[sflag:s21] =	ssyncadd.s32 $0xFFFFCE00  }
0x135: {  	v8 =	vld [tilespmem:s29+$0xB480]  }
0x136: {  	v11 =	vld [tilespmem:s29+$0xB490]  }
0x137: {  	v9 =	vld [tilespmem:s29+$0xB4A0]  }
0x138: {  	v10 =	vld [tilespmem:s29+$0xB4B0]  }
0x139: {  	v2 =	vld [tilespmem:s29+$0xB4C0]  }
0x13a: {  	v23 =	vadd.f32 v23, v3;
	v16 =	vadd.f32 v25, v16;
	v3 =	vld [tilespmem:s29+$0xB4D0]  }
0x13b: {  	v22 =	vadd.f32 v22, v17;
	v24 =	vadd.f32 v24, v18;
	v17 =	vld [tilespmem:s29+$0xB400]  }
0x13c: {  	v4 =	vadd.f32 v4, v23;
	v6 =	vadd.f32 v6, v16;
	v18 =	vld [tilespmem:s29+$0xB410]  }
0x13d: {  	v16 =	vadd.f32 v5, v22;
	v5 =	vadd.f32 v7, v24;
	v22 =	vld [tilespmem:s29+$0xB420]  }
0x13e: {  	v7 =	vadd.f32 v19, v12;
	v15 =	vadd.f32 v20, v15;
	v19 =	vld [tilespmem:s29+$0xB430]  }
0x13f: {  	v20 =	vadd.f32 v21, v13;
	v13 =	vld [tilespmem:s29+$0xB440];
	v21 =	vadd.f32 v26, v14  }
0x140: {  	v12 =	vadd.f32 v0, v7;
	v1 =	vadd.f32 v1, v15;
	v14 =	vld [tilespmem:s29+$0xB450]  }
0x141: {  	s0 =	simm.s32 $0x400;
	v15 =	vld [tilespmem:s29+$0xB460];
	v7 =	vadd.f32 v27, v20;
	v0 =	vadd.f32 v28, v21  }
.LBB2_18:
0x142: {  	p0 =	sne.s32 s0, $0xC400;
	v4 =	vadd.f32 v17, v4;
	v6 =	vadd.f32 v18, v6;
	v17 =	vld [tilespmem:s29+$0xB470]  }
0x143: {  	v16 =	vadd.f32 v22, v16;
	v5 =	vadd.f32 v19, v5;
	v18 =	vld [tilespmem:s29+$0xB4E0]  }
0x144: {  	v4 =	vadd.f32 v8, v4;
	v6 =	vadd.f32 v11, v6;
	v19 =	vld [tilespmem:s29+$0xB4F0];
	s29 =	sshra.s32 s0, $0x2  }
0x145: {  	v16 =	vadd.f32 v9, v16;
	v8 =	vld [tilespmem:s29+$0xB480];
	v5 =	vadd.f32 v10, v5  }
0x146: {  	v12 =	vadd.f32 v13, v12;
	v1 =	vadd.f32 v14, v1;
	v11 =	vld [tilespmem:s29+$0xB490]  }
0x147: {  	v7 =	vadd.f32 v15, v7;
	v9 =	vld [tilespmem:s29+$0xB4A0];
	v0 =	vadd.f32 v17, v0  }
0x148: {  	v12 =	vadd.f32 v2, v12;
	v1 =	vadd.f32 v3, v1;
	v10 =	vld [tilespmem:s29+$0xB4B0]  }
0x149: {  	v7 =	vadd.f32 v18, v7;
	v2 =	vld [tilespmem:s29+$0xB4C0];
	v0 =	vadd.f32 v19, v0  }
0x14a: {  	v3 =	vld [tilespmem:s29+$0xB4D0]  }
0x14b: {  	v17 =	vld [tilespmem:s29+$0xB400]  }
0x14c: {  	v18 =	vld [tilespmem:s29+$0xB410]  }
.Ltmp8:
0x14d: {  	v22 =	vld [tilespmem:s29+$0xB420];
	(pc) =	sbr.rel @p0 .LBB2_18-.Ltmp8, $4  }
0x14e: {  	v19 =	vld [tilespmem:s29+$0xB430]  }
0x14f: {  	v13 =	vld [tilespmem:s29+$0xB440]  }
0x150: {  	v14 =	vld [tilespmem:s29+$0xB450]  }
0x151: {  	s0 =	sadd.s32 $0x400, s0;
	v15 =	vld [tilespmem:s29+$0xB460]  }
0x152: {  	v4 =	vadd.f32 v17, v4  }
0x153: {  	v6 =	vadd.f32 v18, v6  }
0x154: {  	v17 =	vld [tilespmem:s29+$0xB470];
	v16 =	vadd.f32 v22, v16;
	v4 =	vadd.f32 v8, v4  }
0x155: {  	v18 =	vld [tilespmem:s29+$0xB4E0];
	v5 =	vadd.f32 v19, v5;
	v6 =	vadd.f32 v11, v6  }
0x156: {  	v8 =	vld [tilespmem:s29+$0xB4F0];
	v9 =	vadd.f32 v9, v16;
	v63 =	vadd.f32 v13, v12;
	[tilespmem:$0x1F700] =	vst v4  }
0x157: {  	v1 =	vadd.f32 v14, v1;
	v4 =	vadd.f32 v10, v5;
	[tilespmem:$0x1F710] =	vst v6  }
0x158: {  	v5 =	vadd.f32 v15, v7;
	v2 =	vadd.f32 v2, v63;
	[tilespmem:$0x1F720] =	vst v9  }
0x159: {  	v0 =	vadd.f32 v17, v0;
	v1 =	vadd.f32 v3, v1;
	[tilespmem:$0x1F730] =	vst v4  }
0x15a: {  	v3 =	vadd.f32 v18, v5;
	[tilespmem:$0x1F740] =	vst v2  }
0x15b: {  	v0 =	vadd.f32 v8, v0;
	[tilespmem:$0x1F750] =	vst v1  }
0x15c: {  	[tilespmem:$0x1F760] =	vst v3  }
0x15d: {  	[tilespmem:$0x1F770] =	vst v0  }
0x15e: {  	_ =	swait.ge [sflag:s22], $0x3200  }
0x15f: {  	[sflag:s22] =	ssyncset.done $0x0  }
0x160: {  	s0 =	simm.s32 $0x0;
	[sflag:s22] =	ssyncadd.s32 $0xFFFFCE00  }
0x161: {  	v4 =	vld [tilespmem:s0+$0xE880]  }
0x162: {  	v6 =	vld [tilespmem:s0+$0xE890]  }
0x163: {  	v5 =	vld [tilespmem:s0+$0xE8A0]  }
0x164: {  	v7 =	vld [tilespmem:s0+$0xE8B0]  }
0x165: {  	v0 =	vld [tilespmem:s0+$0xE8C0]  }
0x166: {  	v1 =	vld [tilespmem:s0+$0xE8D0]  }
0x167: {  	v23 =	vld [tilespmem:s0+$0xE800]  }
0x168: {  	v25 =	vld [tilespmem:s0+$0xE810]  }
0x169: {  	v22 =	vld [tilespmem:s0+$0xE820]  }
0x16a: {  	v24 =	vld [tilespmem:s0+$0xE830]  }
0x16b: {  	v16 =	vimm.f32 $0.0e+00;
	v12 =	vimm.f32 $0.0e+00;
	v19 =	vld [tilespmem:s0+$0xE840]  }
0x16c: {  	v13 =	vimm.f32 $0.0e+00;
	v14 =	vimm.f32 $0.0e+00;
	v15 =	vimm.f32 $0.0e+00;
	v20 =	vld [tilespmem:s0+$0xE850]  }
0x16d: {  	s1 =	simm.s32 $0x400;
	v17 =	vimm.f32 $0.0e+00;
	v18 =	vimm.f32 $0.0e+00;
	v3 =	vimm.f32 $0.0e+00;
	v21 =	vld [tilespmem:s0+$0xE860]  }
.LBB2_20:
0x16e: {  	p0 =	sne.s32 s1, $0xC400;
	v2 =	vadd.f32 v23, v3;
	v8 =	vadd.f32 v25, v16;
	v9 =	vld [tilespmem:s0+$0xE870]  }
0x16f: {  	v10 =	vadd.f32 v22, v17;
	v11 =	vadd.f32 v24, v18;
	v22 =	vld [tilespmem:s0+$0xE8E0]  }
0x170: {  	v3 =	vadd.f32 v4, v2;
	v16 =	vadd.f32 v6, v8;
	v2 =	vld [tilespmem:s0+$0xE8F0];
	s0 =	sshra.s32 s1, $0x2  }
0x171: {  	v17 =	vadd.f32 v5, v10;
	v4 =	vld [tilespmem:s0+$0xE880];
	v18 =	vadd.f32 v7, v11  }
0x172: {  	v8 =	vadd.f32 v19, v12;
	v10 =	vadd.f32 v20, v15;
	v6 =	vld [tilespmem:s0+$0xE890]  }
0x173: {  	v11 =	vadd.f32 v21, v13;
	v5 =	vld [tilespmem:s0+$0xE8A0];
	v9 =	vadd.f32 v9, v14  }
0x174: {  	v12 =	vadd.f32 v0, v8;
	v15 =	vadd.f32 v1, v10;
	v7 =	vld [tilespmem:s0+$0xE8B0]  }
0x175: {  	v13 =	vadd.f32 v22, v11;
	v0 =	vld [tilespmem:s0+$0xE8C0];
	v14 =	vadd.f32 v2, v9  }
0x176: {  	v1 =	vld [tilespmem:s0+$0xE8D0]  }
0x177: {  	v23 =	vld [tilespmem:s0+$0xE800]  }
0x178: {  	v25 =	vld [tilespmem:s0+$0xE810]  }
.Ltmp9:
0x179: {  	v22 =	vld [tilespmem:s0+$0xE820];
	(pc) =	sbr.rel @p0 .LBB2_20-.Ltmp9, $4  }
0x17a: {  	v24 =	vld [tilespmem:s0+$0xE830]  }
0x17b: {  	v19 =	vld [tilespmem:s0+$0xE840]  }
0x17c: {  	v20 =	vld [tilespmem:s0+$0xE850]  }
0x17d: {  	s1 =	sadd.s32 $0x400, s1;
	v21 =	vld [tilespmem:s0+$0xE860]  }
0x17e: {  	v26 =	vld [tilespmem:s0+$0xE870]  }
0x17f: {  	v27 =	vld [tilespmem:s0+$0xE8E0]  }
0x180: {  	v28 =	vld [tilespmem:s0+$0xE8F0];
	_ =	swait.ge [sflag:s23], $0x3200  }
0x181: {  	[sflag:s23] =	ssyncset.done $0x0  }
0x182: {  	s29 =	simm.s32 $0x0;
	[sflag:s23] =	ssyncadd.s32 $0xFFFFCE00  }
0x183: {  	v8 =	vld [tilespmem:s29+$0x11C80]  }
0x184: {  	v11 =	vld [tilespmem:s29+$0x11C90]  }
0x185: {  	v9 =	vld [tilespmem:s29+$0x11CA0]  }
0x186: {  	v10 =	vld [tilespmem:s29+$0x11CB0]  }
0x187: {  	v2 =	vld [tilespmem:s29+$0x11CC0]  }
0x188: {  	v23 =	vadd.f32 v23, v3;
	v16 =	vadd.f32 v25, v16;
	v3 =	vld [tilespmem:s29+$0x11CD0]  }
0x189: {  	v22 =	vadd.f32 v22, v17;
	v24 =	vadd.f32 v24, v18;
	v17 =	vld [tilespmem:s29+$0x11C00]  }
0x18a: {  	v4 =	vadd.f32 v4, v23;
	v6 =	vadd.f32 v6, v16;
	v18 =	vld [tilespmem:s29+$0x11C10]  }
0x18b: {  	v16 =	vadd.f32 v5, v22;
	v5 =	vadd.f32 v7, v24;
	v22 =	vld [tilespmem:s29+$0x11C20]  }
0x18c: {  	v7 =	vadd.f32 v19, v12;
	v15 =	vadd.f32 v20, v15;
	v19 =	vld [tilespmem:s29+$0x11C30]  }
0x18d: {  	v20 =	vadd.f32 v21, v13;
	v13 =	vld [tilespmem:s29+$0x11C40];
	v21 =	vadd.f32 v26, v14  }
0x18e: {  	v12 =	vadd.f32 v0, v7;
	v1 =	vadd.f32 v1, v15;
	v14 =	vld [tilespmem:s29+$0x11C50]  }
0x18f: {  	s0 =	simm.s32 $0x400;
	v15 =	vld [tilespmem:s29+$0x11C60];
	v7 =	vadd.f32 v27, v20;
	v0 =	vadd.f32 v28, v21  }
.LBB2_22:
0x190: {  	p0 =	sne.s32 s0, $0xC400;
	v4 =	vadd.f32 v17, v4;
	v6 =	vadd.f32 v18, v6;
	v17 =	vld [tilespmem:s29+$0x11C70]  }
0x191: {  	v16 =	vadd.f32 v22, v16;
	v5 =	vadd.f32 v19, v5;
	v18 =	vld [tilespmem:s29+$0x11CE0]  }
0x192: {  	v4 =	vadd.f32 v8, v4;
	v6 =	vadd.f32 v11, v6;
	v19 =	vld [tilespmem:s29+$0x11CF0];
	s29 =	sshra.s32 s0, $0x2  }
0x193: {  	v16 =	vadd.f32 v9, v16;
	v8 =	vld [tilespmem:s29+$0x11C80];
	v5 =	vadd.f32 v10, v5  }
0x194: {  	v12 =	vadd.f32 v13, v12;
	v1 =	vadd.f32 v14, v1;
	v11 =	vld [tilespmem:s29+$0x11C90]  }
0x195: {  	v7 =	vadd.f32 v15, v7;
	v9 =	vld [tilespmem:s29+$0x11CA0];
	v0 =	vadd.f32 v17, v0  }
0x196: {  	v12 =	vadd.f32 v2, v12;
	v1 =	vadd.f32 v3, v1;
	v10 =	vld [tilespmem:s29+$0x11CB0]  }
0x197: {  	v7 =	vadd.f32 v18, v7;
	v2 =	vld [tilespmem:s29+$0x11CC0];
	v0 =	vadd.f32 v19, v0  }
0x198: {  	v3 =	vld [tilespmem:s29+$0x11CD0]  }
0x199: {  	v17 =	vld [tilespmem:s29+$0x11C00]  }
0x19a: {  	v18 =	vld [tilespmem:s29+$0x11C10]  }
.Ltmp10:
0x19b: {  	v22 =	vld [tilespmem:s29+$0x11C20];
	(pc) =	sbr.rel @p0 .LBB2_22-.Ltmp10, $4  }
0x19c: {  	v19 =	vld [tilespmem:s29+$0x11C30]  }
0x19d: {  	v13 =	vld [tilespmem:s29+$0x11C40]  }
0x19e: {  	v14 =	vld [tilespmem:s29+$0x11C50]  }
0x19f: {  	s0 =	sadd.s32 $0x400, s0;
	v15 =	vld [tilespmem:s29+$0x11C60]  }
0x1a0: {  	v4 =	vadd.f32 v17, v4  }
0x1a1: {  	v6 =	vadd.f32 v18, v6  }
0x1a2: {  	v57 =	vld [tilespmem:s29+$0x11C70];
	v16 =	vadd.f32 v22, v16;
	v4 =	vadd.f32 v8, v4  }
0x1a3: {  	v58 =	vld [tilespmem:s29+$0x11CE0];
	v5 =	vadd.f32 v19, v5;
	v6 =	vadd.f32 v11, v6  }
0x1a4: {  	v59 =	vld [tilespmem:s29+$0x11CF0];
	v9 =	vadd.f32 v9, v16;
	v60 =	vadd.f32 v13, v12;
	[tilespmem:$0x1F780] =	vst v4  }
0x1a5: {  	v61 =	vadd.f32 v10, v5;
	v1 =	vadd.f32 v14, v1;
	[tilespmem:$0x1F790] =	vst v6  }
0x1a6: {  	v62 =	vadd.f32 v15, v7;
	v2 =	vadd.f32 v2, v60;
	[tilespmem:$0x1F7A0] =	vst v9  }
0x1a7: {  	v0 =	vadd.f32 v57, v0;
	v1 =	vadd.f32 v3, v1;
	[tilespmem:$0x1F7B0] =	vst v61  }
0x1a8: {  	v63 =	vadd.f32 v58, v62;
	[tilespmem:$0x1F7C0] =	vst v2  }
0x1a9: {  	s28 =	sadd.s32 $0x1, s28;
	v0 =	vadd.f32 v59, v0;
	[tilespmem:$0x1F7D0] =	vst v1  }
0x1aa: {  	p0 =	sne.s32 s28, s6;
	[tilespmem:$0x1F7E0] =	vst v63  }
.Ltmp11:
0x1ab: {  	[tilespmem:$0x1F7F0] =	vst v0;
	(pc) =	sbr.rel @p0 .LBB2_1-.Ltmp11, $4  }
0x1ac: {  	[hbm4b:s5+s3] =	stream.linear.scatter [tilespmem:s26], [sflag:$0x7], $0x4000, $0x38;
	[tilespmem:$0x1F800] =	vst v63  }
0x1ad: {  	_ =	swait.ge [sflag:s7], $0x4000  }
0x1ae: {  	[sflag:s7] =	ssyncset.done $0x0  }
0x1af: {  	[sflag:s7] =	ssyncadd.s32 $0xFFFFC000  }
0x1b0: {  	_ =	sfence.sel $0x180000  }
0x1b1: {  	[bflag:$0x0] =	sbarrier.arrive $0xFFFF  }
0x1b2: {  	_ =	strace $0x90000047  }
0x1b3: {  	s0 =	stileid.u32;
	[bflag:$0x2] =	sbarrier.arrive $0xFFFF  }
0x1b4: {  	p0 =	sne.s32 s0, $0x0;
	s0 =	rddreg [dreg:$0x2]  }
0x1b5: {  	s0 =	sadd.s32 @!p0 $0x100000, s0  }
0x1b6: {  	[sflag:s0] =	ssyncadd.tile.s32 @!p0 $0x1;
	_ =	shalt  }
.Lfunc_end2:
_tile_overlayer_lowered:
.L_overlay_start_2:
0x1b7: {  	(tag) =	ssettag $0x2  }
0x1b8: {  	s0 =	rddreg [dreg:$0x0];
	s2 =	stileid.u32  }
0x1b9: {  	s1 =	rddreg [dreg:$0x1];
	p0 =	sne.s32 s2, $0x0  }
0x1ba: {  	s3 =	rddreg [dreg:$0x2];
	[bflag:$0x3] =	sbarrier.arrive $0xFFFF;
	s2 =	simm.s32 @!p0 $0x1C07  }
0x1bb: {  	[timem:s3], [sflag:s2] =	dma.local @!p0 [hbm:s0], s1  }
0x1bc: {  	s0 =	simm.s32 @!p0 $0x7  }
0x1bd: {  	_ =	swait.ge @!p0 [sflag:s0], s1  }
0x1be: {  	s1 =	ssub.s32 @!p0 $0x0, s1;
	[sflag:s0] =	ssyncset.done @!p0 $0x0  }
0x1bf: {  	[sflag:s0] =	ssyncadd.s32 @!p0 s1  }
0x1c0: {  	[bflag:$0x3] =	sbarrier.arrive $0xFFFF  }
0x1c1: {  	_ =	shalt  }

</sc_bundles>
